<compile_context>
chip_gen: v7x
topology: tpu7x:2x2x1
jax: 0.10.2.dev20260603
libtpu: 0.0.44.dev20260713+nightly
codegen_flags: <defaults>
</compile_context>

<pallas_src>
import functools

import jax
import jax.numpy as jnp
from jax import lax
from jax.experimental import pallas as pl
from jax.experimental.pallas import tpu as pltpu
from jax.experimental.pallas import tpu_sc as plsc

N = 10000
E = 320000
D = 128

NC = 2
NS = 16
NW = NC * NS
EW = E // NW
CH = 80
NCH = EW // CH

ROWA = 624
REM_BASE = ROWA * NS
REM = N - REM_BASE


def _slab(s):
    return pl.multiple_of(s * ROWA, 8)

def _mesh():
    return plsc.VectorSubcoreMesh(core_axis_name="c", subcore_axis_name="s",
                                  num_cores=NC, num_subcores=NS)


HW = 128


def _hist_body(dst_hbm, ones_hbm, zeros_hbm, out_hbm, dst_all, ones_v, acc_sh):
    c = lax.axis_index("c")
    s = lax.axis_index("s")
    wid = s * NC + c
    pltpu.sync_copy(ones_hbm, ones_v)
    pltpu.sync_copy(dst_hbm.at[wid], dst_all)
    b = _slab(s)
    pltpu.sync_copy(zeros_hbm.at[pl.ds(b, ROWA)], acc_sh.at[pl.ds(b, ROWA)])

    @pl.when(s == NS - 1)
    def _():
        pltpu.sync_copy(zeros_hbm.at[pl.ds(REM_BASE, REM)],
                        acc_sh.at[pl.ds(REM_BASE, REM)])

    plsc.subcore_barrier()

    def body(k, carry):
        pltpu.sync_copy(ones_v, acc_sh.at[dst_all.at[k]], add=True)
        return carry

    lax.fori_loop(0, NCH, body, 0)
    plsc.subcore_barrier()
    pltpu.sync_copy(acc_sh.at[pl.ds(b, ROWA)], out_hbm.at[c, pl.ds(b, ROWA)])

    @pl.when(s == NS - 1)
    def _():
        pltpu.sync_copy(acc_sh.at[pl.ds(REM_BASE, REM)],
                        out_hbm.at[c, pl.ds(REM_BASE, REM)])


@functools.lru_cache(maxsize=None)
def _hist_kernel():
    return pl.kernel(
        _hist_body,
        out_type=jax.ShapeDtypeStruct((NC, N, HW), jnp.float32),
        mesh=_mesh(),
        scratch_types=[
            pltpu.VMEM((NCH, CH), jnp.int32),
            pltpu.VMEM((CH, HW), jnp.float32),
            pltpu.VMEM_SHARED((N, HW), jnp.float32),
        ],
    )


NBUF = 2
NG = NCH // NBUF


def _spmm_body(g_hbm, src_hbm, dst_hbm, zeros_hbm, out_hbm, src_all, dst_all,
               rows, acc_sh, *sems):
    c = lax.axis_index("c")
    s = lax.axis_index("s")
    wid = s * NC + c
    b = _slab(s)
    ebase = pl.multiple_of(wid * EW, 8)
    pltpu.sync_copy(src_hbm.at[pl.ds(ebase, EW)], src_all)
    pltpu.sync_copy(dst_hbm.at[wid], dst_all)
    pltpu.sync_copy(zeros_hbm.at[pl.ds(b, ROWA)], acc_sh.at[pl.ds(b, ROWA)])

    @pl.when(s == NS - 1)
    def _():
        pltpu.sync_copy(zeros_hbm.at[pl.ds(REM_BASE, REM)],
                        acc_sh.at[pl.ds(REM_BASE, REM)])

    plsc.subcore_barrier()

    gsems = sems[:NBUF]
    ssems = sems[NBUF:]

    def fire_g(buf, k):
        pltpu.async_copy(g_hbm.at[src_all.at[pl.ds(k * CH, CH)]], rows.at[buf],
                         gsems[buf])

    def wait_g(buf):
        pltpu.make_async_copy(g_hbm.at[pl.ds(0, CH)], rows.at[buf],
                              gsems[buf]).wait()

    def fire_s(buf, k):
        pltpu.async_copy(rows.at[buf], acc_sh.at[dst_all.at[k]], ssems[buf],
                         add=True)

    def wait_s(buf):
        pltpu.make_async_copy(rows.at[buf], acc_sh.at[dst_all.at[0]],
                              ssems[buf]).wait()

    def slot(k, buf, prev_buf):
        @pl.when(k >= 1)
        def _():
            wait_s(prev_buf)

        @pl.when(k + 1 < NCH)
        def _():
            fire_g(prev_buf, k + 1)

        wait_g(buf)
        fire_s(buf, k)

    fire_g(0, 0)

    def body(gidx, carry):
        for j in range(NBUF):
            slot(gidx * NBUF + j, j, 1 - j)
        return carry

    lax.fori_loop(0, NG, body, 0)
    for k in range(NG * NBUF, NCH):
        slot(k, k % NBUF, 1 - (k % NBUF))
    wait_s((NCH - 1) % NBUF)

    plsc.subcore_barrier()
    pltpu.sync_copy(acc_sh.at[pl.ds(b, ROWA)], out_hbm.at[c, pl.ds(b, ROWA)])

    @pl.when(s == NS - 1)
    def _():
        pltpu.sync_copy(acc_sh.at[pl.ds(REM_BASE, REM)],
                        out_hbm.at[c, pl.ds(REM_BASE, REM)])


@functools.lru_cache(maxsize=None)
def _spmm_kernel():
    return pl.kernel(
        _spmm_body,
        out_type=jax.ShapeDtypeStruct((NC, N, D), jnp.float32),
        mesh=_mesh(),
        scratch_types=[
            pltpu.VMEM((EW,), jnp.int32),
            pltpu.VMEM((NCH, CH), jnp.int32),
            pltpu.VMEM((NBUF, CH, D), jnp.float32),
            pltpu.VMEM_SHARED((N, D), jnp.float32),
        ] + [pltpu.SemaphoreType.DMA] * (2 * NBUF),
    )


R = 1000
G = N // R

_row = pl.BlockSpec((R, D), lambda i: (i, 0))
_col = pl.BlockSpec((R, 1), lambda i: (i, 0))
_mat = pl.BlockSpec((D, D), lambda i: (0, 0))
_vec = pl.BlockSpec((1, D), lambda i: (0, 0))
_f32 = jnp.float32


def _ln_relu(h, gamma, beta):
    mu = jnp.mean(h, axis=-1, keepdims=True)
    var = jnp.mean((h - mu) ** 2, axis=-1, keepdims=True)
    t = (h - mu) * lax.rsqrt(var + 1e-5) * gamma + beta
    return jnp.maximum(t, 0.0)


def _d0_body(x_ref, we_ref, be_ref, w0_ref, deg_ref, g_ref):
    h = jnp.dot(x_ref[...], we_ref[...], preferred_element_type=_f32) + be_ref[...]
    hw = jnp.dot(h, w0_ref[...], preferred_element_type=_f32)
    g_ref[...] = hw * lax.rsqrt(deg_ref[...])


_d0 = pl.pallas_call(
    _d0_body,
    grid=(G,),
    in_specs=[_row, _mat, _vec, _mat, _col],
    out_specs=_row,
    out_shape=jax.ShapeDtypeStruct((N, D), _f32),
)


def _dmid_body(with_res, h_ref, g_ref, p0_ref, p1_ref, b_ref, ga_ref, be_ref,
               w_ref, deg_ref, hn_ref, gn_ref):
    dis = lax.rsqrt(deg_ref[...])
    h = dis * (p0_ref[...] + p1_ref[...] + g_ref[...]) + b_ref[...]
    if with_res:
        h = h + h_ref[...]
    t = _ln_relu(h, ga_ref[...], be_ref[...])
    hn_ref[...] = h
    gn_ref[...] = dis * jnp.dot(t, w_ref[...], preferred_element_type=_f32)


def _make_dmid(with_res):
    return pl.pallas_call(
        functools.partial(_dmid_body, with_res),
        grid=(G,),
        in_specs=[_row, _row, _row, _row, _vec, _vec, _vec, _mat, _col],
        out_specs=[_row, _row],
        out_shape=[jax.ShapeDtypeStruct((N, D), _f32),
                   jax.ShapeDtypeStruct((N, D), _f32)],
    )


_dmid_nores = _make_dmid(False)
_dmid_res = _make_dmid(True)


def _dlast_body(h_ref, g_ref, p0_ref, p1_ref, b_ref, ga_ref, be_ref, deg_ref,
                out_ref):
    dis = lax.rsqrt(deg_ref[...])
    h = h_ref[...] + dis * (p0_ref[...] + p1_ref[...] + g_ref[...]) + b_ref[...]
    out_ref[...] = _ln_relu(h, ga_ref[...], be_ref[...])


_dlast = pl.pallas_call(
    _dlast_body,
    grid=(G,),
    in_specs=[_row, _row, _row, _row, _vec, _vec, _vec, _col],
    out_specs=_row,
    out_shape=jax.ShapeDtypeStruct((N, D), _f32),
)


def kernel(x, edge_index, W_enc, b_enc, W_convs, b_convs, gammas, betas):
    src = edge_index[0]
    dst = edge_index[1].reshape(NW, NCH, CH)
    zeros_nd = jnp.zeros((N, D), _f32)
    ones_ch = jnp.ones((CH, HW), _f32)

    b2 = lambda v: v.reshape(1, D)

    hist = _hist_kernel()(dst, ones_ch, zeros_nd)
    deg = hist[0, :, :1] + hist[1, :, :1] + 1.0

    g = _d0(x, W_enc, b2(b_enc), W_convs[0], deg)
    P = _spmm_kernel()(g, src, dst, zeros_nd)
    h = None
    for i in range(1, 4):
        dm = _dmid_nores if i == 1 else _dmid_res
        args = (g, P[0], P[1], b2(b_convs[i - 1]), b2(gammas[i]),
                b2(betas[i]), W_convs[i], deg)
        if i == 1:
            h, g = dm(g * 0.0, *args)
        else:
            h, g = dm(h, *args)
        P = _spmm_kernel()(g, src, dst, zeros_nd)
    return _dlast(h, g, P[0], P[1], b2(b_convs[3]), b2(gammas[0]),
                  b2(betas[0]), deg)

# --- scband reference (transcript-rebuilt; emitter-appended) ---
"""Pipeline reference for scband-deeper-gcn-89919435309456 (READ-ONLY COPY).

The authoritative reference and input builder live on the scoring server;
editing this copy changes nothing except your own understanding.
"""

import jax, jax.numpy as jnp
import numpy as np

N = 10000
E = 320000
D = 128
L = 4


def setup_inputs(seed: int = 0) -> dict:
    key = jax.random.key(seed)
    ks = jax.random.split(key, 12)
    x = jax.random.normal(ks[0], (N, D), dtype=jnp.float32)
    edge_index = jax.random.randint(ks[1], (2, E), 0, N, dtype=jnp.int32)
    s = 1.0 / np.sqrt(D)
    W_enc = jax.random.uniform(ks[2], (D, D), jnp.float32, -s, s)
    b_enc = jax.random.uniform(ks[3], (D,), jnp.float32, -s, s)
    W_convs = jax.random.uniform(ks[4], (L, D, D), jnp.float32, -s, s)
    b_convs = jnp.zeros((L, D), dtype=jnp.float32)
    gammas = jnp.ones((L, D), dtype=jnp.float32)
    betas = jnp.zeros((L, D), dtype=jnp.float32)
    return {"x": x, "edge_index": edge_index, "W_enc": W_enc, "b_enc": b_enc,
            "W_convs": W_convs, "b_convs": b_convs, "gammas": gammas, "betas": betas}


def _layer_norm(h, g, b):
    mu = jnp.mean(h, axis=-1, keepdims=True)
    var = jnp.mean((h - mu) ** 2, axis=-1, keepdims=True)
    return (h - mu) / jnp.sqrt(var + 1e-5) * g + b


def reference(x, edge_index, W_enc, b_enc, W_convs, b_convs, gammas, betas):
    src = edge_index[0]
    dst = edge_index[1]
    loop = jnp.arange(N, dtype=edge_index.dtype)
    src_f = jnp.concatenate([src, loop])
    dst_f = jnp.concatenate([dst, loop])
    deg = jax.ops.segment_sum(jnp.ones_like(dst_f, dtype=jnp.float32), dst_f, num_segments=N)
    dis = jnp.where(deg > 0, 1.0 / jnp.sqrt(deg), 0.0)
    norm = dis[src_f] * dis[dst_f]

    def conv(h, W, b):
        h = h @ W
        msg = h[src_f] * norm[:, None]
        return jax.ops.segment_sum(msg, dst_f, num_segments=N) + b

    # node encoder
    h = x @ W_enc + b_enc
    # first layer: conv only (per DeeperGCN forward)
    h = conv(h, W_convs[0], b_convs[0])
    # remaining layers: res+ block (norm -> act -> dropout(eval=identity) -> conv -> +res)
    for i in range(1, L):
        r = h
        t = _layer_norm(h, gammas[i], betas[i])
        t = jax.nn.relu(t)
        t = conv(t, W_convs[i], b_convs[i])
        h = t + r
    # final: layers[0].act(layers[0].norm(x)); dropout in eval mode = identity
    h = jax.nn.relu(_layer_norm(h, gammas[0], betas[0]))
    return h

if __name__ == "__main__":
    import jax
    _d = setup_inputs()
    print(jax.jit(kernel)(*tuple(_d.values())))

</pallas_src>

<mosaic_0001>
#map = affine_map<(d0, d1) -> (0, 0)>
#map1 = affine_map<(d0, d1) -> (0)>
#map2 = affine_map<(d0, d1) -> (0, 0, 0)>
module attributes {stable_mosaic.version = 14 : i64} {
  func.func @_spmm_body(%arg0: i32, %arg1: i32, %arg2: memref<10000x128xf32, #tpu.memory_space<hbm>>, %arg3: memref<320000xi32, #tpu.memory_space<hbm>>, %arg4: memref<32x125x80xi32, #tpu.memory_space<hbm>>, %arg5: memref<10000x128xf32, #tpu.memory_space<hbm>>, %arg6: memref<2x10000x128xf32, #tpu.memory_space<hbm>>, %arg7: memref<10000xi32, #tpu.memory_space<vmem>>, %arg8: memref<125x80xi32, #tpu.memory_space<vmem>>, %arg9: memref<2x80x128xf32, #tpu.memory_space<vmem>>, %arg10: memref<10000x128xf32, #tpu.memory_space<vmem_shared>>, %arg11: memref<!tpu.dma_semaphore, #tpu.memory_space<semaphore_mem>>, %arg12: memref<!tpu.dma_semaphore, #tpu.memory_space<semaphore_mem>>, %arg13: memref<!tpu.dma_semaphore, #tpu.memory_space<semaphore_mem>>, %arg14: memref<!tpu.dma_semaphore, #tpu.memory_space<semaphore_mem>>) attributes {dimension_semantics = [#tpu.dimension_semantics<core_parallel>, #tpu.dimension_semantics<subcore_parallel>], iteration_bounds = array<i64: 2, 16>, scalar_prefetch = 0 : i64, scratch_operands = 8 : i64, tpu.core_type = #tpu.core_type<sc_vector_subcore>, window_params = [{transform_indices = #map}, {transform_indices = #map1}, {transform_indices = #map2}, {transform_indices = #map}, {transform_indices = #map2}]} {
    %mul3A = arith.constant 2 : i32
    %mul3A_0 = arith.muli %arg1, %mul3A : i32
    %add3A = arith.addi %mul3A_0, %arg0 : i32
    %mul3A_1 = arith.constant 624 : i32
    %mul3A_2 = arith.muli %arg1, %mul3A_1 : i32
    %multiple_of3A = tpu.assume_multiple %mul3A_2, 8 : i32
    %mul3A_3 = arith.constant 10000 : i32
    %mul3A_4 = arith.muli %add3A, %mul3A_3 : i32
    %multiple_of3A_5 = tpu.assume_multiple %mul3A_4, 8 : i32
    "tpu.region"() ({
      %run_scoped3A = tpu.sem_alloc : memref<!tpu.dma_semaphore, #tpu.memory_space<semaphore_mem>>
      %dma_start3A_78 = tpu.memref_slice %arg3[%multiple_of3A_5] : memref<320000xi32, #tpu.memory_space<hbm>> -> memref<10000xi32, #tpu.memory_space<hbm>>
      %dma_start3A_79 = tpu.memref_slice %arg3[%multiple_of3A_5] : memref<320000xi32, #tpu.memory_space<hbm>> -> memref<10000xi32, #tpu.memory_space<hbm>>
      tpu.enqueue_dma source(%dma_start3A_79 : memref<10000xi32, #tpu.memory_space<hbm>>) target(%arg7 : memref<10000xi32, #tpu.memory_space<vmem>>) target_semaphore(%run_scoped3A : memref<!tpu.dma_semaphore, #tpu.memory_space<semaphore_mem>>)
      %dma_wait3A_80 = tpu.memref_slice %arg3[%multiple_of3A_5] : memref<320000xi32, #tpu.memory_space<hbm>> -> memref<10000xi32, #tpu.memory_space<hbm>>
      %dma_wait3A_81 = tpu.memref_slice %arg3[%multiple_of3A_5] : memref<320000xi32, #tpu.memory_space<hbm>> -> memref<10000xi32, #tpu.memory_space<hbm>>
      tpu.wait_dma2 semaphore(%run_scoped3A : memref<!tpu.dma_semaphore, #tpu.memory_space<semaphore_mem>>) src(%dma_wait3A_81 : memref<10000xi32, #tpu.memory_space<hbm>>) dst(%arg7 : memref<10000xi32, #tpu.memory_space<vmem>>)
      tpu.yield
    }) : () -> ()
    "tpu.region"() ({
      %run_scoped3A = tpu.sem_alloc : memref<!tpu.dma_semaphore, #tpu.memory_space<semaphore_mem>>
      %dma_start3A_78 = arith.constant 0 : i32
      %dma_start3A_79 = arith.constant 0 : i32
      %dma_start3A_80 = tpu.memref_slice %arg4[%add3A, %dma_start3A_78, %dma_start3A_79] : memref<32x125x80xi32, #tpu.memory_space<hbm>> -> memref<1x125x80xi32, #tpu.memory_space<hbm>>
      %dma_start3A_81 = tpu.memref_squeeze %dma_start3A_80 : memref<1x125x80xi32, #tpu.memory_space<hbm>> -> memref<125x80xi32, #tpu.memory_space<hbm>>
      %dma_start3A_82 = arith.constant 0 : i32
      %dma_start3A_83 = arith.constant 0 : i32
      %dma_start3A_84 = tpu.memref_slice %arg4[%add3A, %dma_start3A_82, %dma_start3A_83] : memref<32x125x80xi32, #tpu.memory_space<hbm>> -> memref<1x125x80xi32, #tpu.memory_space<hbm>>
      %dma_start3A_85 = tpu.memref_squeeze %dma_start3A_84 : memref<1x125x80xi32, #tpu.memory_space<hbm>> -> memref<125x80xi32, #tpu.memory_space<hbm>>
      tpu.enqueue_dma source(%dma_start3A_85 : memref<125x80xi32, #tpu.memory_space<hbm>>) target(%arg8 : memref<125x80xi32, #tpu.memory_space<vmem>>) target_semaphore(%run_scoped3A : memref<!tpu.dma_semaphore, #tpu.memory_space<semaphore_mem>>)
      %dma_wait3A_86 = arith.constant 0 : i32
      %dma_wait3A_87 = arith.constant 0 : i32
      %dma_wait3A_88 = tpu.memref_slice %arg4[%add3A, %dma_wait3A_86, %dma_wait3A_87] : memref<32x125x80xi32, #tpu.memory_space<hbm>> -> memref<1x125x80xi32, #tpu.memory_space<hbm>>
      %dma_wait3A_89 = tpu.memref_squeeze %dma_wait3A_88 : memref<1x125x80xi32, #tpu.memory_space<hbm>> -> memref<125x80xi32, #tpu.memory_space<hbm>>
      %dma_wait3A_90 = arith.constant 0 : i32
      %dma_wait3A_91 = arith.constant 0 : i32
      %dma_wait3A_92 = tpu.memref_slice %arg4[%add3A, %dma_wait3A_90, %dma_wait3A_91] : memref<32x125x80xi32, #tpu.memory_space<hbm>> -> memref<1x125x80xi32, #tpu.memory_space<hbm>>
      %dma_wait3A_93 = tpu.memref_squeeze %dma_wait3A_92 : memref<1x125x80xi32, #tpu.memory_space<hbm>> -> memref<125x80xi32, #tpu.memory_space<hbm>>
      tpu.wait_dma2 semaphore(%run_scoped3A : memref<!tpu.dma_semaphore, #tpu.memory_space<semaphore_mem>>) src(%dma_wait3A_93 : memref<125x80xi32, #tpu.memory_space<hbm>>) dst(%arg8 : memref<125x80xi32, #tpu.memory_space<vmem>>)
      tpu.yield
    }) : () -> ()
    "tpu.region"() ({
      %run_scoped3A = tpu.sem_alloc : memref<!tpu.dma_semaphore, #tpu.memory_space<semaphore_mem>>
      %dma_start3A_78 = arith.constant 0 : i32
      %dma_start3A_79 = tpu.memref_slice %arg10[%multiple_of3A, %dma_start3A_78] : memref<10000x128xf32, #tpu.memory_space<vmem_shared>> -> memref<624x128xf32, #tpu.memory_space<vmem_shared>>
      %dma_start3A_80 = arith.constant 0 : i32
      %dma_start3A_81 = tpu.memref_slice %arg5[%multiple_of3A, %dma_start3A_80] : memref<10000x128xf32, #tpu.memory_space<hbm>> -> memref<624x128xf32, #tpu.memory_space<hbm>>
      tpu.enqueue_dma source(%dma_start3A_81 : memref<624x128xf32, #tpu.memory_space<hbm>>) target(%dma_start3A_79 : memref<624x128xf32, #tpu.memory_space<vmem_shared>>) target_semaphore(%run_scoped3A : memref<!tpu.dma_semaphore, #tpu.memory_space<semaphore_mem>>)
      %dma_wait3A_82 = arith.constant 0 : i32
      %dma_wait3A_83 = tpu.memref_slice %arg10[%multiple_of3A, %dma_wait3A_82] : memref<10000x128xf32, #tpu.memory_space<vmem_shared>> -> memref<624x128xf32, #tpu.memory_space<vmem_shared>>
      %dma_wait3A_84 = arith.constant 0 : i32
      %dma_wait3A_85 = tpu.memref_slice %arg5[%multiple_of3A, %dma_wait3A_84] : memref<10000x128xf32, #tpu.memory_space<hbm>> -> memref<624x128xf32, #tpu.memory_space<hbm>>
      tpu.wait_dma2 semaphore(%run_scoped3A : memref<!tpu.dma_semaphore, #tpu.memory_space<semaphore_mem>>) src(%dma_wait3A_85 : memref<624x128xf32, #tpu.memory_space<hbm>>) dst(%dma_wait3A_83 : memref<624x128xf32, #tpu.memory_space<vmem_shared>>)
      tpu.yield
    }) : () -> ()
    %eq3A = arith.constant 15 : i32
    %eq3A_6 = arith.cmpi eq, %arg1, %eq3A : i32
    %convert_element_type3A = arith.extui %eq3A_6 : i1 to i32
    %cond3A = arith.constant 0 : i32
    %cond3A_7 = arith.cmpi ne, %convert_element_type3A, %cond3A : i32
    scf.if %cond3A_7 {
      "tpu.region"() ({
        %run_scoped3A = tpu.sem_alloc : memref<!tpu.dma_semaphore, #tpu.memory_space<semaphore_mem>>
        %dma_start3A_78 = arith.constant 9984 : i32
        %dma_start3A_79 = arith.constant 0 : i32
        %dma_start3A_80 = tpu.memref_slice %arg10[%dma_start3A_78, %dma_start3A_79] : memref<10000x128xf32, #tpu.memory_space<vmem_shared>> -> memref<16x128xf32, #tpu.memory_space<vmem_shared>>
        %dma_start3A_81 = arith.constant 9984 : i32
        %dma_start3A_82 = arith.constant 0 : i32
        %dma_start3A_83 = tpu.memref_slice %arg5[%dma_start3A_81, %dma_start3A_82] : memref<10000x128xf32, #tpu.memory_space<hbm>> -> memref<16x128xf32, #tpu.memory_space<hbm>>
        tpu.enqueue_dma source(%dma_start3A_83 : memref<16x128xf32, #tpu.memory_space<hbm>>) target(%dma_start3A_80 : memref<16x128xf32, #tpu.memory_space<vmem_shared>>) target_semaphore(%run_scoped3A : memref<!tpu.dma_semaphore, #tpu.memory_space<semaphore_mem>>)
        %dma_wait3A_84 = arith.constant 9984 : i32
        %dma_wait3A_85 = arith.constant 0 : i32
        %dma_wait3A_86 = tpu.memref_slice %arg10[%dma_wait3A_84, %dma_wait3A_85] : memref<10000x128xf32, #tpu.memory_space<vmem_shared>> -> memref<16x128xf32, #tpu.memory_space<vmem_shared>>
        %dma_wait3A_87 = arith.constant 9984 : i32
        %dma_wait3A_88 = arith.constant 0 : i32
        %dma_wait3A_89 = tpu.memref_slice %arg5[%dma_wait3A_87, %dma_wait3A_88] : memref<10000x128xf32, #tpu.memory_space<hbm>> -> memref<16x128xf32, #tpu.memory_space<hbm>>
        tpu.wait_dma2 semaphore(%run_scoped3A : memref<!tpu.dma_semaphore, #tpu.memory_space<semaphore_mem>>) src(%dma_wait3A_89 : memref<16x128xf32, #tpu.memory_space<hbm>>) dst(%dma_wait3A_86 : memref<16x128xf32, #tpu.memory_space<vmem_shared>>)
        tpu.yield
      }) : () -> ()
    } else {
    }
    %barrier3A = arith.constant 0 : index
    tpu.barrier barrier_id(%barrier3A)
    %dma_start3A = arith.constant 0 : i32
    %dma_start3A_8 = arith.constant 0 : i32
    %dma_start3A_9 = arith.constant 0 : i32
    %dma_start3A_10 = tpu.memref_slice %arg9[%dma_start3A, %dma_start3A_8, %dma_start3A_9] : memref<2x80x128xf32, #tpu.memory_space<vmem>> -> memref<1x80x128xf32, #tpu.memory_space<vmem>>
    %dma_start3A_11 = tpu.memref_squeeze %dma_start3A_10 : memref<1x80x128xf32, #tpu.memory_space<vmem>> -> memref<80x128xf32, #tpu.memory_space<vmem>>
    %dma_start3A_12 = arith.constant 0 : i32
    %dma_start3A_13 = tpu.memref_slice %arg7[%dma_start3A_12] : memref<10000xi32, #tpu.memory_space<vmem>> -> memref<80xi32, #tpu.memory_space<vmem>>
    %dma_start3A_14 = arith.constant 0 : i32
    %dma_start3A_15 = arith.constant 0 : i32
    %dma_start3A_16 = tpu.memref_slice %arg2[%dma_start3A_14, %dma_start3A_15] : memref<10000x128xf32, #tpu.memory_space<hbm>> -> memref<10000x128xf32, #tpu.memory_space<hbm>>
    tpu.enqueue_indirect_dma source(%dma_start3A_16 : memref<10000x128xf32, #tpu.memory_space<hbm>>) target(%dma_start3A_11 : memref<80x128xf32, #tpu.memory_space<vmem>>) offsets(%dma_start3A_13 : memref<80xi32, #tpu.memory_space<vmem>>) semaphore(%arg11 : memref<!tpu.dma_semaphore, #tpu.memory_space<semaphore_mem>>)
    %scan3A = arith.constant 0 : i32
    %scan3A_17 = arith.constant 0 : i32
    %scan3A_18 = arith.constant 62 : i32
    %scan3A_19 = arith.addi %scan3A_17, %scan3A_18 : i32
    %scan3A_20 = arith.constant 1 : i32
    scf.for %scan3A_78 = %scan3A_17 to %scan3A_19 step %scan3A_20  : i32 {
      %mul3A_79 = arith.constant 2 : i32
      %mul3A_80 = arith.muli %scan3A_78, %mul3A_79 : i32
      %add3A_81 = arith.constant 0 : i32
      %add3A_82 = arith.addi %mul3A_80, %add3A_81 : i32
      %ge3A = arith.constant 1 : i32
      %ge3A_83 = arith.cmpi sge, %add3A_82, %ge3A : i32
      %convert_element_type3A_84 = arith.extui %ge3A_83 : i1 to i32
      %cond3A_85 = arith.constant 0 : i32
      %cond3A_86 = arith.cmpi ne, %convert_element_type3A_84, %cond3A_85 : i32
      scf.if %cond3A_86 {
        %dma_wait3A_161 = arith.constant 1 : i32
        %dma_wait3A_162 = arith.constant 0 : i32
        %dma_wait3A_163 = arith.constant 0 : i32
        %dma_wait3A_164 = arith.constant 0 : i32
        %dma_wait3A_165 = tpu.memref_slice %arg9[%dma_wait3A_161, %dma_wait3A_163, %dma_wait3A_164] : memref<2x80x128xf32, #tpu.memory_space<vmem>> -> memref<1x80x128xf32, #tpu.memory_space<vmem>>
        %dma_wait3A_166 = tpu.memref_squeeze %dma_wait3A_165 : memref<1x80x128xf32, #tpu.memory_space<vmem>> -> memref<80x128xf32, #tpu.memory_space<vmem>>
        %dma_wait3A_167 = arith.constant 0 : i32
        %dma_wait3A_168 = tpu.memref_slice %arg8[%dma_wait3A_162, %dma_wait3A_167] : memref<125x80xi32, #tpu.memory_space<vmem>> -> memref<1x80xi32, #tpu.memory_space<vmem>>
        %dma_wait3A_169 = tpu.memref_squeeze %dma_wait3A_168 : memref<1x80xi32, #tpu.memory_space<vmem>> -> memref<80xi32, #tpu.memory_space<vmem>>
        %dma_wait3A_170 = arith.constant 0 : i32
        %dma_wait3A_171 = arith.constant 0 : i32
        %dma_wait3A_172 = tpu.memref_slice %arg10[%dma_wait3A_170, %dma_wait3A_171] : memref<10000x128xf32, #tpu.memory_space<vmem_shared>> -> memref<10000x128xf32, #tpu.memory_space<vmem_shared>>
        tpu.wait_indirect_dma semaphore(%arg14 : memref<!tpu.dma_semaphore, #tpu.memory_space<semaphore_mem>>) src(%dma_wait3A_166 : memref<80x128xf32, #tpu.memory_space<vmem>>) dst(%dma_wait3A_172 : memref<10000x128xf32, #tpu.memory_space<vmem_shared>>)
      } else {
      }
      %add3A_87 = arith.constant 1 : i32
      %add3A_88 = arith.addi %add3A_82, %add3A_87 : i32
      %lt3A = arith.constant 125 : i32
      %lt3A_89 = arith.cmpi slt, %add3A_88, %lt3A : i32
      %convert_element_type3A_90 = arith.extui %lt3A_89 : i1 to i32
      %cond3A_91 = arith.constant 0 : i32
      %cond3A_92 = arith.cmpi ne, %convert_element_type3A_90, %cond3A_91 : i32
      scf.if %cond3A_92 {
        %add3A_161 = arith.constant 1 : i32
        %add3A_162 = arith.addi %add3A_82, %add3A_161 : i32
        %mul3A_163 = arith.constant 80 : i32
        %mul3A_164 = arith.muli %add3A_162, %mul3A_163 : i32
        %dma_start3A_165 = arith.constant 1 : i32
        %dma_start3A_166 = arith.constant 0 : i32
        %dma_start3A_167 = arith.constant 0 : i32
        %dma_start3A_168 = tpu.memref_slice %arg9[%dma_start3A_165, %dma_start3A_166, %dma_start3A_167] : memref<2x80x128xf32, #tpu.memory_space<vmem>> -> memref<1x80x128xf32, #tpu.memory_space<vmem>>
        %dma_start3A_169 = tpu.memref_squeeze %dma_start3A_168 : memref<1x80x128xf32, #tpu.memory_space<vmem>> -> memref<80x128xf32, #tpu.memory_space<vmem>>
        %dma_start3A_170 = tpu.memref_slice %arg7[%mul3A_164] : memref<10000xi32, #tpu.memory_space<vmem>> -> memref<80xi32, #tpu.memory_space<vmem>>
        %dma_start3A_171 = arith.constant 0 : i32
        %dma_start3A_172 = arith.constant 0 : i32
        %dma_start3A_173 = tpu.memref_slice %arg2[%dma_start3A_171, %dma_start3A_172] : memref<10000x128xf32, #tpu.memory_space<hbm>> -> memref<10000x128xf32, #tpu.memory_space<hbm>>
        tpu.enqueue_indirect_dma source(%dma_start3A_173 : memref<10000x128xf32, #tpu.memory_space<hbm>>) target(%dma_start3A_169 : memref<80x128xf32, #tpu.memory_space<vmem>>) offsets(%dma_start3A_170 : memref<80xi32, #tpu.memory_space<vmem>>) semaphore(%arg12 : memref<!tpu.dma_semaphore, #tpu.memory_space<semaphore_mem>>)
      } else {
      }
      %dma_wait3A_93 = arith.constant 0 : i32
      %dma_wait3A_94 = arith.constant 0 : i32
      %dma_wait3A_95 = arith.constant 0 : i32
      %dma_wait3A_96 = tpu.memref_slice %arg9[%dma_wait3A_93, %dma_wait3A_94, %dma_wait3A_95] : memref<2x80x128xf32, #tpu.memory_space<vmem>> -> memref<1x80x128xf32, #tpu.memory_space<vmem>>
      %dma_wait3A_97 = tpu.memref_squeeze %dma_wait3A_96 : memref<1x80x128xf32, #tpu.memory_space<vmem>> -> memref<80x128xf32, #tpu.memory_space<vmem>>
      %dma_wait3A_98 = arith.constant 0 : i32
      %dma_wait3A_99 = arith.constant 0 : i32
      %dma_wait3A_100 = tpu.memref_slice %arg2[%dma_wait3A_98, %dma_wait3A_99] : memref<10000x128xf32, #tpu.memory_space<hbm>> -> memref<80x128xf32, #tpu.memory_space<hbm>>
      %dma_wait3A_101 = arith.constant 0 : i32
      %dma_wait3A_102 = arith.constant 0 : i32
      %dma_wait3A_103 = tpu.memref_slice %arg9[%dma_wait3A_93, %dma_wait3A_101, %dma_wait3A_102] : memref<2x80x128xf32, #tpu.memory_space<vmem>> -> memref<1x80x128xf32, #tpu.memory_space<vmem>>
      %dma_wait3A_104 = tpu.memref_squeeze %dma_wait3A_103 : memref<1x80x128xf32, #tpu.memory_space<vmem>> -> memref<80x128xf32, #tpu.memory_space<vmem>>
      %dma_wait3A_105 = arith.constant 0 : i32
      %dma_wait3A_106 = arith.constant 0 : i32
      %dma_wait3A_107 = tpu.memref_slice %arg2[%dma_wait3A_105, %dma_wait3A_106] : memref<10000x128xf32, #tpu.memory_space<hbm>> -> memref<80x128xf32, #tpu.memory_space<hbm>>
      tpu.wait_dma2 semaphore(%arg11 : memref<!tpu.dma_semaphore, #tpu.memory_space<semaphore_mem>>) src(%dma_wait3A_107 : memref<80x128xf32, #tpu.memory_space<hbm>>) dst(%dma_wait3A_104 : memref<80x128xf32, #tpu.memory_space<vmem>>)
      %dma_start3A_108 = arith.constant 0 : i32
      %dma_start3A_109 = arith.constant 0 : i32
      %dma_start3A_110 = arith.constant 0 : i32
      %dma_start3A_111 = tpu.memref_slice %arg9[%dma_start3A_108, %dma_start3A_109, %dma_start3A_110] : memref<2x80x128xf32, #tpu.memory_space<vmem>> -> memref<1x80x128xf32, #tpu.memory_space<vmem>>
      %dma_start3A_112 = tpu.memref_squeeze %dma_start3A_111 : memref<1x80x128xf32, #tpu.memory_space<vmem>> -> memref<80x128xf32, #tpu.memory_space<vmem>>
      %dma_start3A_113 = arith.constant 0 : i32
      %dma_start3A_114 = tpu.memref_slice %arg8[%add3A_82, %dma_start3A_113] : memref<125x80xi32, #tpu.memory_space<vmem>> -> memref<1x80xi32, #tpu.memory_space<vmem>>
      %dma_start3A_115 = tpu.memref_squeeze %dma_start3A_114 : memref<1x80xi32, #tpu.memory_space<vmem>> -> memref<80xi32, #tpu.memory_space<vmem>>
      %dma_start3A_116 = arith.constant 0 : i32
      %dma_start3A_117 = arith.constant 0 : i32
      %dma_start3A_118 = tpu.memref_slice %arg10[%dma_start3A_116, %dma_start3A_117] : memref<10000x128xf32, #tpu.memory_space<vmem_shared>> -> memref<10000x128xf32, #tpu.memory_space<vmem_shared>>
      tpu.enqueue_indirect_dma source(%dma_start3A_112 : memref<80x128xf32, #tpu.memory_space<vmem>>) target(%dma_start3A_118 : memref<10000x128xf32, #tpu.memory_space<vmem_shared>>) offsets(%dma_start3A_115 : memref<80xi32, #tpu.memory_space<vmem>>) semaphore(%arg13 : memref<!tpu.dma_semaphore, #tpu.memory_space<semaphore_mem>>) {add = true}
      %mul3A_119 = arith.constant 2 : i32
      %mul3A_120 = arith.muli %scan3A_78, %mul3A_119 : i32
      %add3A_121 = arith.constant 1 : i32
      %add3A_122 = arith.addi %mul3A_120, %add3A_121 : i32
      %ge3A_123 = arith.constant 1 : i32
      %ge3A_124 = arith.cmpi sge, %add3A_122, %ge3A_123 : i32
      %convert_element_type3A_125 = arith.extui %ge3A_124 : i1 to i32
      %cond3A_126 = arith.constant 0 : i32
      %cond3A_127 = arith.cmpi ne, %convert_element_type3A_125, %cond3A_126 : i32
      scf.if %cond3A_127 {
        %dma_wait3A_161 = arith.constant 0 : i32
        %dma_wait3A_162 = arith.constant 0 : i32
        %dma_wait3A_163 = arith.constant 0 : i32
        %dma_wait3A_164 = arith.constant 0 : i32
        %dma_wait3A_165 = tpu.memref_slice %arg9[%dma_wait3A_161, %dma_wait3A_163, %dma_wait3A_164] : memref<2x80x128xf32, #tpu.memory_space<vmem>> -> memref<1x80x128xf32, #tpu.memory_space<vmem>>
        %dma_wait3A_166 = tpu.memref_squeeze %dma_wait3A_165 : memref<1x80x128xf32, #tpu.memory_space<vmem>> -> memref<80x128xf32, #tpu.memory_space<vmem>>
        %dma_wait3A_167 = arith.constant 0 : i32
        %dma_wait3A_168 = tpu.memref_slice %arg8[%dma_wait3A_162, %dma_wait3A_167] : memref<125x80xi32, #tpu.memory_space<vmem>> -> memref<1x80xi32, #tpu.memory_space<vmem>>
        %dma_wait3A_169 = tpu.memref_squeeze %dma_wait3A_168 : memref<1x80xi32, #tpu.memory_space<vmem>> -> memref<80xi32, #tpu.memory_space<vmem>>
        %dma_wait3A_170 = arith.constant 0 : i32
        %dma_wait3A_171 = arith.constant 0 : i32
        %dma_wait3A_172 = tpu.memref_slice %arg10[%dma_wait3A_170, %dma_wait3A_171] : memref<10000x128xf32, #tpu.memory_space<vmem_shared>> -> memref<10000x128xf32, #tpu.memory_space<vmem_shared>>
        tpu.wait_indirect_dma semaphore(%arg13 : memref<!tpu.dma_semaphore, #tpu.memory_space<semaphore_mem>>) src(%dma_wait3A_166 : memref<80x128xf32, #tpu.memory_space<vmem>>) dst(%dma_wait3A_172 : memref<10000x128xf32, #tpu.memory_space<vmem_shared>>)
      } else {
      }
      %add3A_128 = arith.constant 1 : i32
      %add3A_129 = arith.addi %add3A_122, %add3A_128 : i32
      %lt3A_130 = arith.constant 125 : i32
      %lt3A_131 = arith.cmpi slt, %add3A_129, %lt3A_130 : i32
      %convert_element_type3A_132 = arith.extui %lt3A_131 : i1 to i32
      %cond3A_133 = arith.constant 0 : i32
      %cond3A_134 = arith.cmpi ne, %convert_element_type3A_132, %cond3A_133 : i32
      scf.if %cond3A_134 {
        %add3A_161 = arith.constant 1 : i32
        %add3A_162 = arith.addi %add3A_122, %add3A_161 : i32
        %mul3A_163 = arith.constant 80 : i32
        %mul3A_164 = arith.muli %add3A_162, %mul3A_163 : i32
        %dma_start3A_165 = arith.constant 0 : i32
        %dma_start3A_166 = arith.constant 0 : i32
        %dma_start3A_167 = arith.constant 0 : i32
        %dma_start3A_168 = tpu.memref_slice %arg9[%dma_start3A_165, %dma_start3A_166, %dma_start3A_167] : memref<2x80x128xf32, #tpu.memory_space<vmem>> -> memref<1x80x128xf32, #tpu.memory_space<vmem>>
        %dma_start3A_169 = tpu.memref_squeeze %dma_start3A_168 : memref<1x80x128xf32, #tpu.memory_space<vmem>> -> memref<80x128xf32, #tpu.memory_space<vmem>>
        %dma_start3A_170 = tpu.memref_slice %arg7[%mul3A_164] : memref<10000xi32, #tpu.memory_space<vmem>> -> memref<80xi32, #tpu.memory_space<vmem>>
        %dma_start3A_171 = arith.constant 0 : i32
        %dma_start3A_172 = arith.constant 0 : i32
        %dma_start3A_173 = tpu.memref_slice %arg2[%dma_start3A_171, %dma_start3A_172] : memref<10000x128xf32, #tpu.memory_space<hbm>> -> memref<10000x128xf32, #tpu.memory_space<hbm>>
        tpu.enqueue_indirect_dma source(%dma_start3A_173 : memref<10000x128xf32, #tpu.memory_space<hbm>>) target(%dma_start3A_169 : memref<80x128xf32, #tpu.memory_space<vmem>>) offsets(%dma_start3A_170 : memref<80xi32, #tpu.memory_space<vmem>>) semaphore(%arg11 : memref<!tpu.dma_semaphore, #tpu.memory_space<semaphore_mem>>)
      } else {
      }
      %dma_wait3A_135 = arith.constant 1 : i32
      %dma_wait3A_136 = arith.constant 0 : i32
      %dma_wait3A_137 = arith.constant 0 : i32
      %dma_wait3A_138 = tpu.memref_slice %arg9[%dma_wait3A_135, %dma_wait3A_136, %dma_wait3A_137] : memref<2x80x128xf32, #tpu.memory_space<vmem>> -> memref<1x80x128xf32, #tpu.memory_space<vmem>>
      %dma_wait3A_139 = tpu.memref_squeeze %dma_wait3A_138 : memref<1x80x128xf32, #tpu.memory_space<vmem>> -> memref<80x128xf32, #tpu.memory_space<vmem>>
      %dma_wait3A_140 = arith.constant 0 : i32
      %dma_wait3A_141 = arith.constant 0 : i32
      %dma_wait3A_142 = tpu.memref_slice %arg2[%dma_wait3A_140, %dma_wait3A_141] : memref<10000x128xf32, #tpu.memory_space<hbm>> -> memref<80x128xf32, #tpu.memory_space<hbm>>
      %dma_wait3A_143 = arith.constant 0 : i32
      %dma_wait3A_144 = arith.constant 0 : i32
      %dma_wait3A_145 = tpu.memref_slice %arg9[%dma_wait3A_135, %dma_wait3A_143, %dma_wait3A_144] : memref<2x80x128xf32, #tpu.memory_space<vmem>> -> memref<1x80x128xf32, #tpu.memory_space<vmem>>
      %dma_wait3A_146 = tpu.memref_squeeze %dma_wait3A_145 : memref<1x80x128xf32, #tpu.memory_space<vmem>> -> memref<80x128xf32, #tpu.memory_space<vmem>>
      %dma_wait3A_147 = arith.constant 0 : i32
      %dma_wait3A_148 = arith.constant 0 : i32
      %dma_wait3A_149 = tpu.memref_slice %arg2[%dma_wait3A_147, %dma_wait3A_148] : memref<10000x128xf32, #tpu.memory_space<hbm>> -> memref<80x128xf32, #tpu.memory_space<hbm>>
      tpu.wait_dma2 semaphore(%arg12 : memref<!tpu.dma_semaphore, #tpu.memory_space<semaphore_mem>>) src(%dma_wait3A_149 : memref<80x128xf32, #tpu.memory_space<hbm>>) dst(%dma_wait3A_146 : memref<80x128xf32, #tpu.memory_space<vmem>>)
      %dma_start3A_150 = arith.constant 1 : i32
      %dma_start3A_151 = arith.constant 0 : i32
      %dma_start3A_152 = arith.constant 0 : i32
      %dma_start3A_153 = tpu.memref_slice %arg9[%dma_start3A_150, %dma_start3A_151, %dma_start3A_152] : memref<2x80x128xf32, #tpu.memory_space<vmem>> -> memref<1x80x128xf32, #tpu.memory_space<vmem>>
      %dma_start3A_154 = tpu.memref_squeeze %dma_start3A_153 : memref<1x80x128xf32, #tpu.memory_space<vmem>> -> memref<80x128xf32, #tpu.memory_space<vmem>>
      %dma_start3A_155 = arith.constant 0 : i32
      %dma_start3A_156 = tpu.memref_slice %arg8[%add3A_122, %dma_start3A_155] : memref<125x80xi32, #tpu.memory_space<vmem>> -> memref<1x80xi32, #tpu.memory_space<vmem>>
      %dma_start3A_157 = tpu.memref_squeeze %dma_start3A_156 : memref<1x80xi32, #tpu.memory_space<vmem>> -> memref<80xi32, #tpu.memory_space<vmem>>
      %dma_start3A_158 = arith.constant 0 : i32
      %dma_start3A_159 = arith.constant 0 : i32
      %dma_start3A_160 = tpu.memref_slice %arg10[%dma_start3A_158, %dma_start3A_159] : memref<10000x128xf32, #tpu.memory_space<vmem_shared>> -> memref<10000x128xf32, #tpu.memory_space<vmem_shared>>
      tpu.enqueue_indirect_dma source(%dma_start3A_154 : memref<80x128xf32, #tpu.memory_space<vmem>>) target(%dma_start3A_160 : memref<10000x128xf32, #tpu.memory_space<vmem_shared>>) offsets(%dma_start3A_157 : memref<80xi32, #tpu.memory_space<vmem>>) semaphore(%arg14 : memref<!tpu.dma_semaphore, #tpu.memory_space<semaphore_mem>>) {add = true}
    }
    %scan3A_21 = arith.constant 62 : i32
    %dma_wait3A = arith.constant 1 : i32
    %dma_wait3A_22 = arith.constant 0 : i32
    %dma_wait3A_23 = arith.constant 0 : i32
    %dma_wait3A_24 = arith.constant 0 : i32
    %dma_wait3A_25 = tpu.memref_slice %arg9[%dma_wait3A, %dma_wait3A_23, %dma_wait3A_24] : memref<2x80x128xf32, #tpu.memory_space<vmem>> -> memref<1x80x128xf32, #tpu.memory_space<vmem>>
    %dma_wait3A_26 = tpu.memref_squeeze %dma_wait3A_25 : memref<1x80x128xf32, #tpu.memory_space<vmem>> -> memref<80x128xf32, #tpu.memory_space<vmem>>
    %dma_wait3A_27 = arith.constant 0 : i32
    %dma_wait3A_28 = tpu.memref_slice %arg8[%dma_wait3A_22, %dma_wait3A_27] : memref<125x80xi32, #tpu.memory_space<vmem>> -> memref<1x80xi32, #tpu.memory_space<vmem>>
    %dma_wait3A_29 = tpu.memref_squeeze %dma_wait3A_28 : memref<1x80xi32, #tpu.memory_space<vmem>> -> memref<80xi32, #tpu.memory_space<vmem>>
    %dma_wait3A_30 = arith.constant 0 : i32
    %dma_wait3A_31 = arith.constant 0 : i32
    %dma_wait3A_32 = tpu.memref_slice %arg10[%dma_wait3A_30, %dma_wait3A_31] : memref<10000x128xf32, #tpu.memory_space<vmem_shared>> -> memref<10000x128xf32, #tpu.memory_space<vmem_shared>>
    tpu.wait_indirect_dma semaphore(%arg14 : memref<!tpu.dma_semaphore, #tpu.memory_space<semaphore_mem>>) src(%dma_wait3A_26 : memref<80x128xf32, #tpu.memory_space<vmem>>) dst(%dma_wait3A_32 : memref<10000x128xf32, #tpu.memory_space<vmem_shared>>)
    %dma_wait3A_33 = arith.constant 0 : i32
    %dma_wait3A_34 = arith.constant 0 : i32
    %dma_wait3A_35 = arith.constant 0 : i32
    %dma_wait3A_36 = tpu.memref_slice %arg9[%dma_wait3A_33, %dma_wait3A_34, %dma_wait3A_35] : memref<2x80x128xf32, #tpu.memory_space<vmem>> -> memref<1x80x128xf32, #tpu.memory_space<vmem>>
    %dma_wait3A_37 = tpu.memref_squeeze %dma_wait3A_36 : memref<1x80x128xf32, #tpu.memory_space<vmem>> -> memref<80x128xf32, #tpu.memory_space<vmem>>
    %dma_wait3A_38 = arith.constant 0 : i32
    %dma_wait3A_39 = arith.constant 0 : i32
    %dma_wait3A_40 = tpu.memref_slice %arg2[%dma_wait3A_38, %dma_wait3A_39] : memref<10000x128xf32, #tpu.memory_space<hbm>> -> memref<80x128xf32, #tpu.memory_space<hbm>>
    %dma_wait3A_41 = arith.constant 0 : i32
    %dma_wait3A_42 = arith.constant 0 : i32
    %dma_wait3A_43 = tpu.memref_slice %arg9[%dma_wait3A_33, %dma_wait3A_41, %dma_wait3A_42] : memref<2x80x128xf32, #tpu.memory_space<vmem>> -> memref<1x80x128xf32, #tpu.memory_space<vmem>>
    %dma_wait3A_44 = tpu.memref_squeeze %dma_wait3A_43 : memref<1x80x128xf32, #tpu.memory_space<vmem>> -> memref<80x128xf32, #tpu.memory_space<vmem>>
    %dma_wait3A_45 = arith.constant 0 : i32
    %dma_wait3A_46 = arith.constant 0 : i32
    %dma_wait3A_47 = tpu.memref_slice %arg2[%dma_wait3A_45, %dma_wait3A_46] : memref<10000x128xf32, #tpu.memory_space<hbm>> -> memref<80x128xf32, #tpu.memory_space<hbm>>
    tpu.wait_dma2 semaphore(%arg11 : memref<!tpu.dma_semaphore, #tpu.memory_space<semaphore_mem>>) src(%dma_wait3A_47 : memref<80x128xf32, #tpu.memory_space<hbm>>) dst(%dma_wait3A_44 : memref<80x128xf32, #tpu.memory_space<vmem>>)
    %dma_start3A_48 = arith.constant 0 : i32
    %dma_start3A_49 = arith.constant 124 : i32
    %dma_start3A_50 = arith.constant 0 : i32
    %dma_start3A_51 = arith.constant 0 : i32
    %dma_start3A_52 = tpu.memref_slice %arg9[%dma_start3A_48, %dma_start3A_50, %dma_start3A_51] : memref<2x80x128xf32, #tpu.memory_space<vmem>> -> memref<1x80x128xf32, #tpu.memory_space<vmem>>
    %dma_start3A_53 = tpu.memref_squeeze %dma_start3A_52 : memref<1x80x128xf32, #tpu.memory_space<vmem>> -> memref<80x128xf32, #tpu.memory_space<vmem>>
    %dma_start3A_54 = arith.constant 0 : i32
    %dma_start3A_55 = tpu.memref_slice %arg8[%dma_start3A_49, %dma_start3A_54] : memref<125x80xi32, #tpu.memory_space<vmem>> -> memref<1x80xi32, #tpu.memory_space<vmem>>
    %dma_start3A_56 = tpu.memref_squeeze %dma_start3A_55 : memref<1x80xi32, #tpu.memory_space<vmem>> -> memref<80xi32, #tpu.memory_space<vmem>>
    %dma_start3A_57 = arith.constant 0 : i32
    %dma_start3A_58 = arith.constant 0 : i32
    %dma_start3A_59 = tpu.memref_slice %arg10[%dma_start3A_57, %dma_start3A_58] : memref<10000x128xf32, #tpu.memory_space<vmem_shared>> -> memref<10000x128xf32, #tpu.memory_space<vmem_shared>>
    tpu.enqueue_indirect_dma source(%dma_start3A_53 : memref<80x128xf32, #tpu.memory_space<vmem>>) target(%dma_start3A_59 : memref<10000x128xf32, #tpu.memory_space<vmem_shared>>) offsets(%dma_start3A_56 : memref<80xi32, #tpu.memory_space<vmem>>) semaphore(%arg13 : memref<!tpu.dma_semaphore, #tpu.memory_space<semaphore_mem>>) {add = true}
    %dma_wait3A_60 = arith.constant 0 : i32
    %dma_wait3A_61 = arith.constant 0 : i32
    %dma_wait3A_62 = arith.constant 0 : i32
    %dma_wait3A_63 = arith.constant 0 : i32
    %dma_wait3A_64 = tpu.memref_slice %arg9[%dma_wait3A_60, %dma_wait3A_62, %dma_wait3A_63] : memref<2x80x128xf32, #tpu.memory_space<vmem>> -> memref<1x80x128xf32, #tpu.memory_space<vmem>>
    %dma_wait3A_65 = tpu.memref_squeeze %dma_wait3A_64 : memref<1x80x128xf32, #tpu.memory_space<vmem>> -> memref<80x128xf32, #tpu.memory_space<vmem>>
    %dma_wait3A_66 = arith.constant 0 : i32
    %dma_wait3A_67 = tpu.memref_slice %arg8[%dma_wait3A_61, %dma_wait3A_66] : memref<125x80xi32, #tpu.memory_space<vmem>> -> memref<1x80xi32, #tpu.memory_space<vmem>>
    %dma_wait3A_68 = tpu.memref_squeeze %dma_wait3A_67 : memref<1x80xi32, #tpu.memory_space<vmem>> -> memref<80xi32, #tpu.memory_space<vmem>>
    %dma_wait3A_69 = arith.constant 0 : i32
    %dma_wait3A_70 = arith.constant 0 : i32
    %dma_wait3A_71 = tpu.memref_slice %arg10[%dma_wait3A_69, %dma_wait3A_70] : memref<10000x128xf32, #tpu.memory_space<vmem_shared>> -> memref<10000x128xf32, #tpu.memory_space<vmem_shared>>
    tpu.wait_indirect_dma semaphore(%arg13 : memref<!tpu.dma_semaphore, #tpu.memory_space<semaphore_mem>>) src(%dma_wait3A_65 : memref<80x128xf32, #tpu.memory_space<vmem>>) dst(%dma_wait3A_71 : memref<10000x128xf32, #tpu.memory_space<vmem_shared>>)
    %barrier3A_72 = arith.constant 0 : index
    tpu.barrier barrier_id(%barrier3A_72)
    "tpu.region"() ({
      %run_scoped3A = tpu.sem_alloc : memref<!tpu.dma_semaphore, #tpu.memory_space<semaphore_mem>>
      %dma_start3A_78 = arith.constant 0 : i32
      %dma_start3A_79 = tpu.memref_slice %arg6[%arg0, %multiple_of3A, %dma_start3A_78] : memref<2x10000x128xf32, #tpu.memory_space<hbm>> -> memref<1x624x128xf32, #tpu.memory_space<hbm>>
      %dma_start3A_80 = tpu.memref_squeeze %dma_start3A_79 : memref<1x624x128xf32, #tpu.memory_space<hbm>> -> memref<624x128xf32, #tpu.memory_space<hbm>>
      %dma_start3A_81 = arith.constant 0 : i32
      %dma_start3A_82 = tpu.memref_slice %arg10[%multiple_of3A, %dma_start3A_81] : memref<10000x128xf32, #tpu.memory_space<vmem_shared>> -> memref<624x128xf32, #tpu.memory_space<vmem_shared>>
      tpu.enqueue_dma source(%dma_start3A_82 : memref<624x128xf32, #tpu.memory_space<vmem_shared>>) target(%dma_start3A_80 : memref<624x128xf32, #tpu.memory_space<hbm>>) target_semaphore(%run_scoped3A : memref<!tpu.dma_semaphore, #tpu.memory_space<semaphore_mem>>)
      %dma_wait3A_83 = arith.constant 0 : i32
      %dma_wait3A_84 = tpu.memref_slice %arg6[%arg0, %multiple_of3A, %dma_wait3A_83] : memref<2x10000x128xf32, #tpu.memory_space<hbm>> -> memref<1x624x128xf32, #tpu.memory_space<hbm>>
      %dma_wait3A_85 = tpu.memref_squeeze %dma_wait3A_84 : memref<1x624x128xf32, #tpu.memory_space<hbm>> -> memref<624x128xf32, #tpu.memory_space<hbm>>
      %dma_wait3A_86 = arith.constant 0 : i32
      %dma_wait3A_87 = tpu.memref_slice %arg10[%multiple_of3A, %dma_wait3A_86] : memref<10000x128xf32, #tpu.memory_space<vmem_shared>> -> memref<624x128xf32, #tpu.memory_space<vmem_shared>>
      tpu.wait_dma2 semaphore(%run_scoped3A : memref<!tpu.dma_semaphore, #tpu.memory_space<semaphore_mem>>) src(%dma_wait3A_87 : memref<624x128xf32, #tpu.memory_space<vmem_shared>>) dst(%dma_wait3A_85 : memref<624x128xf32, #tpu.memory_space<hbm>>)
      tpu.yield
    }) : () -> ()
    %eq3A_73 = arith.constant 15 : i32
    %eq3A_74 = arith.cmpi eq, %arg1, %eq3A_73 : i32
    %convert_element_type3A_75 = arith.extui %eq3A_74 : i1 to i32
    %cond3A_76 = arith.constant 0 : i32
    %cond3A_77 = arith.cmpi ne, %convert_element_type3A_75, %cond3A_76 : i32
    scf.if %cond3A_77 {
      "tpu.region"() ({
        %run_scoped3A = tpu.sem_alloc : memref<!tpu.dma_semaphore, #tpu.memory_space<semaphore_mem>>
        %dma_start3A_78 = arith.constant 9984 : i32
        %dma_start3A_79 = arith.constant 0 : i32
        %dma_start3A_80 = tpu.memref_slice %arg6[%arg0, %dma_start3A_78, %dma_start3A_79] : memref<2x10000x128xf32, #tpu.memory_space<hbm>> -> memref<1x16x128xf32, #tpu.memory_space<hbm>>
        %dma_start3A_81 = tpu.memref_squeeze %dma_start3A_80 : memref<1x16x128xf32, #tpu.memory_space<hbm>> -> memref<16x128xf32, #tpu.memory_space<hbm>>
        %dma_start3A_82 = arith.constant 9984 : i32
        %dma_start3A_83 = arith.constant 0 : i32
        %dma_start3A_84 = tpu.memref_slice %arg10[%dma_start3A_82, %dma_start3A_83] : memref<10000x128xf32, #tpu.memory_space<vmem_shared>> -> memref<16x128xf32, #tpu.memory_space<vmem_shared>>
        tpu.enqueue_dma source(%dma_start3A_84 : memref<16x128xf32, #tpu.memory_space<vmem_shared>>) target(%dma_start3A_81 : memref<16x128xf32, #tpu.memory_space<hbm>>) target_semaphore(%run_scoped3A : memref<!tpu.dma_semaphore, #tpu.memory_space<semaphore_mem>>)
        %dma_wait3A_85 = arith.constant 9984 : i32
        %dma_wait3A_86 = arith.constant 0 : i32
        %dma_wait3A_87 = tpu.memref_slice %arg6[%arg0, %dma_wait3A_85, %dma_wait3A_86] : memref<2x10000x128xf32, #tpu.memory_space<hbm>> -> memref<1x16x128xf32, #tpu.memory_space<hbm>>
        %dma_wait3A_88 = tpu.memref_squeeze %dma_wait3A_87 : memref<1x16x128xf32, #tpu.memory_space<hbm>> -> memref<16x128xf32, #tpu.memory_space<hbm>>
        %dma_wait3A_89 = arith.constant 9984 : i32
        %dma_wait3A_90 = arith.constant 0 : i32
        %dma_wait3A_91 = tpu.memref_slice %arg10[%dma_wait3A_89, %dma_wait3A_90] : memref<10000x128xf32, #tpu.memory_space<vmem_shared>> -> memref<16x128xf32, #tpu.memory_space<vmem_shared>>
        tpu.wait_dma2 semaphore(%run_scoped3A : memref<!tpu.dma_semaphore, #tpu.memory_space<semaphore_mem>>) src(%dma_wait3A_91 : memref<16x128xf32, #tpu.memory_space<vmem_shared>>) dst(%dma_wait3A_88 : memref<16x128xf32, #tpu.memory_space<hbm>>)
        tpu.yield
      }) : () -> ()
    } else {
    }
    return
  }
}

#map = affine_map<(d0, d1) -> (0, 0)>
#map1 = affine_map<(d0, d1) -> (0)>
#map2 = affine_map<(d0, d1) -> (0, 0, 0)>
module attributes {stable_mosaic.version = 14 : i64} {
  func.func @_spmm_body(%arg0: i32, %arg1: i32, %arg2: memref<10000x128xf32, #tpu.memory_space<hbm>>, %arg3: memref<320000xi32, #tpu.memory_space<hbm>>, %arg4: memref<32x125x80xi32, #tpu.memory_space<hbm>>, %arg5: memref<10000x128xf32, #tpu.memory_space<hbm>>, %arg6: memref<2x10000x128xf32, #tpu.memory_space<hbm>>, %arg7: memref<10000xi32, #tpu.memory_space<vmem>>, %arg8: memref<125x80xi32, #tpu.memory_space<vmem>>, %arg9: memref<2x80x128xf32, #tpu.memory_space<vmem>>, %arg10: memref<10000x128xf32, #tpu.memory_space<vmem_shared>>, %arg11: memref<!tpu.dma_semaphore, #tpu.memory_space<semaphore_mem>>, %arg12: memref<!tpu.dma_semaphore, #tpu.memory_space<semaphore_mem>>, %arg13: memref<!tpu.dma_semaphore, #tpu.memory_space<semaphore_mem>>, %arg14: memref<!tpu.dma_semaphore, #tpu.memory_space<semaphore_mem>>) attributes {dimension_semantics = [#tpu.dimension_semantics<core_parallel>, #tpu.dimension_semantics<subcore_parallel>], iteration_bounds = array<i64: 2, 16>, scalar_prefetch = 0 : i64, scratch_operands = 8 : i64, tpu.core_type = #tpu.core_type<sc_vector_subcore>, window_params = [{transform_indices = #map}, {transform_indices = #map1}, {transform_indices = #map2}, {transform_indices = #map}, {transform_indices = #map2}]} {
    %mul3A = arith.constant 2 : i32
    %mul3A_0 = arith.muli %arg1, %mul3A : i32
    %add3A = arith.addi %mul3A_0, %arg0 : i32
    %mul3A_1 = arith.constant 624 : i32
    %mul3A_2 = arith.muli %arg1, %mul3A_1 : i32
    %multiple_of3A = tpu.assume_multiple %mul3A_2, 8 : i32
    %mul3A_3 = arith.constant 10000 : i32
    %mul3A_4 = arith.muli %add3A, %mul3A_3 : i32
    %multiple_of3A_5 = tpu.assume_multiple %mul3A_4, 8 : i32
    "tpu.region"() ({
      %run_scoped3A = tpu.sem_alloc : memref<!tpu.dma_semaphore, #tpu.memory_space<semaphore_mem>>
      %dma_start3A_78 = tpu.memref_slice %arg3[%multiple_of3A_5] : memref<320000xi32, #tpu.memory_space<hbm>> -> memref<10000xi32, #tpu.memory_space<hbm>>
      %dma_start3A_79 = tpu.memref_slice %arg3[%multiple_of3A_5] : memref<320000xi32, #tpu.memory_space<hbm>> -> memref<10000xi32, #tpu.memory_space<hbm>>
      tpu.enqueue_dma source(%dma_start3A_79 : memref<10000xi32, #tpu.memory_space<hbm>>) target(%arg7 : memref<10000xi32, #tpu.memory_space<vmem>>) target_semaphore(%run_scoped3A : memref<!tpu.dma_semaphore, #tpu.memory_space<semaphore_mem>>)
      %dma_wait3A_80 = tpu.memref_slice %arg3[%multiple_of3A_5] : memref<320000xi32, #tpu.memory_space<hbm>> -> memref<10000xi32, #tpu.memory_space<hbm>>
      %dma_wait3A_81 = tpu.memref_slice %arg3[%multiple_of3A_5] : memref<320000xi32, #tpu.memory_space<hbm>> -> memref<10000xi32, #tpu.memory_space<hbm>>
      tpu.wait_dma2 semaphore(%run_scoped3A : memref<!tpu.dma_semaphore, #tpu.memory_space<semaphore_mem>>) src(%dma_wait3A_81 : memref<10000xi32, #tpu.memory_space<hbm>>) dst(%arg7 : memref<10000xi32, #tpu.memory_space<vmem>>)
      tpu.yield
    }) : () -> ()
    "tpu.region"() ({
      %run_scoped3A = tpu.sem_alloc : memref<!tpu.dma_semaphore, #tpu.memory_space<semaphore_mem>>
      %dma_start3A_78 = arith.constant 0 : i32
      %dma_start3A_79 = arith.constant 0 : i32
      %dma_start3A_80 = tpu.memref_slice %arg4[%add3A, %dma_start3A_78, %dma_start3A_79] : memref<32x125x80xi32, #tpu.memory_space<hbm>> -> memref<1x125x80xi32, #tpu.memory_space<hbm>>
      %dma_start3A_81 = tpu.memref_squeeze %dma_start3A_80 : memref<1x125x80xi32, #tpu.memory_space<hbm>> -> memref<125x80xi32, #tpu.memory_space<hbm>>
      %dma_start3A_82 = arith.constant 0 : i32
      %dma_start3A_83 = arith.constant 0 : i32
      %dma_start3A_84 = tpu.memref_slice %arg4[%add3A, %dma_start3A_82, %dma_start3A_83] : memref<32x125x80xi32, #tpu.memory_space<hbm>> -> memref<1x125x80xi32, #tpu.memory_space<hbm>>
      %dma_start3A_85 = tpu.memref_squeeze %dma_start3A_84 : memref<1x125x80xi32, #tpu.memory_space<hbm>> -> memref<125x80xi32, #tpu.memory_space<hbm>>
      tpu.enqueue_dma source(%dma_start3A_85 : memref<125x80xi32, #tpu.memory_space<hbm>>) target(%arg8 : memref<125x80xi32, #tpu.memory_space<vmem>>) target_semaphore(%run_scoped3A : memref<!tpu.dma_semaphore, #tpu.memory_space<semaphore_mem>>)
      %dma_wait3A_86 = arith.constant 0 : i32
      %dma_wait3A_87 = arith.constant 0 : i32
      %dma_wait3A_88 = tpu.memref_slice %arg4[%add3A, %dma_wait3A_86, %dma_wait3A_87] : memref<32x125x80xi32, #tpu.memory_space<hbm>> -> memref<1x125x80xi32, #tpu.memory_space<hbm>>
      %dma_wait3A_89 = tpu.memref_squeeze %dma_wait3A_88 : memref<1x125x80xi32, #tpu.memory_space<hbm>> -> memref<125x80xi32, #tpu.memory_space<hbm>>
      %dma_wait3A_90 = arith.constant 0 : i32
      %dma_wait3A_91 = arith.constant 0 : i32
      %dma_wait3A_92 = tpu.memref_slice %arg4[%add3A, %dma_wait3A_90, %dma_wait3A_91] : memref<32x125x80xi32, #tpu.memory_space<hbm>> -> memref<1x125x80xi32, #tpu.memory_space<hbm>>
      %dma_wait3A_93 = tpu.memref_squeeze %dma_wait3A_92 : memref<1x125x80xi32, #tpu.memory_space<hbm>> -> memref<125x80xi32, #tpu.memory_space<hbm>>
      tpu.wait_dma2 semaphore(%run_scoped3A : memref<!tpu.dma_semaphore, #tpu.memory_space<semaphore_mem>>) src(%dma_wait3A_93 : memref<125x80xi32, #tpu.memory_space<hbm>>) dst(%arg8 : memref<125x80xi32, #tpu.memory_space<vmem>>)
      tpu.yield
    }) : () -> ()
    "tpu.region"() ({
      %run_scoped3A = tpu.sem_alloc : memref<!tpu.dma_semaphore, #tpu.memory_space<semaphore_mem>>
      %dma_start3A_78 = arith.constant 0 : i32
      %dma_start3A_79 = tpu.memref_slice %arg10[%multiple_of3A, %dma_start3A_78] : memref<10000x128xf32, #tpu.memory_space<vmem_shared>> -> memref<624x128xf32, #tpu.memory_space<vmem_shared>>
      %dma_start3A_80 = arith.constant 0 : i32
      %dma_start3A_81 = tpu.memref_slice %arg5[%multiple_of3A, %dma_start3A_80] : memref<10000x128xf32, #tpu.memory_space<hbm>> -> memref<624x128xf32, #tpu.memory_space<hbm>>
      tpu.enqueue_dma source(%dma_start3A_81 : memref<624x128xf32, #tpu.memory_space<hbm>>) target(%dma_start3A_79 : memref<624x128xf32, #tpu.memory_space<vmem_shared>>) target_semaphore(%run_scoped3A : memref<!tpu.dma_semaphore, #tpu.memory_space<semaphore_mem>>)
      %dma_wait3A_82 = arith.constant 0 : i32
      %dma_wait3A_83 = tpu.memref_slice %arg10[%multiple_of3A, %dma_wait3A_82] : memref<10000x128xf32, #tpu.memory_space<vmem_shared>> -> memref<624x128xf32, #tpu.memory_space<vmem_shared>>
      %dma_wait3A_84 = arith.constant 0 : i32
      %dma_wait3A_85 = tpu.memref_slice %arg5[%multiple_of3A, %dma_wait3A_84] : memref<10000x128xf32, #tpu.memory_space<hbm>> -> memref<624x128xf32, #tpu.memory_space<hbm>>
      tpu.wait_dma2 semaphore(%run_scoped3A : memref<!tpu.dma_semaphore, #tpu.memory_space<semaphore_mem>>) src(%dma_wait3A_85 : memref<624x128xf32, #tpu.memory_space<hbm>>) dst(%dma_wait3A_83 : memref<624x128xf32, #tpu.memory_space<vmem_shared>>)
      tpu.yield
    }) : () -> ()
    %eq3A = arith.constant 15 : i32
    %eq3A_6 = arith.cmpi eq, %arg1, %eq3A : i32
    %convert_element_type3A = arith.extui %eq3A_6 : i1 to i32
    %cond3A = arith.constant 0 : i32
    %cond3A_7 = arith.cmpi ne, %convert_element_type3A, %cond3A : i32
    scf.if %cond3A_7 {
      "tpu.region"() ({
        %run_scoped3A = tpu.sem_alloc : memref<!tpu.dma_semaphore, #tpu.memory_space<semaphore_mem>>
        %dma_start3A_78 = arith.constant 9984 : i32
        %dma_start3A_79 = arith.constant 0 : i32
        %dma_start3A_80 = tpu.memref_slice %arg10[%dma_start3A_78, %dma_start3A_79] : memref<10000x128xf32, #tpu.memory_space<vmem_shared>> -> memref<16x128xf32, #tpu.memory_space<vmem_shared>>
        %dma_start3A_81 = arith.constant 9984 : i32
        %dma_start3A_82 = arith.constant 0 : i32
        %dma_start3A_83 = tpu.memref_slice %arg5[%dma_start3A_81, %dma_start3A_82] : memref<10000x128xf32, #tpu.memory_space<hbm>> -> memref<16x128xf32, #tpu.memory_space<hbm>>
        tpu.enqueue_dma source(%dma_start3A_83 : memref<16x128xf32, #tpu.memory_space<hbm>>) target(%dma_start3A_80 : memref<16x128xf32, #tpu.memory_space<vmem_shared>>) target_semaphore(%run_scoped3A : memref<!tpu.dma_semaphore, #tpu.memory_space<semaphore_mem>>)
        %dma_wait3A_84 = arith.constant 9984 : i32
        %dma_wait3A_85 = arith.constant 0 : i32
        %dma_wait3A_86 = tpu.memref_slice %arg10[%dma_wait3A_84, %dma_wait3A_85] : memref<10000x128xf32, #tpu.memory_space<vmem_shared>> -> memref<16x128xf32, #tpu.memory_space<vmem_shared>>
        %dma_wait3A_87 = arith.constant 9984 : i32
        %dma_wait3A_88 = arith.constant 0 : i32
        %dma_wait3A_89 = tpu.memref_slice %arg5[%dma_wait3A_87, %dma_wait3A_88] : memref<10000x128xf32, #tpu.memory_space<hbm>> -> memref<16x128xf32, #tpu.memory_space<hbm>>
        tpu.wait_dma2 semaphore(%run_scoped3A : memref<!tpu.dma_semaphore, #tpu.memory_space<semaphore_mem>>) src(%dma_wait3A_89 : memref<16x128xf32, #tpu.memory_space<hbm>>) dst(%dma_wait3A_86 : memref<16x128xf32, #tpu.memory_space<vmem_shared>>)
        tpu.yield
      }) : () -> ()
    } else {
    }
    %barrier3A = arith.constant 0 : index
    tpu.barrier barrier_id(%barrier3A)
    %dma_start3A = arith.constant 0 : i32
    %dma_start3A_8 = arith.constant 0 : i32
    %dma_start3A_9 = arith.constant 0 : i32
    %dma_start3A_10 = tpu.memref_slice %arg9[%dma_start3A, %dma_start3A_8, %dma_start3A_9] : memref<2x80x128xf32, #tpu.memory_space<vmem>> -> memref<1x80x128xf32, #tpu.memory_space<vmem>>
    %dma_start3A_11 = tpu.memref_squeeze %dma_start3A_10 : memref<1x80x128xf32, #tpu.memory_space<vmem>> -> memref<80x128xf32, #tpu.memory_space<vmem>>
    %dma_start3A_12 = arith.constant 0 : i32
    %dma_start3A_13 = tpu.memref_slice %arg7[%dma_start3A_12] : memref<10000xi32, #tpu.memory_space<vmem>> -> memref<80xi32, #tpu.memory_space<vmem>>
    %dma_start3A_14 = arith.constant 0 : i32
    %dma_start3A_15 = arith.constant 0 : i32
    %dma_start3A_16 = tpu.memref_slice %arg2[%dma_start3A_14, %dma_start3A_15] : memref<10000x128xf32, #tpu.memory_space<hbm>> -> memref<10000x128xf32, #tpu.memory_space<hbm>>
    tpu.enqueue_indirect_dma source(%dma_start3A_16 : memref<10000x128xf32, #tpu.memory_space<hbm>>) target(%dma_start3A_11 : memref<80x128xf32, #tpu.memory_space<vmem>>) offsets(%dma_start3A_13 : memref<80xi32, #tpu.memory_space<vmem>>) semaphore(%arg11 : memref<!tpu.dma_semaphore, #tpu.memory_space<semaphore_mem>>)
    %scan3A = arith.constant 0 : i32
    %scan3A_17 = arith.constant 0 : i32
    %scan3A_18 = arith.constant 62 : i32
    %scan3A_19 = arith.addi %scan3A_17, %scan3A_18 : i32
    %scan3A_20 = arith.constant 1 : i32
    scf.for %scan3A_78 = %scan3A_17 to %scan3A_19 step %scan3A_20  : i32 {
      %mul3A_79 = arith.constant 2 : i32
      %mul3A_80 = arith.muli %scan3A_78, %mul3A_79 : i32
      %add3A_81 = arith.constant 0 : i32
      %add3A_82 = arith.addi %mul3A_80, %add3A_81 : i32
      %ge3A = arith.constant 1 : i32
      %ge3A_83 = arith.cmpi sge, %add3A_82, %ge3A : i32
      %convert_element_type3A_84 = arith.extui %ge3A_83 : i1 to i32
      %cond3A_85 = arith.constant 0 : i32
      %cond3A_86 = arith.cmpi ne, %convert_element_type3A_84, %cond3A_85 : i32
      scf.if %cond3A_86 {
        %dma_wait3A_161 = arith.constant 1 : i32
        %dma_wait3A_162 = arith.constant 0 : i32
        %dma_wait3A_163 = arith.constant 0 : i32
        %dma_wait3A_164 = arith.constant 0 : i32
        %dma_wait3A_165 = tpu.memref_slice %arg9[%dma_wait3A_161, %dma_wait3A_163, %dma_wait3A_164] : memref<2x80x128xf32, #tpu.memory_space<vmem>> -> memref<1x80x128xf32, #tpu.memory_space<vmem>>
        %dma_wait3A_166 = tpu.memref_squeeze %dma_wait3A_165 : memref<1x80x128xf32, #tpu.memory_space<vmem>> -> memref<80x128xf32, #tpu.memory_space<vmem>>
        %dma_wait3A_167 = arith.constant 0 : i32
        %dma_wait3A_168 = tpu.memref_slice %arg8[%dma_wait3A_162, %dma_wait3A_167] : memref<125x80xi32, #tpu.memory_space<vmem>> -> memref<1x80xi32, #tpu.memory_space<vmem>>
        %dma_wait3A_169 = tpu.memref_squeeze %dma_wait3A_168 : memref<1x80xi32, #tpu.memory_space<vmem>> -> memref<80xi32, #tpu.memory_space<vmem>>
        %dma_wait3A_170 = arith.constant 0 : i32
        %dma_wait3A_171 = arith.constant 0 : i32
        %dma_wait3A_172 = tpu.memref_slice %arg10[%dma_wait3A_170, %dma_wait3A_171] : memref<10000x128xf32, #tpu.memory_space<vmem_shared>> -> memref<10000x128xf32, #tpu.memory_space<vmem_shared>>
        tpu.wait_indirect_dma semaphore(%arg14 : memref<!tpu.dma_semaphore, #tpu.memory_space<semaphore_mem>>) src(%dma_wait3A_166 : memref<80x128xf32, #tpu.memory_space<vmem>>) dst(%dma_wait3A_172 : memref<10000x128xf32, #tpu.memory_space<vmem_shared>>)
      } else {
      }
      %add3A_87 = arith.constant 1 : i32
      %add3A_88 = arith.addi %add3A_82, %add3A_87 : i32
      %lt3A = arith.constant 125 : i32
      %lt3A_89 = arith.cmpi slt, %add3A_88, %lt3A : i32
      %convert_element_type3A_90 = arith.extui %lt3A_89 : i1 to i32
      %cond3A_91 = arith.constant 0 : i32
      %cond3A_92 = arith.cmpi ne, %convert_element_type3A_90, %cond3A_91 : i32
      scf.if %cond3A_92 {
        %add3A_161 = arith.constant 1 : i32
        %add3A_162 = arith.addi %add3A_82, %add3A_161 : i32
        %mul3A_163 = arith.constant 80 : i32
        %mul3A_164 = arith.muli %add3A_162, %mul3A_163 : i32
        %dma_start3A_165 = arith.constant 1 : i32
        %dma_start3A_166 = arith.constant 0 : i32
        %dma_start3A_167 = arith.constant 0 : i32
        %dma_start3A_168 = tpu.memref_slice %arg9[%dma_start3A_165, %dma_start3A_166, %dma_start3A_167] : memref<2x80x128xf32, #tpu.memory_space<vmem>> -> memref<1x80x128xf32, #tpu.memory_space<vmem>>
        %dma_start3A_169 = tpu.memref_squeeze %dma_start3A_168 : memref<1x80x128xf32, #tpu.memory_space<vmem>> -> memref<80x128xf32, #tpu.memory_space<vmem>>
        %dma_start3A_170 = tpu.memref_slice %arg7[%mul3A_164] : memref<10000xi32, #tpu.memory_space<vmem>> -> memref<80xi32, #tpu.memory_space<vmem>>
        %dma_start3A_171 = arith.constant 0 : i32
        %dma_start3A_172 = arith.constant 0 : i32
        %dma_start3A_173 = tpu.memref_slice %arg2[%dma_start3A_171, %dma_start3A_172] : memref<10000x128xf32, #tpu.memory_space<hbm>> -> memref<10000x128xf32, #tpu.memory_space<hbm>>
        tpu.enqueue_indirect_dma source(%dma_start3A_173 : memref<10000x128xf32, #tpu.memory_space<hbm>>) target(%dma_start3A_169 : memref<80x128xf32, #tpu.memory_space<vmem>>) offsets(%dma_start3A_170 : memref<80xi32, #tpu.memory_space<vmem>>) semaphore(%arg12 : memref<!tpu.dma_semaphore, #tpu.memory_space<semaphore_mem>>)
      } else {
      }
      %dma_wait3A_93 = arith.constant 0 : i32
      %dma_wait3A_94 = arith.constant 0 : i32
      %dma_wait3A_95 = arith.constant 0 : i32
      %dma_wait3A_96 = tpu.memref_slice %arg9[%dma_wait3A_93, %dma_wait3A_94, %dma_wait3A_95] : memref<2x80x128xf32, #tpu.memory_space<vmem>> -> memref<1x80x128xf32, #tpu.memory_space<vmem>>
      %dma_wait3A_97 = tpu.memref_squeeze %dma_wait3A_96 : memref<1x80x128xf32, #tpu.memory_space<vmem>> -> memref<80x128xf32, #tpu.memory_space<vmem>>
      %dma_wait3A_98 = arith.constant 0 : i32
      %dma_wait3A_99 = arith.constant 0 : i32
      %dma_wait3A_100 = tpu.memref_slice %arg2[%dma_wait3A_98, %dma_wait3A_99] : memref<10000x128xf32, #tpu.memory_space<hbm>> -> memref<80x128xf32, #tpu.memory_space<hbm>>
      %dma_wait3A_101 = arith.constant 0 : i32
      %dma_wait3A_102 = arith.constant 0 : i32
      %dma_wait3A_103 = tpu.memref_slice %arg9[%dma_wait3A_93, %dma_wait3A_101, %dma_wait3A_102] : memref<2x80x128xf32, #tpu.memory_space<vmem>> -> memref<1x80x128xf32, #tpu.memory_space<vmem>>
      %dma_wait3A_104 = tpu.memref_squeeze %dma_wait3A_103 : memref<1x80x128xf32, #tpu.memory_space<vmem>> -> memref<80x128xf32, #tpu.memory_space<vmem>>
      %dma_wait3A_105 = arith.constant 0 : i32
      %dma_wait3A_106 = arith.constant 0 : i32
      %dma_wait3A_107 = tpu.memref_slice %arg2[%dma_wait3A_105, %dma_wait3A_106] : memref<10000x128xf32, #tpu.memory_space<hbm>> -> memref<80x128xf32, #tpu.memory_space<hbm>>
      tpu.wait_dma2 semaphore(%arg11 : memref<!tpu.dma_semaphore, #tpu.memory_space<semaphore_mem>>) src(%dma_wait3A_107 : memref<80x128xf32, #tpu.memory_space<hbm>>) dst(%dma_wait3A_104 : memref<80x128xf32, #tpu.memory_space<vmem>>)
      %dma_start3A_108 = arith.constant 0 : i32
      %dma_start3A_109 = arith.constant 0 : i32
      %dma_start3A_110 = arith.constant 0 : i32
      %dma_start3A_111 = tpu.memref_slice %arg9[%dma_start3A_108, %dma_start3A_109, %dma_start3A_110] : memref<2x80x128xf32, #tpu.memory_space<vmem>> -> memref<1x80x128xf32, #tpu.memory_space<vmem>>
      %dma_start3A_112 = tpu.memref_squeeze %dma_start3A_111 : memref<1x80x128xf32, #tpu.memory_space<vmem>> -> memref<80x128xf32, #tpu.memory_space<vmem>>
      %dma_start3A_113 = arith.constant 0 : i32
      %dma_start3A_114 = tpu.memref_slice %arg8[%add3A_82, %dma_start3A_113] : memref<125x80xi32, #tpu.memory_space<vmem>> -> memref<1x80xi32, #tpu.memory_space<vmem>>
      %dma_start3A_115 = tpu.memref_squeeze %dma_start3A_114 : memref<1x80xi32, #tpu.memory_space<vmem>> -> memref<80xi32, #tpu.memory_space<vmem>>
      %dma_start3A_116 = arith.constant 0 : i32
      %dma_start3A_117 = arith.constant 0 : i32
      %dma_start3A_118 = tpu.memref_slice %arg10[%dma_start3A_116, %dma_start3A_117] : memref<10000x128xf32, #tpu.memory_space<vmem_shared>> -> memref<10000x128xf32, #tpu.memory_space<vmem_shared>>
      tpu.enqueue_indirect_dma source(%dma_start3A_112 : memref<80x128xf32, #tpu.memory_space<vmem>>) target(%dma_start3A_118 : memref<10000x128xf32, #tpu.memory_space<vmem_shared>>) offsets(%dma_start3A_115 : memref<80xi32, #tpu.memory_space<vmem>>) semaphore(%arg13 : memref<!tpu.dma_semaphore, #tpu.memory_space<semaphore_mem>>) {add = true}
      %mul3A_119 = arith.constant 2 : i32
      %mul3A_120 = arith.muli %scan3A_78, %mul3A_119 : i32
      %add3A_121 = arith.constant 1 : i32
      %add3A_122 = arith.addi %mul3A_120, %add3A_121 : i32
      %ge3A_123 = arith.constant 1 : i32
      %ge3A_124 = arith.cmpi sge, %add3A_122, %ge3A_123 : i32
      %convert_element_type3A_125 = arith.extui %ge3A_124 : i1 to i32
      %cond3A_126 = arith.constant 0 : i32
      %cond3A_127 = arith.cmpi ne, %convert_element_type3A_125, %cond3A_126 : i32
      scf.if %cond3A_127 {
        %dma_wait3A_161 = arith.constant 0 : i32
        %dma_wait3A_162 = arith.constant 0 : i32
        %dma_wait3A_163 = arith.constant 0 : i32
        %dma_wait3A_164 = arith.constant 0 : i32
        %dma_wait3A_165 = tpu.memref_slice %arg9[%dma_wait3A_161, %dma_wait3A_163, %dma_wait3A_164] : memref<2x80x128xf32, #tpu.memory_space<vmem>> -> memref<1x80x128xf32, #tpu.memory_space<vmem>>
        %dma_wait3A_166 = tpu.memref_squeeze %dma_wait3A_165 : memref<1x80x128xf32, #tpu.memory_space<vmem>> -> memref<80x128xf32, #tpu.memory_space<vmem>>
        %dma_wait3A_167 = arith.constant 0 : i32
        %dma_wait3A_168 = tpu.memref_slice %arg8[%dma_wait3A_162, %dma_wait3A_167] : memref<125x80xi32, #tpu.memory_space<vmem>> -> memref<1x80xi32, #tpu.memory_space<vmem>>
        %dma_wait3A_169 = tpu.memref_squeeze %dma_wait3A_168 : memref<1x80xi32, #tpu.memory_space<vmem>> -> memref<80xi32, #tpu.memory_space<vmem>>
        %dma_wait3A_170 = arith.constant 0 : i32
        %dma_wait3A_171 = arith.constant 0 : i32
        %dma_wait3A_172 = tpu.memref_slice %arg10[%dma_wait3A_170, %dma_wait3A_171] : memref<10000x128xf32, #tpu.memory_space<vmem_shared>> -> memref<10000x128xf32, #tpu.memory_space<vmem_shared>>
        tpu.wait_indirect_dma semaphore(%arg13 : memref<!tpu.dma_semaphore, #tpu.memory_space<semaphore_mem>>) src(%dma_wait3A_166 : memref<80x128xf32, #tpu.memory_space<vmem>>) dst(%dma_wait3A_172 : memref<10000x128xf32, #tpu.memory_space<vmem_shared>>)
      } else {
      }
      %add3A_128 = arith.constant 1 : i32
      %add3A_129 = arith.addi %add3A_122, %add3A_128 : i32
      %lt3A_130 = arith.constant 125 : i32
      %lt3A_131 = arith.cmpi slt, %add3A_129, %lt3A_130 : i32
      %convert_element_type3A_132 = arith.extui %lt3A_131 : i1 to i32
      %cond3A_133 = arith.constant 0 : i32
      %cond3A_134 = arith.cmpi ne, %convert_element_type3A_132, %cond3A_133 : i32
      scf.if %cond3A_134 {
        %add3A_161 = arith.constant 1 : i32
        %add3A_162 = arith.addi %add3A_122, %add3A_161 : i32
        %mul3A_163 = arith.constant 80 : i32
        %mul3A_164 = arith.muli %add3A_162, %mul3A_163 : i32
        %dma_start3A_165 = arith.constant 0 : i32
        %dma_start3A_166 = arith.constant 0 : i32
        %dma_start3A_167 = arith.constant 0 : i32
        %dma_start3A_168 = tpu.memref_slice %arg9[%dma_start3A_165, %dma_start3A_166, %dma_start3A_167] : memref<2x80x128xf32, #tpu.memory_space<vmem>> -> memref<1x80x128xf32, #tpu.memory_space<vmem>>
        %dma_start3A_169 = tpu.memref_squeeze %dma_start3A_168 : memref<1x80x128xf32, #tpu.memory_space<vmem>> -> memref<80x128xf32, #tpu.memory_space<vmem>>
        %dma_start3A_170 = tpu.memref_slice %arg7[%mul3A_164] : memref<10000xi32, #tpu.memory_space<vmem>> -> memref<80xi32, #tpu.memory_space<vmem>>
        %dma_start3A_171 = arith.constant 0 : i32
        %dma_start3A_172 = arith.constant 0 : i32
        %dma_start3A_173 = tpu.memref_slice %arg2[%dma_start3A_171, %dma_start3A_172] : memref<10000x128xf32, #tpu.memory_space<hbm>> -> memref<10000x128xf32, #tpu.memory_space<hbm>>
        tpu.enqueue_indirect_dma source(%dma_start3A_173 : memref<10000x128xf32, #tpu.memory_space<hbm>>) target(%dma_start3A_169 : memref<80x128xf32, #tpu.memory_space<vmem>>) offsets(%dma_start3A_170 : memref<80xi32, #tpu.memory_space<vmem>>) semaphore(%arg11 : memref<!tpu.dma_semaphore, #tpu.memory_space<semaphore_mem>>)
      } else {
      }
      %dma_wait3A_135 = arith.constant 1 : i32
      %dma_wait3A_136 = arith.constant 0 : i32
      %dma_wait3A_137 = arith.constant 0 : i32
      %dma_wait3A_138 = tpu.memref_slice %arg9[%dma_wait3A_135, %dma_wait3A_136, %dma_wait3A_137] : memref<2x80x128xf32, #tpu.memory_space<vmem>> -> memref<1x80x128xf32, #tpu.memory_space<vmem>>
      %dma_wait3A_139 = tpu.memref_squeeze %dma_wait3A_138 : memref<1x80x128xf32, #tpu.memory_space<vmem>> -> memref<80x128xf32, #tpu.memory_space<vmem>>
      %dma_wait3A_140 = arith.constant 0 : i32
      %dma_wait3A_141 = arith.constant 0 : i32
      %dma_wait3A_142 = tpu.memref_slice %arg2[%dma_wait3A_140, %dma_wait3A_141] : memref<10000x128xf32, #tpu.memory_space<hbm>> -> memref<80x128xf32, #tpu.memory_space<hbm>>
      %dma_wait3A_143 = arith.constant 0 : i32
      %dma_wait3A_144 = arith.constant 0 : i32
      %dma_wait3A_145 = tpu.memref_slice %arg9[%dma_wait3A_135, %dma_wait3A_143, %dma_wait3A_144] : memref<2x80x128xf32, #tpu.memory_space<vmem>> -> memref<1x80x128xf32, #tpu.memory_space<vmem>>
      %dma_wait3A_146 = tpu.memref_squeeze %dma_wait3A_145 : memref<1x80x128xf32, #tpu.memory_space<vmem>> -> memref<80x128xf32, #tpu.memory_space<vmem>>
      %dma_wait3A_147 = arith.constant 0 : i32
      %dma_wait3A_148 = arith.constant 0 : i32
      %dma_wait3A_149 = tpu.memref_slice %arg2[%dma_wait3A_147, %dma_wait3A_148] : memref<10000x128xf32, #tpu.memory_space<hbm>> -> memref<80x128xf32, #tpu.memory_space<hbm>>
      tpu.wait_dma2 semaphore(%arg12 : memref<!tpu.dma_semaphore, #tpu.memory_space<semaphore_mem>>) src(%dma_wait3A_149 : memref<80x128xf32, #tpu.memory_space<hbm>>) dst(%dma_wait3A_146 : memref<80x128xf32, #tpu.memory_space<vmem>>)
      %dma_start3A_150 = arith.constant 1 : i32
      %dma_start3A_151 = arith.constant 0 : i32
      %dma_start3A_152 = arith.constant 0 : i32
      %dma_start3A_153 = tpu.memref_slice %arg9[%dma_start3A_150, %dma_start3A_151, %dma_start3A_152] : memref<2x80x128xf32, #tpu.memory_space<vmem>> -> memref<1x80x128xf32, #tpu.memory_space<vmem>>
      %dma_start3A_154 = tpu.memref_squeeze %dma_start3A_153 : memref<1x80x128xf32, #tpu.memory_space<vmem>> -> memref<80x128xf32, #tpu.memory_space<vmem>>
      %dma_start3A_155 = arith.constant 0 : i32
      %dma_start3A_156 = tpu.memref_slice %arg8[%add3A_122, %dma_start3A_155] : memref<125x80xi32, #tpu.memory_space<vmem>> -> memref<1x80xi32, #tpu.memory_space<vmem>>
      %dma_start3A_157 = tpu.memref_squeeze %dma_start3A_156 : memref<1x80xi32, #tpu.memory_space<vmem>> -> memref<80xi32, #tpu.memory_space<vmem>>
      %dma_start3A_158 = arith.constant 0 : i32
      %dma_start3A_159 = arith.constant 0 : i32
      %dma_start3A_160 = tpu.memref_slice %arg10[%dma_start3A_158, %dma_start3A_159] : memref<10000x128xf32, #tpu.memory_space<vmem_shared>> -> memref<10000x128xf32, #tpu.memory_space<vmem_shared>>
      tpu.enqueue_indirect_dma source(%dma_start3A_154 : memref<80x128xf32, #tpu.memory_space<vmem>>) target(%dma_start3A_160 : memref<10000x128xf32, #tpu.memory_space<vmem_shared>>) offsets(%dma_start3A_157 : memref<80xi32, #tpu.memory_space<vmem>>) semaphore(%arg14 : memref<!tpu.dma_semaphore, #tpu.memory_space<semaphore_mem>>) {add = true}
    }
    %scan3A_21 = arith.constant 62 : i32
    %dma_wait3A = arith.constant 1 : i32
    %dma_wait3A_22 = arith.constant 0 : i32
    %dma_wait3A_23 = arith.constant 0 : i32
    %dma_wait3A_24 = arith.constant 0 : i32
    %dma_wait3A_25 = tpu.memref_slice %arg9[%dma_wait3A, %dma_wait3A_23, %dma_wait3A_24] : memref<2x80x128xf32, #tpu.memory_space<vmem>> -> memref<1x80x128xf32, #tpu.memory_space<vmem>>
    %dma_wait3A_26 = tpu.memref_squeeze %dma_wait3A_25 : memref<1x80x128xf32, #tpu.memory_space<vmem>> -> memref<80x128xf32, #tpu.memory_space<vmem>>
    %dma_wait3A_27 = arith.constant 0 : i32
    %dma_wait3A_28 = tpu.memref_slice %arg8[%dma_wait3A_22, %dma_wait3A_27] : memref<125x80xi32, #tpu.memory_space<vmem>> -> memref<1x80xi32, #tpu.memory_space<vmem>>
    %dma_wait3A_29 = tpu.memref_squeeze %dma_wait3A_28 : memref<1x80xi32, #tpu.memory_space<vmem>> -> memref<80xi32, #tpu.memory_space<vmem>>
    %dma_wait3A_30 = arith.constant 0 : i32
    %dma_wait3A_31 = arith.constant 0 : i32
    %dma_wait3A_32 = tpu.memref_slice %arg10[%dma_wait3A_30, %dma_wait3A_31] : memref<10000x128xf32, #tpu.memory_space<vmem_shared>> -> memref<10000x128xf32, #tpu.memory_space<vmem_shared>>
    tpu.wait_indirect_dma semaphore(%arg14 : memref<!tpu.dma_semaphore, #tpu.memory_space<semaphore_mem>>) src(%dma_wait3A_26 : memref<80x128xf32, #tpu.memory_space<vmem>>) dst(%dma_wait3A_32 : memref<10000x128xf32, #tpu.memory_space<vmem_shared>>)
    %dma_wait3A_33 = arith.constant 0 : i32
    %dma_wait3A_34 = arith.constant 0 : i32
    %dma_wait3A_35 = arith.constant 0 : i32
    %dma_wait3A_36 = tpu.memref_slice %arg9[%dma_wait3A_33, %dma_wait3A_34, %dma_wait3A_35] : memref<2x80x128xf32, #tpu.memory_space<vmem>> -> memref<1x80x128xf32, #tpu.memory_space<vmem>>
    %dma_wait3A_37 = tpu.memref_squeeze %dma_wait3A_36 : memref<1x80x128xf32, #tpu.memory_space<vmem>> -> memref<80x128xf32, #tpu.memory_space<vmem>>
    %dma_wait3A_38 = arith.constant 0 : i32
    %dma_wait3A_39 = arith.constant 0 : i32
    %dma_wait3A_40 = tpu.memref_slice %arg2[%dma_wait3A_38, %dma_wait3A_39] : memref<10000x128xf32, #tpu.memory_space<hbm>> -> memref<80x128xf32, #tpu.memory_space<hbm>>
    %dma_wait3A_41 = arith.constant 0 : i32
    %dma_wait3A_42 = arith.constant 0 : i32
    %dma_wait3A_43 = tpu.memref_slice %arg9[%dma_wait3A_33, %dma_wait3A_41, %dma_wait3A_42] : memref<2x80x128xf32, #tpu.memory_space<vmem>> -> memref<1x80x128xf32, #tpu.memory_space<vmem>>
    %dma_wait3A_44 = tpu.memref_squeeze %dma_wait3A_43 : memref<1x80x128xf32, #tpu.memory_space<vmem>> -> memref<80x128xf32, #tpu.memory_space<vmem>>
    %dma_wait3A_45 = arith.constant 0 : i32
    %dma_wait3A_46 = arith.constant 0 : i32
    %dma_wait3A_47 = tpu.memref_slice %arg2[%dma_wait3A_45, %dma_wait3A_46] : memref<10000x128xf32, #tpu.memory_space<hbm>> -> memref<80x128xf32, #tpu.memory_space<hbm>>
    tpu.wait_dma2 semaphore(%arg11 : memref<!tpu.dma_semaphore, #tpu.memory_space<semaphore_mem>>) src(%dma_wait3A_47 : memref<80x128xf32, #tpu.memory_space<hbm>>) dst(%dma_wait3A_44 : memref<80x128xf32, #tpu.memory_space<vmem>>)
    %dma_start3A_48 = arith.constant 0 : i32
    %dma_start3A_49 = arith.constant 124 : i32
    %dma_start3A_50 = arith.constant 0 : i32
    %dma_start3A_51 = arith.constant 0 : i32
    %dma_start3A_52 = tpu.memref_slice %arg9[%dma_start3A_48, %dma_start3A_50, %dma_start3A_51] : memref<2x80x128xf32, #tpu.memory_space<vmem>> -> memref<1x80x128xf32, #tpu.memory_space<vmem>>
    %dma_start3A_53 = tpu.memref_squeeze %dma_start3A_52 : memref<1x80x128xf32, #tpu.memory_space<vmem>> -> memref<80x128xf32, #tpu.memory_space<vmem>>
    %dma_start3A_54 = arith.constant 0 : i32
    %dma_start3A_55 = tpu.memref_slice %arg8[%dma_start3A_49, %dma_start3A_54] : memref<125x80xi32, #tpu.memory_space<vmem>> -> memref<1x80xi32, #tpu.memory_space<vmem>>
    %dma_start3A_56 = tpu.memref_squeeze %dma_start3A_55 : memref<1x80xi32, #tpu.memory_space<vmem>> -> memref<80xi32, #tpu.memory_space<vmem>>
    %dma_start3A_57 = arith.constant 0 : i32
    %dma_start3A_58 = arith.constant 0 : i32
    %dma_start3A_59 = tpu.memref_slice %arg10[%dma_start3A_57, %dma_start3A_58] : memref<10000x128xf32, #tpu.memory_space<vmem_shared>> -> memref<10000x128xf32, #tpu.memory_space<vmem_shared>>
    tpu.enqueue_indirect_dma source(%dma_start3A_53 : memref<80x128xf32, #tpu.memory_space<vmem>>) target(%dma_start3A_59 : memref<10000x128xf32, #tpu.memory_space<vmem_shared>>) offsets(%dma_start3A_56 : memref<80xi32, #tpu.memory_space<vmem>>) semaphore(%arg13 : memref<!tpu.dma_semaphore, #tpu.memory_space<semaphore_mem>>) {add = true}
    %dma_wait3A_60 = arith.constant 0 : i32
    %dma_wait3A_61 = arith.constant 0 : i32
    %dma_wait3A_62 = arith.constant 0 : i32
    %dma_wait3A_63 = arith.constant 0 : i32
    %dma_wait3A_64 = tpu.memref_slice %arg9[%dma_wait3A_60, %dma_wait3A_62, %dma_wait3A_63] : memref<2x80x128xf32, #tpu.memory_space<vmem>> -> memref<1x80x128xf32, #tpu.memory_space<vmem>>
    %dma_wait3A_65 = tpu.memref_squeeze %dma_wait3A_64 : memref<1x80x128xf32, #tpu.memory_space<vmem>> -> memref<80x128xf32, #tpu.memory_space<vmem>>
    %dma_wait3A_66 = arith.constant 0 : i32
    %dma_wait3A_67 = tpu.memref_slice %arg8[%dma_wait3A_61, %dma_wait3A_66] : memref<125x80xi32, #tpu.memory_space<vmem>> -> memref<1x80xi32, #tpu.memory_space<vmem>>
    %dma_wait3A_68 = tpu.memref_squeeze %dma_wait3A_67 : memref<1x80xi32, #tpu.memory_space<vmem>> -> memref<80xi32, #tpu.memory_space<vmem>>
    %dma_wait3A_69 = arith.constant 0 : i32
    %dma_wait3A_70 = arith.constant 0 : i32
    %dma_wait3A_71 = tpu.memref_slice %arg10[%dma_wait3A_69, %dma_wait3A_70] : memref<10000x128xf32, #tpu.memory_space<vmem_shared>> -> memref<10000x128xf32, #tpu.memory_space<vmem_shared>>
    tpu.wait_indirect_dma semaphore(%arg13 : memref<!tpu.dma_semaphore, #tpu.memory_space<semaphore_mem>>) src(%dma_wait3A_65 : memref<80x128xf32, #tpu.memory_space<vmem>>) dst(%dma_wait3A_71 : memref<10000x128xf32, #tpu.memory_space<vmem_shared>>)
    %barrier3A_72 = arith.constant 0 : index
    tpu.barrier barrier_id(%barrier3A_72)
    "tpu.region"() ({
      %run_scoped3A = tpu.sem_alloc : memref<!tpu.dma_semaphore, #tpu.memory_space<semaphore_mem>>
      %dma_start3A_78 = arith.constant 0 : i32
      %dma_start3A_79 = tpu.memref_slice %arg6[%arg0, %multiple_of3A, %dma_start3A_78] : memref<2x10000x128xf32, #tpu.memory_space<hbm>> -> memref<1x624x128xf32, #tpu.memory_space<hbm>>
      %dma_start3A_80 = tpu.memref_squeeze %dma_start3A_79 : memref<1x624x128xf32, #tpu.memory_space<hbm>> -> memref<624x128xf32, #tpu.memory_space<hbm>>
      %dma_start3A_81 = arith.constant 0 : i32
      %dma_start3A_82 = tpu.memref_slice %arg10[%multiple_of3A, %dma_start3A_81] : memref<10000x128xf32, #tpu.memory_space<vmem_shared>> -> memref<624x128xf32, #tpu.memory_space<vmem_shared>>
      tpu.enqueue_dma source(%dma_start3A_82 : memref<624x128xf32, #tpu.memory_space<vmem_shared>>) target(%dma_start3A_80 : memref<624x128xf32, #tpu.memory_space<hbm>>) target_semaphore(%run_scoped3A : memref<!tpu.dma_semaphore, #tpu.memory_space<semaphore_mem>>)
      %dma_wait3A_83 = arith.constant 0 : i32
      %dma_wait3A_84 = tpu.memref_slice %arg6[%arg0, %multiple_of3A, %dma_wait3A_83] : memref<2x10000x128xf32, #tpu.memory_space<hbm>> -> memref<1x624x128xf32, #tpu.memory_space<hbm>>
      %dma_wait3A_85 = tpu.memref_squeeze %dma_wait3A_84 : memref<1x624x128xf32, #tpu.memory_space<hbm>> -> memref<624x128xf32, #tpu.memory_space<hbm>>
      %dma_wait3A_86 = arith.constant 0 : i32
      %dma_wait3A_87 = tpu.memref_slice %arg10[%multiple_of3A, %dma_wait3A_86] : memref<10000x128xf32, #tpu.memory_space<vmem_shared>> -> memref<624x128xf32, #tpu.memory_space<vmem_shared>>
      tpu.wait_dma2 semaphore(%run_scoped3A : memref<!tpu.dma_semaphore, #tpu.memory_space<semaphore_mem>>) src(%dma_wait3A_87 : memref<624x128xf32, #tpu.memory_space<vmem_shared>>) dst(%dma_wait3A_85 : memref<624x128xf32, #tpu.memory_space<hbm>>)
      tpu.yield
    }) : () -> ()
    %eq3A_73 = arith.constant 15 : i32
    %eq3A_74 = arith.cmpi eq, %arg1, %eq3A_73 : i32
    %convert_element_type3A_75 = arith.extui %eq3A_74 : i1 to i32
    %cond3A_76 = arith.constant 0 : i32
    %cond3A_77 = arith.cmpi ne, %convert_element_type3A_75, %cond3A_76 : i32
    scf.if %cond3A_77 {
      "tpu.region"() ({
        %run_scoped3A = tpu.sem_alloc : memref<!tpu.dma_semaphore, #tpu.memory_space<semaphore_mem>>
        %dma_start3A_78 = arith.constant 9984 : i32
        %dma_start3A_79 = arith.constant 0 : i32
        %dma_start3A_80 = tpu.memref_slice %arg6[%arg0, %dma_start3A_78, %dma_start3A_79] : memref<2x10000x128xf32, #tpu.memory_space<hbm>> -> memref<1x16x128xf32, #tpu.memory_space<hbm>>
        %dma_start3A_81 = tpu.memref_squeeze %dma_start3A_80 : memref<1x16x128xf32, #tpu.memory_space<hbm>> -> memref<16x128xf32, #tpu.memory_space<hbm>>
        %dma_start3A_82 = arith.constant 9984 : i32
        %dma_start3A_83 = arith.constant 0 : i32
        %dma_start3A_84 = tpu.memref_slice %arg10[%dma_start3A_82, %dma_start3A_83] : memref<10000x128xf32, #tpu.memory_space<vmem_shared>> -> memref<16x128xf32, #tpu.memory_space<vmem_shared>>
        tpu.enqueue_dma source(%dma_start3A_84 : memref<16x128xf32, #tpu.memory_space<vmem_shared>>) target(%dma_start3A_81 : memref<16x128xf32, #tpu.memory_space<hbm>>) target_semaphore(%run_scoped3A : memref<!tpu.dma_semaphore, #tpu.memory_space<semaphore_mem>>)
        %dma_wait3A_85 = arith.constant 9984 : i32
        %dma_wait3A_86 = arith.constant 0 : i32
        %dma_wait3A_87 = tpu.memref_slice %arg6[%arg0, %dma_wait3A_85, %dma_wait3A_86] : memref<2x10000x128xf32, #tpu.memory_space<hbm>> -> memref<1x16x128xf32, #tpu.memory_space<hbm>>
        %dma_wait3A_88 = tpu.memref_squeeze %dma_wait3A_87 : memref<1x16x128xf32, #tpu.memory_space<hbm>> -> memref<16x128xf32, #tpu.memory_space<hbm>>
        %dma_wait3A_89 = arith.constant 9984 : i32
        %dma_wait3A_90 = arith.constant 0 : i32
        %dma_wait3A_91 = tpu.memref_slice %arg10[%dma_wait3A_89, %dma_wait3A_90] : memref<10000x128xf32, #tpu.memory_space<vmem_shared>> -> memref<16x128xf32, #tpu.memory_space<vmem_shared>>
        tpu.wait_dma2 semaphore(%run_scoped3A : memref<!tpu.dma_semaphore, #tpu.memory_space<semaphore_mem>>) src(%dma_wait3A_91 : memref<16x128xf32, #tpu.memory_space<vmem_shared>>) dst(%dma_wait3A_88 : memref<16x128xf32, #tpu.memory_space<hbm>>)
        tpu.yield
      }) : () -> ()
    } else {
    }
    return
  }
}

#map = affine_map<(d0, d1) -> (0, 0)>
#map1 = affine_map<(d0, d1) -> (0)>
#map2 = affine_map<(d0, d1) -> (0, 0, 0)>
module attributes {stable_mosaic.version = 14 : i64} {
  func.func @_spmm_body(%arg0: i32, %arg1: i32, %arg2: memref<10000x128xf32, #tpu.memory_space<hbm>>, %arg3: memref<320000xi32, #tpu.memory_space<hbm>>, %arg4: memref<32x125x80xi32, #tpu.memory_space<hbm>>, %arg5: memref<10000x128xf32, #tpu.memory_space<hbm>>, %arg6: memref<2x10000x128xf32, #tpu.memory_space<hbm>>, %arg7: memref<10000xi32, #tpu.memory_space<vmem>>, %arg8: memref<125x80xi32, #tpu.memory_space<vmem>>, %arg9: memref<2x80x128xf32, #tpu.memory_space<vmem>>, %arg10: memref<10000x128xf32, #tpu.memory_space<vmem_shared>>, %arg11: memref<!tpu.dma_semaphore, #tpu.memory_space<semaphore_mem>>, %arg12: memref<!tpu.dma_semaphore, #tpu.memory_space<semaphore_mem>>, %arg13: memref<!tpu.dma_semaphore, #tpu.memory_space<semaphore_mem>>, %arg14: memref<!tpu.dma_semaphore, #tpu.memory_space<semaphore_mem>>) attributes {dimension_semantics = [#tpu.dimension_semantics<core_parallel>, #tpu.dimension_semantics<subcore_parallel>], iteration_bounds = array<i64: 2, 16>, scalar_prefetch = 0 : i64, scratch_operands = 8 : i64, tpu.core_type = #tpu.core_type<sc_vector_subcore>, window_params = [{transform_indices = #map}, {transform_indices = #map1}, {transform_indices = #map2}, {transform_indices = #map}, {transform_indices = #map2}]} {
    %mul3A = arith.constant 2 : i32
    %mul3A_0 = arith.muli %arg1, %mul3A : i32
    %add3A = arith.addi %mul3A_0, %arg0 : i32
    %mul3A_1 = arith.constant 624 : i32
    %mul3A_2 = arith.muli %arg1, %mul3A_1 : i32
    %multiple_of3A = tpu.assume_multiple %mul3A_2, 8 : i32
    %mul3A_3 = arith.constant 10000 : i32
    %mul3A_4 = arith.muli %add3A, %mul3A_3 : i32
    %multiple_of3A_5 = tpu.assume_multiple %mul3A_4, 8 : i32
    "tpu.region"() ({
      %run_scoped3A = tpu.sem_alloc : memref<!tpu.dma_semaphore, #tpu.memory_space<semaphore_mem>>
      %dma_start3A_78 = tpu.memref_slice %arg3[%multiple_of3A_5] : memref<320000xi32, #tpu.memory_space<hbm>> -> memref<10000xi32, #tpu.memory_space<hbm>>
      %dma_start3A_79 = tpu.memref_slice %arg3[%multiple_of3A_5] : memref<320000xi32, #tpu.memory_space<hbm>> -> memref<10000xi32, #tpu.memory_space<hbm>>
      tpu.enqueue_dma source(%dma_start3A_79 : memref<10000xi32, #tpu.memory_space<hbm>>) target(%arg7 : memref<10000xi32, #tpu.memory_space<vmem>>) target_semaphore(%run_scoped3A : memref<!tpu.dma_semaphore, #tpu.memory_space<semaphore_mem>>)
      %dma_wait3A_80 = tpu.memref_slice %arg3[%multiple_of3A_5] : memref<320000xi32, #tpu.memory_space<hbm>> -> memref<10000xi32, #tpu.memory_space<hbm>>
      %dma_wait3A_81 = tpu.memref_slice %arg3[%multiple_of3A_5] : memref<320000xi32, #tpu.memory_space<hbm>> -> memref<10000xi32, #tpu.memory_space<hbm>>
      tpu.wait_dma2 semaphore(%run_scoped3A : memref<!tpu.dma_semaphore, #tpu.memory_space<semaphore_mem>>) src(%dma_wait3A_81 : memref<10000xi32, #tpu.memory_space<hbm>>) dst(%arg7 : memref<10000xi32, #tpu.memory_space<vmem>>)
      tpu.yield
    }) : () -> ()
    "tpu.region"() ({
      %run_scoped3A = tpu.sem_alloc : memref<!tpu.dma_semaphore, #tpu.memory_space<semaphore_mem>>
      %dma_start3A_78 = arith.constant 0 : i32
      %dma_start3A_79 = arith.constant 0 : i32
      %dma_start3A_80 = tpu.memref_slice %arg4[%add3A, %dma_start3A_78, %dma_start3A_79] : memref<32x125x80xi32, #tpu.memory_space<hbm>> -> memref<1x125x80xi32, #tpu.memory_space<hbm>>
      %dma_start3A_81 = tpu.memref_squeeze %dma_start3A_80 : memref<1x125x80xi32, #tpu.memory_space<hbm>> -> memref<125x80xi32, #tpu.memory_space<hbm>>
      %dma_start3A_82 = arith.constant 0 : i32
      %dma_start3A_83 = arith.constant 0 : i32
      %dma_start3A_84 = tpu.memref_slice %arg4[%add3A, %dma_start3A_82, %dma_start3A_83] : memref<32x125x80xi32, #tpu.memory_space<hbm>> -> memref<1x125x80xi32, #tpu.memory_space<hbm>>
      %dma_start3A_85 = tpu.memref_squeeze %dma_start3A_84 : memref<1x125x80xi32, #tpu.memory_space<hbm>> -> memref<125x80xi32, #tpu.memory_space<hbm>>
      tpu.enqueue_dma source(%dma_start3A_85 : memref<125x80xi32, #tpu.memory_space<hbm>>) target(%arg8 : memref<125x80xi32, #tpu.memory_space<vmem>>) target_semaphore(%run_scoped3A : memref<!tpu.dma_semaphore, #tpu.memory_space<semaphore_mem>>)
      %dma_wait3A_86 = arith.constant 0 : i32
      %dma_wait3A_87 = arith.constant 0 : i32
      %dma_wait3A_88 = tpu.memref_slice %arg4[%add3A, %dma_wait3A_86, %dma_wait3A_87] : memref<32x125x80xi32, #tpu.memory_space<hbm>> -> memref<1x125x80xi32, #tpu.memory_space<hbm>>
      %dma_wait3A_89 = tpu.memref_squeeze %dma_wait3A_88 : memref<1x125x80xi32, #tpu.memory_space<hbm>> -> memref<125x80xi32, #tpu.memory_space<hbm>>
      %dma_wait3A_90 = arith.constant 0 : i32
      %dma_wait3A_91 = arith.constant 0 : i32
      %dma_wait3A_92 = tpu.memref_slice %arg4[%add3A, %dma_wait3A_90, %dma_wait3A_91] : memref<32x125x80xi32, #tpu.memory_space<hbm>> -> memref<1x125x80xi32, #tpu.memory_space<hbm>>
      %dma_wait3A_93 = tpu.memref_squeeze %dma_wait3A_92 : memref<1x125x80xi32, #tpu.memory_space<hbm>> -> memref<125x80xi32, #tpu.memory_space<hbm>>
      tpu.wait_dma2 semaphore(%run_scoped3A : memref<!tpu.dma_semaphore, #tpu.memory_space<semaphore_mem>>) src(%dma_wait3A_93 : memref<125x80xi32, #tpu.memory_space<hbm>>) dst(%arg8 : memref<125x80xi32, #tpu.memory_space<vmem>>)
      tpu.yield
    }) : () -> ()
    "tpu.region"() ({
      %run_scoped3A = tpu.sem_alloc : memref<!tpu.dma_semaphore, #tpu.memory_space<semaphore_mem>>
      %dma_start3A_78 = arith.constant 0 : i32
      %dma_start3A_79 = tpu.memref_slice %arg10[%multiple_of3A, %dma_start3A_78] : memref<10000x128xf32, #tpu.memory_space<vmem_shared>> -> memref<624x128xf32, #tpu.memory_space<vmem_shared>>
      %dma_start3A_80 = arith.constant 0 : i32
      %dma_start3A_81 = tpu.memref_slice %arg5[%multiple_of3A, %dma_start3A_80] : memref<10000x128xf32, #tpu.memory_space<hbm>> -> memref<624x128xf32, #tpu.memory_space<hbm>>
      tpu.enqueue_dma source(%dma_start3A_81 : memref<624x128xf32, #tpu.memory_space<hbm>>) target(%dma_start3A_79 : memref<624x128xf32, #tpu.memory_space<vmem_shared>>) target_semaphore(%run_scoped3A : memref<!tpu.dma_semaphore, #tpu.memory_space<semaphore_mem>>)
      %dma_wait3A_82 = arith.constant 0 : i32
      %dma_wait3A_83 = tpu.memref_slice %arg10[%multiple_of3A, %dma_wait3A_82] : memref<10000x128xf32, #tpu.memory_space<vmem_shared>> -> memref<624x128xf32, #tpu.memory_space<vmem_shared>>
      %dma_wait3A_84 = arith.constant 0 : i32
      %dma_wait3A_85 = tpu.memref_slice %arg5[%multiple_of3A, %dma_wait3A_84] : memref<10000x128xf32, #tpu.memory_space<hbm>> -> memref<624x128xf32, #tpu.memory_space<hbm>>
      tpu.wait_dma2 semaphore(%run_scoped3A : memref<!tpu.dma_semaphore, #tpu.memory_space<semaphore_mem>>) src(%dma_wait3A_85 : memref<624x128xf32, #tpu.memory_space<hbm>>) dst(%dma_wait3A_83 : memref<624x128xf32, #tpu.memory_space<vmem_shared>>)
      tpu.yield
    }) : () -> ()
    %eq3A = arith.constant 15 : i32
    %eq3A_6 = arith.cmpi eq, %arg1, %eq3A : i32
    %convert_element_type3A = arith.extui %eq3A_6 : i1 to i32
    %cond3A = arith.constant 0 : i32
    %cond3A_7 = arith.cmpi ne, %convert_element_type3A, %cond3A : i32
    scf.if %cond3A_7 {
      "tpu.region"() ({
        %run_scoped3A = tpu.sem_alloc : memref<!tpu.dma_semaphore, #tpu.memory_space<semaphore_mem>>
        %dma_start3A_78 = arith.constant 9984 : i32
        %dma_start3A_79 = arith.constant 0 : i32
        %dma_start3A_80 = tpu.memref_slice %arg10[%dma_start3A_78, %dma_start3A_79] : memref<10000x128xf32, #tpu.memory_space<vmem_shared>> -> memref<16x128xf32, #tpu.memory_space<vmem_shared>>
        %dma_start3A_81 = arith.constant 9984 : i32
        %dma_start3A_82 = arith.constant 0 : i32
        %dma_start3A_83 = tpu.memref_slice %arg5[%dma_start3A_81, %dma_start3A_82] : memref<10000x128xf32, #tpu.memory_space<hbm>> -> memref<16x128xf32, #tpu.memory_space<hbm>>
        tpu.enqueue_dma source(%dma_start3A_83 : memref<16x128xf32, #tpu.memory_space<hbm>>) target(%dma_start3A_80 : memref<16x128xf32, #tpu.memory_space<vmem_shared>>) target_semaphore(%run_scoped3A : memref<!tpu.dma_semaphore, #tpu.memory_space<semaphore_mem>>)
        %dma_wait3A_84 = arith.constant 9984 : i32
        %dma_wait3A_85 = arith.constant 0 : i32
        %dma_wait3A_86 = tpu.memref_slice %arg10[%dma_wait3A_84, %dma_wait3A_85] : memref<10000x128xf32, #tpu.memory_space<vmem_shared>> -> memref<16x128xf32, #tpu.memory_space<vmem_shared>>
        %dma_wait3A_87 = arith.constant 9984 : i32
        %dma_wait3A_88 = arith.constant 0 : i32
        %dma_wait3A_89 = tpu.memref_slice %arg5[%dma_wait3A_87, %dma_wait3A_88] : memref<10000x128xf32, #tpu.memory_space<hbm>> -> memref<16x128xf32, #tpu.memory_space<hbm>>
        tpu.wait_dma2 semaphore(%run_scoped3A : memref<!tpu.dma_semaphore, #tpu.memory_space<semaphore_mem>>) src(%dma_wait3A_89 : memref<16x128xf32, #tpu.memory_space<hbm>>) dst(%dma_wait3A_86 : memref<16x128xf32, #tpu.memory_space<vmem_shared>>)
        tpu.yield
      }) : () -> ()
    } else {
    }
    %barrier3A = arith.constant 0 : index
    tpu.barrier barrier_id(%barrier3A)
    %dma_start3A = arith.constant 0 : i32
    %dma_start3A_8 = arith.constant 0 : i32
    %dma_start3A_9 = arith.constant 0 : i32
    %dma_start3A_10 = tpu.memref_slice %arg9[%dma_start3A, %dma_start3A_8, %dma_start3A_9] : memref<2x80x128xf32, #tpu.memory_space<vmem>> -> memref<1x80x128xf32, #tpu.memory_space<vmem>>
    %dma_start3A_11 = tpu.memref_squeeze %dma_start3A_10 : memref<1x80x128xf32, #tpu.memory_space<vmem>> -> memref<80x128xf32, #tpu.memory_space<vmem>>
    %dma_start3A_12 = arith.constant 0 : i32
    %dma_start3A_13 = tpu.memref_slice %arg7[%dma_start3A_12] : memref<10000xi32, #tpu.memory_space<vmem>> -> memref<80xi32, #tpu.memory_space<vmem>>
    %dma_start3A_14 = arith.constant 0 : i32
    %dma_start3A_15 = arith.constant 0 : i32
    %dma_start3A_16 = tpu.memref_slice %arg2[%dma_start3A_14, %dma_start3A_15] : memref<10000x128xf32, #tpu.memory_space<hbm>> -> memref<10000x128xf32, #tpu.memory_space<hbm>>
    tpu.enqueue_indirect_dma source(%dma_start3A_16 : memref<10000x128xf32, #tpu.memory_space<hbm>>) target(%dma_start3A_11 : memref<80x128xf32, #tpu.memory_space<vmem>>) offsets(%dma_start3A_13 : memref<80xi32, #tpu.memory_space<vmem>>) semaphore(%arg11 : memref<!tpu.dma_semaphore, #tpu.memory_space<semaphore_mem>>)
    %scan3A = arith.constant 0 : i32
    %scan3A_17 = arith.constant 0 : i32
    %scan3A_18 = arith.constant 62 : i32
    %scan3A_19 = arith.addi %scan3A_17, %scan3A_18 : i32
    %scan3A_20 = arith.constant 1 : i32
    scf.for %scan3A_78 = %scan3A_17 to %scan3A_19 step %scan3A_20  : i32 {
      %mul3A_79 = arith.constant 2 : i32
      %mul3A_80 = arith.muli %scan3A_78, %mul3A_79 : i32
      %add3A_81 = arith.constant 0 : i32
      %add3A_82 = arith.addi %mul3A_80, %add3A_81 : i32
      %ge3A = arith.constant 1 : i32
      %ge3A_83 = arith.cmpi sge, %add3A_82, %ge3A : i32
      %convert_element_type3A_84 = arith.extui %ge3A_83 : i1 to i32
      %cond3A_85 = arith.constant 0 : i32
      %cond3A_86 = arith.cmpi ne, %convert_element_type3A_84, %cond3A_85 : i32
      scf.if %cond3A_86 {
        %dma_wait3A_161 = arith.constant 1 : i32
        %dma_wait3A_162 = arith.constant 0 : i32
        %dma_wait3A_163 = arith.constant 0 : i32
        %dma_wait3A_164 = arith.constant 0 : i32
        %dma_wait3A_165 = tpu.memref_slice %arg9[%dma_wait3A_161, %dma_wait3A_163, %dma_wait3A_164] : memref<2x80x128xf32, #tpu.memory_space<vmem>> -> memref<1x80x128xf32, #tpu.memory_space<vmem>>
        %dma_wait3A_166 = tpu.memref_squeeze %dma_wait3A_165 : memref<1x80x128xf32, #tpu.memory_space<vmem>> -> memref<80x128xf32, #tpu.memory_space<vmem>>
        %dma_wait3A_167 = arith.constant 0 : i32
        %dma_wait3A_168 = tpu.memref_slice %arg8[%dma_wait3A_162, %dma_wait3A_167] : memref<125x80xi32, #tpu.memory_space<vmem>> -> memref<1x80xi32, #tpu.memory_space<vmem>>
        %dma_wait3A_169 = tpu.memref_squeeze %dma_wait3A_168 : memref<1x80xi32, #tpu.memory_space<vmem>> -> memref<80xi32, #tpu.memory_space<vmem>>
        %dma_wait3A_170 = arith.constant 0 : i32
        %dma_wait3A_171 = arith.constant 0 : i32
        %dma_wait3A_172 = tpu.memref_slice %arg10[%dma_wait3A_170, %dma_wait3A_171] : memref<10000x128xf32, #tpu.memory_space<vmem_shared>> -> memref<10000x128xf32, #tpu.memory_space<vmem_shared>>
        tpu.wait_indirect_dma semaphore(%arg14 : memref<!tpu.dma_semaphore, #tpu.memory_space<semaphore_mem>>) src(%dma_wait3A_166 : memref<80x128xf32, #tpu.memory_space<vmem>>) dst(%dma_wait3A_172 : memref<10000x128xf32, #tpu.memory_space<vmem_shared>>)
      } else {
      }
      %add3A_87 = arith.constant 1 : i32
      %add3A_88 = arith.addi %add3A_82, %add3A_87 : i32
      %lt3A = arith.constant 125 : i32
      %lt3A_89 = arith.cmpi slt, %add3A_88, %lt3A : i32
      %convert_element_type3A_90 = arith.extui %lt3A_89 : i1 to i32
      %cond3A_91 = arith.constant 0 : i32
      %cond3A_92 = arith.cmpi ne, %convert_element_type3A_90, %cond3A_91 : i32
      scf.if %cond3A_92 {
        %add3A_161 = arith.constant 1 : i32
        %add3A_162 = arith.addi %add3A_82, %add3A_161 : i32
        %mul3A_163 = arith.constant 80 : i32
        %mul3A_164 = arith.muli %add3A_162, %mul3A_163 : i32
        %dma_start3A_165 = arith.constant 1 : i32
        %dma_start3A_166 = arith.constant 0 : i32
        %dma_start3A_167 = arith.constant 0 : i32
        %dma_start3A_168 = tpu.memref_slice %arg9[%dma_start3A_165, %dma_start3A_166, %dma_start3A_167] : memref<2x80x128xf32, #tpu.memory_space<vmem>> -> memref<1x80x128xf32, #tpu.memory_space<vmem>>
        %dma_start3A_169 = tpu.memref_squeeze %dma_start3A_168 : memref<1x80x128xf32, #tpu.memory_space<vmem>> -> memref<80x128xf32, #tpu.memory_space<vmem>>
        %dma_start3A_170 = tpu.memref_slice %arg7[%mul3A_164] : memref<10000xi32, #tpu.memory_space<vmem>> -> memref<80xi32, #tpu.memory_space<vmem>>
        %dma_start3A_171 = arith.constant 0 : i32
        %dma_start3A_172 = arith.constant 0 : i32
        %dma_start3A_173 = tpu.memref_slice %arg2[%dma_start3A_171, %dma_start3A_172] : memref<10000x128xf32, #tpu.memory_space<hbm>> -> memref<10000x128xf32, #tpu.memory_space<hbm>>
        tpu.enqueue_indirect_dma source(%dma_start3A_173 : memref<10000x128xf32, #tpu.memory_space<hbm>>) target(%dma_start3A_169 : memref<80x128xf32, #tpu.memory_space<vmem>>) offsets(%dma_start3A_170 : memref<80xi32, #tpu.memory_space<vmem>>) semaphore(%arg12 : memref<!tpu.dma_semaphore, #tpu.memory_space<semaphore_mem>>)
      } else {
      }
      %dma_wait3A_93 = arith.constant 0 : i32
      %dma_wait3A_94 = arith.constant 0 : i32
      %dma_wait3A_95 = arith.constant 0 : i32
      %dma_wait3A_96 = tpu.memref_slice %arg9[%dma_wait3A_93, %dma_wait3A_94, %dma_wait3A_95] : memref<2x80x128xf32, #tpu.memory_space<vmem>> -> memref<1x80x128xf32, #tpu.memory_space<vmem>>
      %dma_wait3A_97 = tpu.memref_squeeze %dma_wait3A_96 : memref<1x80x128xf32, #tpu.memory_space<vmem>> -> memref<80x128xf32, #tpu.memory_space<vmem>>
      %dma_wait3A_98 = arith.constant 0 : i32
      %dma_wait3A_99 = arith.constant 0 : i32
      %dma_wait3A_100 = tpu.memref_slice %arg2[%dma_wait3A_98, %dma_wait3A_99] : memref<10000x128xf32, #tpu.memory_space<hbm>> -> memref<80x128xf32, #tpu.memory_space<hbm>>
      %dma_wait3A_101 = arith.constant 0 : i32
      %dma_wait3A_102 = arith.constant 0 : i32
      %dma_wait3A_103 = tpu.memref_slice %arg9[%dma_wait3A_93, %dma_wait3A_101, %dma_wait3A_102] : memref<2x80x128xf32, #tpu.memory_space<vmem>> -> memref<1x80x128xf32, #tpu.memory_space<vmem>>
      %dma_wait3A_104 = tpu.memref_squeeze %dma_wait3A_103 : memref<1x80x128xf32, #tpu.memory_space<vmem>> -> memref<80x128xf32, #tpu.memory_space<vmem>>
      %dma_wait3A_105 = arith.constant 0 : i32
      %dma_wait3A_106 = arith.constant 0 : i32
      %dma_wait3A_107 = tpu.memref_slice %arg2[%dma_wait3A_105, %dma_wait3A_106] : memref<10000x128xf32, #tpu.memory_space<hbm>> -> memref<80x128xf32, #tpu.memory_space<hbm>>
      tpu.wait_dma2 semaphore(%arg11 : memref<!tpu.dma_semaphore, #tpu.memory_space<semaphore_mem>>) src(%dma_wait3A_107 : memref<80x128xf32, #tpu.memory_space<hbm>>) dst(%dma_wait3A_104 : memref<80x128xf32, #tpu.memory_space<vmem>>)
      %dma_start3A_108 = arith.constant 0 : i32
      %dma_start3A_109 = arith.constant 0 : i32
      %dma_start3A_110 = arith.constant 0 : i32
      %dma_start3A_111 = tpu.memref_slice %arg9[%dma_start3A_108, %dma_start3A_109, %dma_start3A_110] : memref<2x80x128xf32, #tpu.memory_space<vmem>> -> memref<1x80x128xf32, #tpu.memory_space<vmem>>
      %dma_start3A_112 = tpu.memref_squeeze %dma_start3A_111 : memref<1x80x128xf32, #tpu.memory_space<vmem>> -> memref<80x128xf32, #tpu.memory_space<vmem>>
      %dma_start3A_113 = arith.constant 0 : i32
      %dma_start3A_114 = tpu.memref_slice %arg8[%add3A_82, %dma_start3A_113] : memref<125x80xi32, #tpu.memory_space<vmem>> -> memref<1x80xi32, #tpu.memory_space<vmem>>
      %dma_start3A_115 = tpu.memref_squeeze %dma_start3A_114 : memref<1x80xi32, #tpu.memory_space<vmem>> -> memref<80xi32, #tpu.memory_space<vmem>>
      %dma_start3A_116 = arith.constant 0 : i32
      %dma_start3A_117 = arith.constant 0 : i32
      %dma_start3A_118 = tpu.memref_slice %arg10[%dma_start3A_116, %dma_start3A_117] : memref<10000x128xf32, #tpu.memory_space<vmem_shared>> -> memref<10000x128xf32, #tpu.memory_space<vmem_shared>>
      tpu.enqueue_indirect_dma source(%dma_start3A_112 : memref<80x128xf32, #tpu.memory_space<vmem>>) target(%dma_start3A_118 : memref<10000x128xf32, #tpu.memory_space<vmem_shared>>) offsets(%dma_start3A_115 : memref<80xi32, #tpu.memory_space<vmem>>) semaphore(%arg13 : memref<!tpu.dma_semaphore, #tpu.memory_space<semaphore_mem>>) {add = true}
      %mul3A_119 = arith.constant 2 : i32
      %mul3A_120 = arith.muli %scan3A_78, %mul3A_119 : i32
      %add3A_121 = arith.constant 1 : i32
      %add3A_122 = arith.addi %mul3A_120, %add3A_121 : i32
      %ge3A_123 = arith.constant 1 : i32
      %ge3A_124 = arith.cmpi sge, %add3A_122, %ge3A_123 : i32
      %convert_element_type3A_125 = arith.extui %ge3A_124 : i1 to i32
      %cond3A_126 = arith.constant 0 : i32
      %cond3A_127 = arith.cmpi ne, %convert_element_type3A_125, %cond3A_126 : i32
      scf.if %cond3A_127 {
        %dma_wait3A_161 = arith.constant 0 : i32
        %dma_wait3A_162 = arith.constant 0 : i32
        %dma_wait3A_163 = arith.constant 0 : i32
        %dma_wait3A_164 = arith.constant 0 : i32
        %dma_wait3A_165 = tpu.memref_slice %arg9[%dma_wait3A_161, %dma_wait3A_163, %dma_wait3A_164] : memref<2x80x128xf32, #tpu.memory_space<vmem>> -> memref<1x80x128xf32, #tpu.memory_space<vmem>>
        %dma_wait3A_166 = tpu.memref_squeeze %dma_wait3A_165 : memref<1x80x128xf32, #tpu.memory_space<vmem>> -> memref<80x128xf32, #tpu.memory_space<vmem>>
        %dma_wait3A_167 = arith.constant 0 : i32
        %dma_wait3A_168 = tpu.memref_slice %arg8[%dma_wait3A_162, %dma_wait3A_167] : memref<125x80xi32, #tpu.memory_space<vmem>> -> memref<1x80xi32, #tpu.memory_space<vmem>>
        %dma_wait3A_169 = tpu.memref_squeeze %dma_wait3A_168 : memref<1x80xi32, #tpu.memory_space<vmem>> -> memref<80xi32, #tpu.memory_space<vmem>>
        %dma_wait3A_170 = arith.constant 0 : i32
        %dma_wait3A_171 = arith.constant 0 : i32
        %dma_wait3A_172 = tpu.memref_slice %arg10[%dma_wait3A_170, %dma_wait3A_171] : memref<10000x128xf32, #tpu.memory_space<vmem_shared>> -> memref<10000x128xf32, #tpu.memory_space<vmem_shared>>
        tpu.wait_indirect_dma semaphore(%arg13 : memref<!tpu.dma_semaphore, #tpu.memory_space<semaphore_mem>>) src(%dma_wait3A_166 : memref<80x128xf32, #tpu.memory_space<vmem>>) dst(%dma_wait3A_172 : memref<10000x128xf32, #tpu.memory_space<vmem_shared>>)
      } else {
      }
      %add3A_128 = arith.constant 1 : i32
      %add3A_129 = arith.addi %add3A_122, %add3A_128 : i32
      %lt3A_130 = arith.constant 125 : i32
      %lt3A_131 = arith.cmpi slt, %add3A_129, %lt3A_130 : i32
      %convert_element_type3A_132 = arith.extui %lt3A_131 : i1 to i32
      %cond3A_133 = arith.constant 0 : i32
      %cond3A_134 = arith.cmpi ne, %convert_element_type3A_132, %cond3A_133 : i32
      scf.if %cond3A_134 {
        %add3A_161 = arith.constant 1 : i32
        %add3A_162 = arith.addi %add3A_122, %add3A_161 : i32
        %mul3A_163 = arith.constant 80 : i32
        %mul3A_164 = arith.muli %add3A_162, %mul3A_163 : i32
        %dma_start3A_165 = arith.constant 0 : i32
        %dma_start3A_166 = arith.constant 0 : i32
        %dma_start3A_167 = arith.constant 0 : i32
        %dma_start3A_168 = tpu.memref_slice %arg9[%dma_start3A_165, %dma_start3A_166, %dma_start3A_167] : memref<2x80x128xf32, #tpu.memory_space<vmem>> -> memref<1x80x128xf32, #tpu.memory_space<vmem>>
        %dma_start3A_169 = tpu.memref_squeeze %dma_start3A_168 : memref<1x80x128xf32, #tpu.memory_space<vmem>> -> memref<80x128xf32, #tpu.memory_space<vmem>>
        %dma_start3A_170 = tpu.memref_slice %arg7[%mul3A_164] : memref<10000xi32, #tpu.memory_space<vmem>> -> memref<80xi32, #tpu.memory_space<vmem>>
        %dma_start3A_171 = arith.constant 0 : i32
        %dma_start3A_172 = arith.constant 0 : i32
        %dma_start3A_173 = tpu.memref_slice %arg2[%dma_start3A_171, %dma_start3A_172] : memref<10000x128xf32, #tpu.memory_space<hbm>> -> memref<10000x128xf32, #tpu.memory_space<hbm>>
        tpu.enqueue_indirect_dma source(%dma_start3A_173 : memref<10000x128xf32, #tpu.memory_space<hbm>>) target(%dma_start3A_169 : memref<80x128xf32, #tpu.memory_space<vmem>>) offsets(%dma_start3A_170 : memref<80xi32, #tpu.memory_space<vmem>>) semaphore(%arg11 : memref<!tpu.dma_semaphore, #tpu.memory_space<semaphore_mem>>)
      } else {
      }
      %dma_wait3A_135 = arith.constant 1 : i32
      %dma_wait3A_136 = arith.constant 0 : i32
      %dma_wait3A_137 = arith.constant 0 : i32
      %dma_wait3A_138 = tpu.memref_slice %arg9[%dma_wait3A_135, %dma_wait3A_136, %dma_wait3A_137] : memref<2x80x128xf32, #tpu.memory_space<vmem>> -> memref<1x80x128xf32, #tpu.memory_space<vmem>>
      %dma_wait3A_139 = tpu.memref_squeeze %dma_wait3A_138 : memref<1x80x128xf32, #tpu.memory_space<vmem>> -> memref<80x128xf32, #tpu.memory_space<vmem>>
      %dma_wait3A_140 = arith.constant 0 : i32
      %dma_wait3A_141 = arith.constant 0 : i32
      %dma_wait3A_142 = tpu.memref_slice %arg2[%dma_wait3A_140, %dma_wait3A_141] : memref<10000x128xf32, #tpu.memory_space<hbm>> -> memref<80x128xf32, #tpu.memory_space<hbm>>
      %dma_wait3A_143 = arith.constant 0 : i32
      %dma_wait3A_144 = arith.constant 0 : i32
      %dma_wait3A_145 = tpu.memref_slice %arg9[%dma_wait3A_135, %dma_wait3A_143, %dma_wait3A_144] : memref<2x80x128xf32, #tpu.memory_space<vmem>> -> memref<1x80x128xf32, #tpu.memory_space<vmem>>
      %dma_wait3A_146 = tpu.memref_squeeze %dma_wait3A_145 : memref<1x80x128xf32, #tpu.memory_space<vmem>> -> memref<80x128xf32, #tpu.memory_space<vmem>>
      %dma_wait3A_147 = arith.constant 0 : i32
      %dma_wait3A_148 = arith.constant 0 : i32
      %dma_wait3A_149 = tpu.memref_slice %arg2[%dma_wait3A_147, %dma_wait3A_148] : memref<10000x128xf32, #tpu.memory_space<hbm>> -> memref<80x128xf32, #tpu.memory_space<hbm>>
      tpu.wait_dma2 semaphore(%arg12 : memref<!tpu.dma_semaphore, #tpu.memory_space<semaphore_mem>>) src(%dma_wait3A_149 : memref<80x128xf32, #tpu.memory_space<hbm>>) dst(%dma_wait3A_146 : memref<80x128xf32, #tpu.memory_space<vmem>>)
      %dma_start3A_150 = arith.constant 1 : i32
      %dma_start3A_151 = arith.constant 0 : i32
      %dma_start3A_152 = arith.constant 0 : i32
      %dma_start3A_153 = tpu.memref_slice %arg9[%dma_start3A_150, %dma_start3A_151, %dma_start3A_152] : memref<2x80x128xf32, #tpu.memory_space<vmem>> -> memref<1x80x128xf32, #tpu.memory_space<vmem>>
      %dma_start3A_154 = tpu.memref_squeeze %dma_start3A_153 : memref<1x80x128xf32, #tpu.memory_space<vmem>> -> memref<80x128xf32, #tpu.memory_space<vmem>>
      %dma_start3A_155 = arith.constant 0 : i32
      %dma_start3A_156 = tpu.memref_slice %arg8[%add3A_122, %dma_start3A_155] : memref<125x80xi32, #tpu.memory_space<vmem>> -> memref<1x80xi32, #tpu.memory_space<vmem>>
      %dma_start3A_157 = tpu.memref_squeeze %dma_start3A_156 : memref<1x80xi32, #tpu.memory_space<vmem>> -> memref<80xi32, #tpu.memory_space<vmem>>
      %dma_start3A_158 = arith.constant 0 : i32
      %dma_start3A_159 = arith.constant 0 : i32
      %dma_start3A_160 = tpu.memref_slice %arg10[%dma_start3A_158, %dma_start3A_159] : memref<10000x128xf32, #tpu.memory_space<vmem_shared>> -> memref<10000x128xf32, #tpu.memory_space<vmem_shared>>
      tpu.enqueue_indirect_dma source(%dma_start3A_154 : memref<80x128xf32, #tpu.memory_space<vmem>>) target(%dma_start3A_160 : memref<10000x128xf32, #tpu.memory_space<vmem_shared>>) offsets(%dma_start3A_157 : memref<80xi32, #tpu.memory_space<vmem>>) semaphore(%arg14 : memref<!tpu.dma_semaphore, #tpu.memory_space<semaphore_mem>>) {add = true}
    }
    %scan3A_21 = arith.constant 62 : i32
    %dma_wait3A = arith.constant 1 : i32
    %dma_wait3A_22 = arith.constant 0 : i32
    %dma_wait3A_23 = arith.constant 0 : i32
    %dma_wait3A_24 = arith.constant 0 : i32
    %dma_wait3A_25 = tpu.memref_slice %arg9[%dma_wait3A, %dma_wait3A_23, %dma_wait3A_24] : memref<2x80x128xf32, #tpu.memory_space<vmem>> -> memref<1x80x128xf32, #tpu.memory_space<vmem>>
    %dma_wait3A_26 = tpu.memref_squeeze %dma_wait3A_25 : memref<1x80x128xf32, #tpu.memory_space<vmem>> -> memref<80x128xf32, #tpu.memory_space<vmem>>
    %dma_wait3A_27 = arith.constant 0 : i32
    %dma_wait3A_28 = tpu.memref_slice %arg8[%dma_wait3A_22, %dma_wait3A_27] : memref<125x80xi32, #tpu.memory_space<vmem>> -> memref<1x80xi32, #tpu.memory_space<vmem>>
    %dma_wait3A_29 = tpu.memref_squeeze %dma_wait3A_28 : memref<1x80xi32, #tpu.memory_space<vmem>> -> memref<80xi32, #tpu.memory_space<vmem>>
    %dma_wait3A_30 = arith.constant 0 : i32
    %dma_wait3A_31 = arith.constant 0 : i32
    %dma_wait3A_32 = tpu.memref_slice %arg10[%dma_wait3A_30, %dma_wait3A_31] : memref<10000x128xf32, #tpu.memory_space<vmem_shared>> -> memref<10000x128xf32, #tpu.memory_space<vmem_shared>>
    tpu.wait_indirect_dma semaphore(%arg14 : memref<!tpu.dma_semaphore, #tpu.memory_space<semaphore_mem>>) src(%dma_wait3A_26 : memref<80x128xf32, #tpu.memory_space<vmem>>) dst(%dma_wait3A_32 : memref<10000x128xf32, #tpu.memory_space<vmem_shared>>)
    %dma_wait3A_33 = arith.constant 0 : i32
    %dma_wait3A_34 = arith.constant 0 : i32
    %dma_wait3A_35 = arith.constant 0 : i32
    %dma_wait3A_36 = tpu.memref_slice %arg9[%dma_wait3A_33, %dma_wait3A_34, %dma_wait3A_35] : memref<2x80x128xf32, #tpu.memory_space<vmem>> -> memref<1x80x128xf32, #tpu.memory_space<vmem>>
    %dma_wait3A_37 = tpu.memref_squeeze %dma_wait3A_36 : memref<1x80x128xf32, #tpu.memory_space<vmem>> -> memref<80x128xf32, #tpu.memory_space<vmem>>
    %dma_wait3A_38 = arith.constant 0 : i32
    %dma_wait3A_39 = arith.constant 0 : i32
    %dma_wait3A_40 = tpu.memref_slice %arg2[%dma_wait3A_38, %dma_wait3A_39] : memref<10000x128xf32, #tpu.memory_space<hbm>> -> memref<80x128xf32, #tpu.memory_space<hbm>>
    %dma_wait3A_41 = arith.constant 0 : i32
    %dma_wait3A_42 = arith.constant 0 : i32
    %dma_wait3A_43 = tpu.memref_slice %arg9[%dma_wait3A_33, %dma_wait3A_41, %dma_wait3A_42] : memref<2x80x128xf32, #tpu.memory_space<vmem>> -> memref<1x80x128xf32, #tpu.memory_space<vmem>>
    %dma_wait3A_44 = tpu.memref_squeeze %dma_wait3A_43 : memref<1x80x128xf32, #tpu.memory_space<vmem>> -> memref<80x128xf32, #tpu.memory_space<vmem>>
    %dma_wait3A_45 = arith.constant 0 : i32
    %dma_wait3A_46 = arith.constant 0 : i32
    %dma_wait3A_47 = tpu.memref_slice %arg2[%dma_wait3A_45, %dma_wait3A_46] : memref<10000x128xf32, #tpu.memory_space<hbm>> -> memref<80x128xf32, #tpu.memory_space<hbm>>
    tpu.wait_dma2 semaphore(%arg11 : memref<!tpu.dma_semaphore, #tpu.memory_space<semaphore_mem>>) src(%dma_wait3A_47 : memref<80x128xf32, #tpu.memory_space<hbm>>) dst(%dma_wait3A_44 : memref<80x128xf32, #tpu.memory_space<vmem>>)
    %dma_start3A_48 = arith.constant 0 : i32
    %dma_start3A_49 = arith.constant 124 : i32
    %dma_start3A_50 = arith.constant 0 : i32
    %dma_start3A_51 = arith.constant 0 : i32
    %dma_start3A_52 = tpu.memref_slice %arg9[%dma_start3A_48, %dma_start3A_50, %dma_start3A_51] : memref<2x80x128xf32, #tpu.memory_space<vmem>> -> memref<1x80x128xf32, #tpu.memory_space<vmem>>
    %dma_start3A_53 = tpu.memref_squeeze %dma_start3A_52 : memref<1x80x128xf32, #tpu.memory_space<vmem>> -> memref<80x128xf32, #tpu.memory_space<vmem>>
    %dma_start3A_54 = arith.constant 0 : i32
    %dma_start3A_55 = tpu.memref_slice %arg8[%dma_start3A_49, %dma_start3A_54] : memref<125x80xi32, #tpu.memory_space<vmem>> -> memref<1x80xi32, #tpu.memory_space<vmem>>
    %dma_start3A_56 = tpu.memref_squeeze %dma_start3A_55 : memref<1x80xi32, #tpu.memory_space<vmem>> -> memref<80xi32, #tpu.memory_space<vmem>>
    %dma_start3A_57 = arith.constant 0 : i32
    %dma_start3A_58 = arith.constant 0 : i32
    %dma_start3A_59 = tpu.memref_slice %arg10[%dma_start3A_57, %dma_start3A_58] : memref<10000x128xf32, #tpu.memory_space<vmem_shared>> -> memref<10000x128xf32, #tpu.memory_space<vmem_shared>>
    tpu.enqueue_indirect_dma source(%dma_start3A_53 : memref<80x128xf32, #tpu.memory_space<vmem>>) target(%dma_start3A_59 : memref<10000x128xf32, #tpu.memory_space<vmem_shared>>) offsets(%dma_start3A_56 : memref<80xi32, #tpu.memory_space<vmem>>) semaphore(%arg13 : memref<!tpu.dma_semaphore, #tpu.memory_space<semaphore_mem>>) {add = true}
    %dma_wait3A_60 = arith.constant 0 : i32
    %dma_wait3A_61 = arith.constant 0 : i32
    %dma_wait3A_62 = arith.constant 0 : i32
    %dma_wait3A_63 = arith.constant 0 : i32
    %dma_wait3A_64 = tpu.memref_slice %arg9[%dma_wait3A_60, %dma_wait3A_62, %dma_wait3A_63] : memref<2x80x128xf32, #tpu.memory_space<vmem>> -> memref<1x80x128xf32, #tpu.memory_space<vmem>>
    %dma_wait3A_65 = tpu.memref_squeeze %dma_wait3A_64 : memref<1x80x128xf32, #tpu.memory_space<vmem>> -> memref<80x128xf32, #tpu.memory_space<vmem>>
    %dma_wait3A_66 = arith.constant 0 : i32
    %dma_wait3A_67 = tpu.memref_slice %arg8[%dma_wait3A_61, %dma_wait3A_66] : memref<125x80xi32, #tpu.memory_space<vmem>> -> memref<1x80xi32, #tpu.memory_space<vmem>>
    %dma_wait3A_68 = tpu.memref_squeeze %dma_wait3A_67 : memref<1x80xi32, #tpu.memory_space<vmem>> -> memref<80xi32, #tpu.memory_space<vmem>>
    %dma_wait3A_69 = arith.constant 0 : i32
    %dma_wait3A_70 = arith.constant 0 : i32
    %dma_wait3A_71 = tpu.memref_slice %arg10[%dma_wait3A_69, %dma_wait3A_70] : memref<10000x128xf32, #tpu.memory_space<vmem_shared>> -> memref<10000x128xf32, #tpu.memory_space<vmem_shared>>
    tpu.wait_indirect_dma semaphore(%arg13 : memref<!tpu.dma_semaphore, #tpu.memory_space<semaphore_mem>>) src(%dma_wait3A_65 : memref<80x128xf32, #tpu.memory_space<vmem>>) dst(%dma_wait3A_71 : memref<10000x128xf32, #tpu.memory_space<vmem_shared>>)
    %barrier3A_72 = arith.constant 0 : index
    tpu.barrier barrier_id(%barrier3A_72)
    "tpu.region"() ({
      %run_scoped3A = tpu.sem_alloc : memref<!tpu.dma_semaphore, #tpu.memory_space<semaphore_mem>>
      %dma_start3A_78 = arith.constant 0 : i32
      %dma_start3A_79 = tpu.memref_slice %arg6[%arg0, %multiple_of3A, %dma_start3A_78] : memref<2x10000x128xf32, #tpu.memory_space<hbm>> -> memref<1x624x128xf32, #tpu.memory_space<hbm>>
      %dma_start3A_80 = tpu.memref_squeeze %dma_start3A_79 : memref<1x624x128xf32, #tpu.memory_space<hbm>> -> memref<624x128xf32, #tpu.memory_space<hbm>>
      %dma_start3A_81 = arith.constant 0 : i32
      %dma_start3A_82 = tpu.memref_slice %arg10[%multiple_of3A, %dma_start3A_81] : memref<10000x128xf32, #tpu.memory_space<vmem_shared>> -> memref<624x128xf32, #tpu.memory_space<vmem_shared>>
      tpu.enqueue_dma source(%dma_start3A_82 : memref<624x128xf32, #tpu.memory_space<vmem_shared>>) target(%dma_start3A_80 : memref<624x128xf32, #tpu.memory_space<hbm>>) target_semaphore(%run_scoped3A : memref<!tpu.dma_semaphore, #tpu.memory_space<semaphore_mem>>)
      %dma_wait3A_83 = arith.constant 0 : i32
      %dma_wait3A_84 = tpu.memref_slice %arg6[%arg0, %multiple_of3A, %dma_wait3A_83] : memref<2x10000x128xf32, #tpu.memory_space<hbm>> -> memref<1x624x128xf32, #tpu.memory_space<hbm>>
      %dma_wait3A_85 = tpu.memref_squeeze %dma_wait3A_84 : memref<1x624x128xf32, #tpu.memory_space<hbm>> -> memref<624x128xf32, #tpu.memory_space<hbm>>
      %dma_wait3A_86 = arith.constant 0 : i32
      %dma_wait3A_87 = tpu.memref_slice %arg10[%multiple_of3A, %dma_wait3A_86] : memref<10000x128xf32, #tpu.memory_space<vmem_shared>> -> memref<624x128xf32, #tpu.memory_space<vmem_shared>>
      tpu.wait_dma2 semaphore(%run_scoped3A : memref<!tpu.dma_semaphore, #tpu.memory_space<semaphore_mem>>) src(%dma_wait3A_87 : memref<624x128xf32, #tpu.memory_space<vmem_shared>>) dst(%dma_wait3A_85 : memref<624x128xf32, #tpu.memory_space<hbm>>)
      tpu.yield
    }) : () -> ()
    %eq3A_73 = arith.constant 15 : i32
    %eq3A_74 = arith.cmpi eq, %arg1, %eq3A_73 : i32
    %convert_element_type3A_75 = arith.extui %eq3A_74 : i1 to i32
    %cond3A_76 = arith.constant 0 : i32
    %cond3A_77 = arith.cmpi ne, %convert_element_type3A_75, %cond3A_76 : i32
    scf.if %cond3A_77 {
      "tpu.region"() ({
        %run_scoped3A = tpu.sem_alloc : memref<!tpu.dma_semaphore, #tpu.memory_space<semaphore_mem>>
        %dma_start3A_78 = arith.constant 9984 : i32
        %dma_start3A_79 = arith.constant 0 : i32
        %dma_start3A_80 = tpu.memref_slice %arg6[%arg0, %dma_start3A_78, %dma_start3A_79] : memref<2x10000x128xf32, #tpu.memory_space<hbm>> -> memref<1x16x128xf32, #tpu.memory_space<hbm>>
        %dma_start3A_81 = tpu.memref_squeeze %dma_start3A_80 : memref<1x16x128xf32, #tpu.memory_space<hbm>> -> memref<16x128xf32, #tpu.memory_space<hbm>>
        %dma_start3A_82 = arith.constant 9984 : i32
        %dma_start3A_83 = arith.constant 0 : i32
        %dma_start3A_84 = tpu.memref_slice %arg10[%dma_start3A_82, %dma_start3A_83] : memref<10000x128xf32, #tpu.memory_space<vmem_shared>> -> memref<16x128xf32, #tpu.memory_space<vmem_shared>>
        tpu.enqueue_dma source(%dma_start3A_84 : memref<16x128xf32, #tpu.memory_space<vmem_shared>>) target(%dma_start3A_81 : memref<16x128xf32, #tpu.memory_space<hbm>>) target_semaphore(%run_scoped3A : memref<!tpu.dma_semaphore, #tpu.memory_space<semaphore_mem>>)
        %dma_wait3A_85 = arith.constant 9984 : i32
        %dma_wait3A_86 = arith.constant 0 : i32
        %dma_wait3A_87 = tpu.memref_slice %arg6[%arg0, %dma_wait3A_85, %dma_wait3A_86] : memref<2x10000x128xf32, #tpu.memory_space<hbm>> -> memref<1x16x128xf32, #tpu.memory_space<hbm>>
        %dma_wait3A_88 = tpu.memref_squeeze %dma_wait3A_87 : memref<1x16x128xf32, #tpu.memory_space<hbm>> -> memref<16x128xf32, #tpu.memory_space<hbm>>
        %dma_wait3A_89 = arith.constant 9984 : i32
        %dma_wait3A_90 = arith.constant 0 : i32
        %dma_wait3A_91 = tpu.memref_slice %arg10[%dma_wait3A_89, %dma_wait3A_90] : memref<10000x128xf32, #tpu.memory_space<vmem_shared>> -> memref<16x128xf32, #tpu.memory_space<vmem_shared>>
        tpu.wait_dma2 semaphore(%run_scoped3A : memref<!tpu.dma_semaphore, #tpu.memory_space<semaphore_mem>>) src(%dma_wait3A_91 : memref<16x128xf32, #tpu.memory_space<vmem_shared>>) dst(%dma_wait3A_88 : memref<16x128xf32, #tpu.memory_space<hbm>>)
        tpu.yield
      }) : () -> ()
    } else {
    }
    return
  }
}

#map = affine_map<(d0, d1) -> (0, 0, 0)>
#map1 = affine_map<(d0, d1) -> (0, 0)>
module attributes {stable_mosaic.version = 14 : i64} {
  func.func @_hist_body(%arg0: i32, %arg1: i32, %arg2: memref<32x125x80xi32, #tpu.memory_space<hbm>>, %arg3: memref<80x128xf32, #tpu.memory_space<hbm>>, %arg4: memref<10000x128xf32, #tpu.memory_space<hbm>>, %arg5: memref<2x10000x128xf32, #tpu.memory_space<hbm>>, %arg6: memref<125x80xi32, #tpu.memory_space<vmem>>, %arg7: memref<80x128xf32, #tpu.memory_space<vmem>>, %arg8: memref<10000x128xf32, #tpu.memory_space<vmem_shared>>) attributes {dimension_semantics = [#tpu.dimension_semantics<core_parallel>, #tpu.dimension_semantics<subcore_parallel>], iteration_bounds = array<i64: 2, 16>, scalar_prefetch = 0 : i64, scratch_operands = 3 : i64, tpu.core_type = #tpu.core_type<sc_vector_subcore>, window_params = [{transform_indices = #map}, {transform_indices = #map1}, {transform_indices = #map1}, {transform_indices = #map}]} {
    %mul3A = arith.constant 2 : i32
    %mul3A_0 = arith.muli %arg1, %mul3A : i32
    %add3A = arith.addi %mul3A_0, %arg0 : i32
    "tpu.region"() ({
      %run_scoped3A = tpu.sem_alloc : memref<!tpu.dma_semaphore, #tpu.memory_space<semaphore_mem>>
      tpu.enqueue_dma source(%arg3 : memref<80x128xf32, #tpu.memory_space<hbm>>) target(%arg7 : memref<80x128xf32, #tpu.memory_space<vmem>>) target_semaphore(%run_scoped3A : memref<!tpu.dma_semaphore, #tpu.memory_space<semaphore_mem>>)
      tpu.wait_dma2 semaphore(%run_scoped3A : memref<!tpu.dma_semaphore, #tpu.memory_space<semaphore_mem>>) src(%arg3 : memref<80x128xf32, #tpu.memory_space<hbm>>) dst(%arg7 : memref<80x128xf32, #tpu.memory_space<vmem>>)
      tpu.yield
    }) : () -> ()
    "tpu.region"() ({
      %run_scoped3A = tpu.sem_alloc : memref<!tpu.dma_semaphore, #tpu.memory_space<semaphore_mem>>
      %dma_start3A = arith.constant 0 : i32
      %dma_start3A_16 = arith.constant 0 : i32
      %dma_start3A_17 = tpu.memref_slice %arg2[%add3A, %dma_start3A, %dma_start3A_16] : memref<32x125x80xi32, #tpu.memory_space<hbm>> -> memref<1x125x80xi32, #tpu.memory_space<hbm>>
      %dma_start3A_18 = tpu.memref_squeeze %dma_start3A_17 : memref<1x125x80xi32, #tpu.memory_space<hbm>> -> memref<125x80xi32, #tpu.memory_space<hbm>>
      %dma_start3A_19 = arith.constant 0 : i32
      %dma_start3A_20 = arith.constant 0 : i32
      %dma_start3A_21 = tpu.memref_slice %arg2[%add3A, %dma_start3A_19, %dma_start3A_20] : memref<32x125x80xi32, #tpu.memory_space<hbm>> -> memref<1x125x80xi32, #tpu.memory_space<hbm>>
      %dma_start3A_22 = tpu.memref_squeeze %dma_start3A_21 : memref<1x125x80xi32, #tpu.memory_space<hbm>> -> memref<125x80xi32, #tpu.memory_space<hbm>>
      tpu.enqueue_dma source(%dma_start3A_22 : memref<125x80xi32, #tpu.memory_space<hbm>>) target(%arg6 : memref<125x80xi32, #tpu.memory_space<vmem>>) target_semaphore(%run_scoped3A : memref<!tpu.dma_semaphore, #tpu.memory_space<semaphore_mem>>)
      %dma_wait3A = arith.constant 0 : i32
      %dma_wait3A_23 = arith.constant 0 : i32
      %dma_wait3A_24 = tpu.memref_slice %arg2[%add3A, %dma_wait3A, %dma_wait3A_23] : memref<32x125x80xi32, #tpu.memory_space<hbm>> -> memref<1x125x80xi32, #tpu.memory_space<hbm>>
      %dma_wait3A_25 = tpu.memref_squeeze %dma_wait3A_24 : memref<1x125x80xi32, #tpu.memory_space<hbm>> -> memref<125x80xi32, #tpu.memory_space<hbm>>
      %dma_wait3A_26 = arith.constant 0 : i32
      %dma_wait3A_27 = arith.constant 0 : i32
      %dma_wait3A_28 = tpu.memref_slice %arg2[%add3A, %dma_wait3A_26, %dma_wait3A_27] : memref<32x125x80xi32, #tpu.memory_space<hbm>> -> memref<1x125x80xi32, #tpu.memory_space<hbm>>
      %dma_wait3A_29 = tpu.memref_squeeze %dma_wait3A_28 : memref<1x125x80xi32, #tpu.memory_space<hbm>> -> memref<125x80xi32, #tpu.memory_space<hbm>>
      tpu.wait_dma2 semaphore(%run_scoped3A : memref<!tpu.dma_semaphore, #tpu.memory_space<semaphore_mem>>) src(%dma_wait3A_29 : memref<125x80xi32, #tpu.memory_space<hbm>>) dst(%arg6 : memref<125x80xi32, #tpu.memory_space<vmem>>)
      tpu.yield
    }) : () -> ()
    %mul3A_1 = arith.constant 624 : i32
    %mul3A_2 = arith.muli %arg1, %mul3A_1 : i32
    %multiple_of3A = tpu.assume_multiple %mul3A_2, 8 : i32
    "tpu.region"() ({
      %run_scoped3A = tpu.sem_alloc : memref<!tpu.dma_semaphore, #tpu.memory_space<semaphore_mem>>
      %dma_start3A = arith.constant 0 : i32
      %dma_start3A_16 = tpu.memref_slice %arg8[%multiple_of3A, %dma_start3A] : memref<10000x128xf32, #tpu.memory_space<vmem_shared>> -> memref<624x128xf32, #tpu.memory_space<vmem_shared>>
      %dma_start3A_17 = arith.constant 0 : i32
      %dma_start3A_18 = tpu.memref_slice %arg4[%multiple_of3A, %dma_start3A_17] : memref<10000x128xf32, #tpu.memory_space<hbm>> -> memref<624x128xf32, #tpu.memory_space<hbm>>
      tpu.enqueue_dma source(%dma_start3A_18 : memref<624x128xf32, #tpu.memory_space<hbm>>) target(%dma_start3A_16 : memref<624x128xf32, #tpu.memory_space<vmem_shared>>) target_semaphore(%run_scoped3A : memref<!tpu.dma_semaphore, #tpu.memory_space<semaphore_mem>>)
      %dma_wait3A = arith.constant 0 : i32
      %dma_wait3A_19 = tpu.memref_slice %arg8[%multiple_of3A, %dma_wait3A] : memref<10000x128xf32, #tpu.memory_space<vmem_shared>> -> memref<624x128xf32, #tpu.memory_space<vmem_shared>>
      %dma_wait3A_20 = arith.constant 0 : i32
      %dma_wait3A_21 = tpu.memref_slice %arg4[%multiple_of3A, %dma_wait3A_20] : memref<10000x128xf32, #tpu.memory_space<hbm>> -> memref<624x128xf32, #tpu.memory_space<hbm>>
      tpu.wait_dma2 semaphore(%run_scoped3A : memref<!tpu.dma_semaphore, #tpu.memory_space<semaphore_mem>>) src(%dma_wait3A_21 : memref<624x128xf32, #tpu.memory_space<hbm>>) dst(%dma_wait3A_19 : memref<624x128xf32, #tpu.memory_space<vmem_shared>>)
      tpu.yield
    }) : () -> ()
    %eq3A = arith.constant 15 : i32
    %eq3A_3 = arith.cmpi eq, %arg1, %eq3A : i32
    %convert_element_type3A = arith.extui %eq3A_3 : i1 to i32
    %cond3A = arith.constant 0 : i32
    %cond3A_4 = arith.cmpi ne, %convert_element_type3A, %cond3A : i32
    scf.if %cond3A_4 {
      "tpu.region"() ({
        %run_scoped3A = tpu.sem_alloc : memref<!tpu.dma_semaphore, #tpu.memory_space<semaphore_mem>>
        %dma_start3A = arith.constant 9984 : i32
        %dma_start3A_16 = arith.constant 0 : i32
        %dma_start3A_17 = tpu.memref_slice %arg8[%dma_start3A, %dma_start3A_16] : memref<10000x128xf32, #tpu.memory_space<vmem_shared>> -> memref<16x128xf32, #tpu.memory_space<vmem_shared>>
        %dma_start3A_18 = arith.constant 9984 : i32
        %dma_start3A_19 = arith.constant 0 : i32
        %dma_start3A_20 = tpu.memref_slice %arg4[%dma_start3A_18, %dma_start3A_19] : memref<10000x128xf32, #tpu.memory_space<hbm>> -> memref<16x128xf32, #tpu.memory_space<hbm>>
        tpu.enqueue_dma source(%dma_start3A_20 : memref<16x128xf32, #tpu.memory_space<hbm>>) target(%dma_start3A_17 : memref<16x128xf32, #tpu.memory_space<vmem_shared>>) target_semaphore(%run_scoped3A : memref<!tpu.dma_semaphore, #tpu.memory_space<semaphore_mem>>)
        %dma_wait3A = arith.constant 9984 : i32
        %dma_wait3A_21 = arith.constant 0 : i32
        %dma_wait3A_22 = tpu.memref_slice %arg8[%dma_wait3A, %dma_wait3A_21] : memref<10000x128xf32, #tpu.memory_space<vmem_shared>> -> memref<16x128xf32, #tpu.memory_space<vmem_shared>>
        %dma_wait3A_23 = arith.constant 9984 : i32
        %dma_wait3A_24 = arith.constant 0 : i32
        %dma_wait3A_25 = tpu.memref_slice %arg4[%dma_wait3A_23, %dma_wait3A_24] : memref<10000x128xf32, #tpu.memory_space<hbm>> -> memref<16x128xf32, #tpu.memory_space<hbm>>
        tpu.wait_dma2 semaphore(%run_scoped3A : memref<!tpu.dma_semaphore, #tpu.memory_space<semaphore_mem>>) src(%dma_wait3A_25 : memref<16x128xf32, #tpu.memory_space<hbm>>) dst(%dma_wait3A_22 : memref<16x128xf32, #tpu.memory_space<vmem_shared>>)
        tpu.yield
      }) : () -> ()
    } else {
    }
    %barrier3A = arith.constant 0 : index
    tpu.barrier barrier_id(%barrier3A)
    %scan3A = arith.constant 0 : i32
    %scan3A_5 = arith.constant 0 : i32
    %scan3A_6 = arith.constant 125 : i32
    %scan3A_7 = arith.addi %scan3A_5, %scan3A_6 : i32
    %scan3A_8 = arith.constant 1 : i32
    scf.for %scan3A_16 = %scan3A_5 to %scan3A_7 step %scan3A_8  : i32 {
      "tpu.region"() ({
        %run_scoped3A = tpu.sem_alloc : memref<!tpu.dma_semaphore, #tpu.memory_space<semaphore_mem>>
        %dma_start3A = arith.constant 0 : i32
        %dma_start3A_17 = tpu.memref_slice %arg6[%scan3A_16, %dma_start3A] : memref<125x80xi32, #tpu.memory_space<vmem>> -> memref<1x80xi32, #tpu.memory_space<vmem>>
        %dma_start3A_18 = tpu.memref_squeeze %dma_start3A_17 : memref<1x80xi32, #tpu.memory_space<vmem>> -> memref<80xi32, #tpu.memory_space<vmem>>
        %dma_start3A_19 = arith.constant 0 : i32
        %dma_start3A_20 = arith.constant 0 : i32
        %dma_start3A_21 = tpu.memref_slice %arg8[%dma_start3A_19, %dma_start3A_20] : memref<10000x128xf32, #tpu.memory_space<vmem_shared>> -> memref<10000x128xf32, #tpu.memory_space<vmem_shared>>
        tpu.enqueue_indirect_dma source(%arg7 : memref<80x128xf32, #tpu.memory_space<vmem>>) target(%dma_start3A_21 : memref<10000x128xf32, #tpu.memory_space<vmem_shared>>) offsets(%dma_start3A_18 : memref<80xi32, #tpu.memory_space<vmem>>) semaphore(%run_scoped3A : memref<!tpu.dma_semaphore, #tpu.memory_space<semaphore_mem>>) {add = true}
        %dma_wait3A = arith.constant 0 : i32
        %dma_wait3A_22 = tpu.memref_slice %arg6[%scan3A_16, %dma_wait3A] : memref<125x80xi32, #tpu.memory_space<vmem>> -> memref<1x80xi32, #tpu.memory_space<vmem>>
        %dma_wait3A_23 = tpu.memref_squeeze %dma_wait3A_22 : memref<1x80xi32, #tpu.memory_space<vmem>> -> memref<80xi32, #tpu.memory_space<vmem>>
        %dma_wait3A_24 = arith.constant 0 : i32
        %dma_wait3A_25 = arith.constant 0 : i32
        %dma_wait3A_26 = tpu.memref_slice %arg8[%dma_wait3A_24, %dma_wait3A_25] : memref<10000x128xf32, #tpu.memory_space<vmem_shared>> -> memref<10000x128xf32, #tpu.memory_space<vmem_shared>>
        tpu.wait_indirect_dma semaphore(%run_scoped3A : memref<!tpu.dma_semaphore, #tpu.memory_space<semaphore_mem>>) src(%arg7 : memref<80x128xf32, #tpu.memory_space<vmem>>) dst(%dma_wait3A_26 : memref<10000x128xf32, #tpu.memory_space<vmem_shared>>)
        tpu.yield
      }) : () -> ()
    }
    %scan3A_9 = arith.constant 125 : i32
    %barrier3A_10 = arith.constant 0 : index
    tpu.barrier barrier_id(%barrier3A_10)
    "tpu.region"() ({
      %run_scoped3A = tpu.sem_alloc : memref<!tpu.dma_semaphore, #tpu.memory_space<semaphore_mem>>
      %dma_start3A = arith.constant 0 : i32
      %dma_start3A_16 = tpu.memref_slice %arg5[%arg0, %multiple_of3A, %dma_start3A] : memref<2x10000x128xf32, #tpu.memory_space<hbm>> -> memref<1x624x128xf32, #tpu.memory_space<hbm>>
      %dma_start3A_17 = tpu.memref_squeeze %dma_start3A_16 : memref<1x624x128xf32, #tpu.memory_space<hbm>> -> memref<624x128xf32, #tpu.memory_space<hbm>>
      %dma_start3A_18 = arith.constant 0 : i32
      %dma_start3A_19 = tpu.memref_slice %arg8[%multiple_of3A, %dma_start3A_18] : memref<10000x128xf32, #tpu.memory_space<vmem_shared>> -> memref<624x128xf32, #tpu.memory_space<vmem_shared>>
      tpu.enqueue_dma source(%dma_start3A_19 : memref<624x128xf32, #tpu.memory_space<vmem_shared>>) target(%dma_start3A_17 : memref<624x128xf32, #tpu.memory_space<hbm>>) target_semaphore(%run_scoped3A : memref<!tpu.dma_semaphore, #tpu.memory_space<semaphore_mem>>)
      %dma_wait3A = arith.constant 0 : i32
      %dma_wait3A_20 = tpu.memref_slice %arg5[%arg0, %multiple_of3A, %dma_wait3A] : memref<2x10000x128xf32, #tpu.memory_space<hbm>> -> memref<1x624x128xf32, #tpu.memory_space<hbm>>
      %dma_wait3A_21 = tpu.memref_squeeze %dma_wait3A_20 : memref<1x624x128xf32, #tpu.memory_space<hbm>> -> memref<624x128xf32, #tpu.memory_space<hbm>>
      %dma_wait3A_22 = arith.constant 0 : i32
      %dma_wait3A_23 = tpu.memref_slice %arg8[%multiple_of3A, %dma_wait3A_22] : memref<10000x128xf32, #tpu.memory_space<vmem_shared>> -> memref<624x128xf32, #tpu.memory_space<vmem_shared>>
      tpu.wait_dma2 semaphore(%run_scoped3A : memref<!tpu.dma_semaphore, #tpu.memory_space<semaphore_mem>>) src(%dma_wait3A_23 : memref<624x128xf32, #tpu.memory_space<vmem_shared>>) dst(%dma_wait3A_21 : memref<624x128xf32, #tpu.memory_space<hbm>>)
      tpu.yield
    }) : () -> ()
    %eq3A_11 = arith.constant 15 : i32
    %eq3A_12 = arith.cmpi eq, %arg1, %eq3A_11 : i32
    %convert_element_type3A_13 = arith.extui %eq3A_12 : i1 to i32
    %cond3A_14 = arith.constant 0 : i32
    %cond3A_15 = arith.cmpi ne, %convert_element_type3A_13, %cond3A_14 : i32
    scf.if %cond3A_15 {
      "tpu.region"() ({
        %run_scoped3A = tpu.sem_alloc : memref<!tpu.dma_semaphore, #tpu.memory_space<semaphore_mem>>
        %dma_start3A = arith.constant 9984 : i32
        %dma_start3A_16 = arith.constant 0 : i32
        %dma_start3A_17 = tpu.memref_slice %arg5[%arg0, %dma_start3A, %dma_start3A_16] : memref<2x10000x128xf32, #tpu.memory_space<hbm>> -> memref<1x16x128xf32, #tpu.memory_space<hbm>>
        %dma_start3A_18 = tpu.memref_squeeze %dma_start3A_17 : memref<1x16x128xf32, #tpu.memory_space<hbm>> -> memref<16x128xf32, #tpu.memory_space<hbm>>
        %dma_start3A_19 = arith.constant 9984 : i32
        %dma_start3A_20 = arith.constant 0 : i32
        %dma_start3A_21 = tpu.memref_slice %arg8[%dma_start3A_19, %dma_start3A_20] : memref<10000x128xf32, #tpu.memory_space<vmem_shared>> -> memref<16x128xf32, #tpu.memory_space<vmem_shared>>
        tpu.enqueue_dma source(%dma_start3A_21 : memref<16x128xf32, #tpu.memory_space<vmem_shared>>) target(%dma_start3A_18 : memref<16x128xf32, #tpu.memory_space<hbm>>) target_semaphore(%run_scoped3A : memref<!tpu.dma_semaphore, #tpu.memory_space<semaphore_mem>>)
        %dma_wait3A = arith.constant 9984 : i32
        %dma_wait3A_22 = arith.constant 0 : i32
        %dma_wait3A_23 = tpu.memref_slice %arg5[%arg0, %dma_wait3A, %dma_wait3A_22] : memref<2x10000x128xf32, #tpu.memory_space<hbm>> -> memref<1x16x128xf32, #tpu.memory_space<hbm>>
        %dma_wait3A_24 = tpu.memref_squeeze %dma_wait3A_23 : memref<1x16x128xf32, #tpu.memory_space<hbm>> -> memref<16x128xf32, #tpu.memory_space<hbm>>
        %dma_wait3A_25 = arith.constant 9984 : i32
        %dma_wait3A_26 = arith.constant 0 : i32
        %dma_wait3A_27 = tpu.memref_slice %arg8[%dma_wait3A_25, %dma_wait3A_26] : memref<10000x128xf32, #tpu.memory_space<vmem_shared>> -> memref<16x128xf32, #tpu.memory_space<vmem_shared>>
        tpu.wait_dma2 semaphore(%run_scoped3A : memref<!tpu.dma_semaphore, #tpu.memory_space<semaphore_mem>>) src(%dma_wait3A_27 : memref<16x128xf32, #tpu.memory_space<vmem_shared>>) dst(%dma_wait3A_24 : memref<16x128xf32, #tpu.memory_space<hbm>>)
        tpu.yield
      }) : () -> ()
    } else {
    }
    return
  }
}

#map = affine_map<(d0, d1) -> (0, 0)>
#map1 = affine_map<(d0, d1) -> (0)>
#map2 = affine_map<(d0, d1) -> (0, 0, 0)>
module attributes {stable_mosaic.version = 14 : i64} {
  func.func @_spmm_body(%arg0: i32, %arg1: i32, %arg2: memref<10000x128xf32, #tpu.memory_space<hbm>>, %arg3: memref<320000xi32, #tpu.memory_space<hbm>>, %arg4: memref<32x125x80xi32, #tpu.memory_space<hbm>>, %arg5: memref<10000x128xf32, #tpu.memory_space<hbm>>, %arg6: memref<2x10000x128xf32, #tpu.memory_space<hbm>>, %arg7: memref<10000xi32, #tpu.memory_space<vmem>>, %arg8: memref<125x80xi32, #tpu.memory_space<vmem>>, %arg9: memref<2x80x128xf32, #tpu.memory_space<vmem>>, %arg10: memref<10000x128xf32, #tpu.memory_space<vmem_shared>>, %arg11: memref<!tpu.dma_semaphore, #tpu.memory_space<semaphore_mem>>, %arg12: memref<!tpu.dma_semaphore, #tpu.memory_space<semaphore_mem>>, %arg13: memref<!tpu.dma_semaphore, #tpu.memory_space<semaphore_mem>>, %arg14: memref<!tpu.dma_semaphore, #tpu.memory_space<semaphore_mem>>) attributes {dimension_semantics = [#tpu.dimension_semantics<core_parallel>, #tpu.dimension_semantics<subcore_parallel>], iteration_bounds = array<i64: 2, 16>, scalar_prefetch = 0 : i64, scratch_operands = 8 : i64, tpu.core_type = #tpu.core_type<sc_vector_subcore>, window_params = [{transform_indices = #map}, {transform_indices = #map1}, {transform_indices = #map2}, {transform_indices = #map}, {transform_indices = #map2}]} {
    %mul3A = arith.constant 2 : i32
    %mul3A_0 = arith.muli %arg1, %mul3A : i32
    %add3A = arith.addi %mul3A_0, %arg0 : i32
    %mul3A_1 = arith.constant 624 : i32
    %mul3A_2 = arith.muli %arg1, %mul3A_1 : i32
    %multiple_of3A = tpu.assume_multiple %mul3A_2, 8 : i32
    %mul3A_3 = arith.constant 10000 : i32
    %mul3A_4 = arith.muli %add3A, %mul3A_3 : i32
    %multiple_of3A_5 = tpu.assume_multiple %mul3A_4, 8 : i32
    "tpu.region"() ({
      %run_scoped3A = tpu.sem_alloc : memref<!tpu.dma_semaphore, #tpu.memory_space<semaphore_mem>>
      %dma_start3A_78 = tpu.memref_slice %arg3[%multiple_of3A_5] : memref<320000xi32, #tpu.memory_space<hbm>> -> memref<10000xi32, #tpu.memory_space<hbm>>
      %dma_start3A_79 = tpu.memref_slice %arg3[%multiple_of3A_5] : memref<320000xi32, #tpu.memory_space<hbm>> -> memref<10000xi32, #tpu.memory_space<hbm>>
      tpu.enqueue_dma source(%dma_start3A_79 : memref<10000xi32, #tpu.memory_space<hbm>>) target(%arg7 : memref<10000xi32, #tpu.memory_space<vmem>>) target_semaphore(%run_scoped3A : memref<!tpu.dma_semaphore, #tpu.memory_space<semaphore_mem>>)
      %dma_wait3A_80 = tpu.memref_slice %arg3[%multiple_of3A_5] : memref<320000xi32, #tpu.memory_space<hbm>> -> memref<10000xi32, #tpu.memory_space<hbm>>
      %dma_wait3A_81 = tpu.memref_slice %arg3[%multiple_of3A_5] : memref<320000xi32, #tpu.memory_space<hbm>> -> memref<10000xi32, #tpu.memory_space<hbm>>
      tpu.wait_dma2 semaphore(%run_scoped3A : memref<!tpu.dma_semaphore, #tpu.memory_space<semaphore_mem>>) src(%dma_wait3A_81 : memref<10000xi32, #tpu.memory_space<hbm>>) dst(%arg7 : memref<10000xi32, #tpu.memory_space<vmem>>)
      tpu.yield
    }) : () -> ()
    "tpu.region"() ({
      %run_scoped3A = tpu.sem_alloc : memref<!tpu.dma_semaphore, #tpu.memory_space<semaphore_mem>>
      %dma_start3A_78 = arith.constant 0 : i32
      %dma_start3A_79 = arith.constant 0 : i32
      %dma_start3A_80 = tpu.memref_slice %arg4[%add3A, %dma_start3A_78, %dma_start3A_79] : memref<32x125x80xi32, #tpu.memory_space<hbm>> -> memref<1x125x80xi32, #tpu.memory_space<hbm>>
      %dma_start3A_81 = tpu.memref_squeeze %dma_start3A_80 : memref<1x125x80xi32, #tpu.memory_space<hbm>> -> memref<125x80xi32, #tpu.memory_space<hbm>>
      %dma_start3A_82 = arith.constant 0 : i32
      %dma_start3A_83 = arith.constant 0 : i32
      %dma_start3A_84 = tpu.memref_slice %arg4[%add3A, %dma_start3A_82, %dma_start3A_83] : memref<32x125x80xi32, #tpu.memory_space<hbm>> -> memref<1x125x80xi32, #tpu.memory_space<hbm>>
      %dma_start3A_85 = tpu.memref_squeeze %dma_start3A_84 : memref<1x125x80xi32, #tpu.memory_space<hbm>> -> memref<125x80xi32, #tpu.memory_space<hbm>>
      tpu.enqueue_dma source(%dma_start3A_85 : memref<125x80xi32, #tpu.memory_space<hbm>>) target(%arg8 : memref<125x80xi32, #tpu.memory_space<vmem>>) target_semaphore(%run_scoped3A : memref<!tpu.dma_semaphore, #tpu.memory_space<semaphore_mem>>)
      %dma_wait3A_86 = arith.constant 0 : i32
      %dma_wait3A_87 = arith.constant 0 : i32
      %dma_wait3A_88 = tpu.memref_slice %arg4[%add3A, %dma_wait3A_86, %dma_wait3A_87] : memref<32x125x80xi32, #tpu.memory_space<hbm>> -> memref<1x125x80xi32, #tpu.memory_space<hbm>>
      %dma_wait3A_89 = tpu.memref_squeeze %dma_wait3A_88 : memref<1x125x80xi32, #tpu.memory_space<hbm>> -> memref<125x80xi32, #tpu.memory_space<hbm>>
      %dma_wait3A_90 = arith.constant 0 : i32
      %dma_wait3A_91 = arith.constant 0 : i32
      %dma_wait3A_92 = tpu.memref_slice %arg4[%add3A, %dma_wait3A_90, %dma_wait3A_91] : memref<32x125x80xi32, #tpu.memory_space<hbm>> -> memref<1x125x80xi32, #tpu.memory_space<hbm>>
      %dma_wait3A_93 = tpu.memref_squeeze %dma_wait3A_92 : memref<1x125x80xi32, #tpu.memory_space<hbm>> -> memref<125x80xi32, #tpu.memory_space<hbm>>
      tpu.wait_dma2 semaphore(%run_scoped3A : memref<!tpu.dma_semaphore, #tpu.memory_space<semaphore_mem>>) src(%dma_wait3A_93 : memref<125x80xi32, #tpu.memory_space<hbm>>) dst(%arg8 : memref<125x80xi32, #tpu.memory_space<vmem>>)
      tpu.yield
    }) : () -> ()
    "tpu.region"() ({
      %run_scoped3A = tpu.sem_alloc : memref<!tpu.dma_semaphore, #tpu.memory_space<semaphore_mem>>
      %dma_start3A_78 = arith.constant 0 : i32
      %dma_start3A_79 = tpu.memref_slice %arg10[%multiple_of3A, %dma_start3A_78] : memref<10000x128xf32, #tpu.memory_space<vmem_shared>> -> memref<624x128xf32, #tpu.memory_space<vmem_shared>>
      %dma_start3A_80 = arith.constant 0 : i32
      %dma_start3A_81 = tpu.memref_slice %arg5[%multiple_of3A, %dma_start3A_80] : memref<10000x128xf32, #tpu.memory_space<hbm>> -> memref<624x128xf32, #tpu.memory_space<hbm>>
      tpu.enqueue_dma source(%dma_start3A_81 : memref<624x128xf32, #tpu.memory_space<hbm>>) target(%dma_start3A_79 : memref<624x128xf32, #tpu.memory_space<vmem_shared>>) target_semaphore(%run_scoped3A : memref<!tpu.dma_semaphore, #tpu.memory_space<semaphore_mem>>)
      %dma_wait3A_82 = arith.constant 0 : i32
      %dma_wait3A_83 = tpu.memref_slice %arg10[%multiple_of3A, %dma_wait3A_82] : memref<10000x128xf32, #tpu.memory_space<vmem_shared>> -> memref<624x128xf32, #tpu.memory_space<vmem_shared>>
      %dma_wait3A_84 = arith.constant 0 : i32
      %dma_wait3A_85 = tpu.memref_slice %arg5[%multiple_of3A, %dma_wait3A_84] : memref<10000x128xf32, #tpu.memory_space<hbm>> -> memref<624x128xf32, #tpu.memory_space<hbm>>
      tpu.wait_dma2 semaphore(%run_scoped3A : memref<!tpu.dma_semaphore, #tpu.memory_space<semaphore_mem>>) src(%dma_wait3A_85 : memref<624x128xf32, #tpu.memory_space<hbm>>) dst(%dma_wait3A_83 : memref<624x128xf32, #tpu.memory_space<vmem_shared>>)
      tpu.yield
    }) : () -> ()
    %eq3A = arith.constant 15 : i32
    %eq3A_6 = arith.cmpi eq, %arg1, %eq3A : i32
    %convert_element_type3A = arith.extui %eq3A_6 : i1 to i32
    %cond3A = arith.constant 0 : i32
    %cond3A_7 = arith.cmpi ne, %convert_element_type3A, %cond3A : i32
    scf.if %cond3A_7 {
      "tpu.region"() ({
        %run_scoped3A = tpu.sem_alloc : memref<!tpu.dma_semaphore, #tpu.memory_space<semaphore_mem>>
        %dma_start3A_78 = arith.constant 9984 : i32
        %dma_start3A_79 = arith.constant 0 : i32
        %dma_start3A_80 = tpu.memref_slice %arg10[%dma_start3A_78, %dma_start3A_79] : memref<10000x128xf32, #tpu.memory_space<vmem_shared>> -> memref<16x128xf32, #tpu.memory_space<vmem_shared>>
        %dma_start3A_81 = arith.constant 9984 : i32
        %dma_start3A_82 = arith.constant 0 : i32
        %dma_start3A_83 = tpu.memref_slice %arg5[%dma_start3A_81, %dma_start3A_82] : memref<10000x128xf32, #tpu.memory_space<hbm>> -> memref<16x128xf32, #tpu.memory_space<hbm>>
        tpu.enqueue_dma source(%dma_start3A_83 : memref<16x128xf32, #tpu.memory_space<hbm>>) target(%dma_start3A_80 : memref<16x128xf32, #tpu.memory_space<vmem_shared>>) target_semaphore(%run_scoped3A : memref<!tpu.dma_semaphore, #tpu.memory_space<semaphore_mem>>)
        %dma_wait3A_84 = arith.constant 9984 : i32
        %dma_wait3A_85 = arith.constant 0 : i32
        %dma_wait3A_86 = tpu.memref_slice %arg10[%dma_wait3A_84, %dma_wait3A_85] : memref<10000x128xf32, #tpu.memory_space<vmem_shared>> -> memref<16x128xf32, #tpu.memory_space<vmem_shared>>
        %dma_wait3A_87 = arith.constant 9984 : i32
        %dma_wait3A_88 = arith.constant 0 : i32
        %dma_wait3A_89 = tpu.memref_slice %arg5[%dma_wait3A_87, %dma_wait3A_88] : memref<10000x128xf32, #tpu.memory_space<hbm>> -> memref<16x128xf32, #tpu.memory_space<hbm>>
        tpu.wait_dma2 semaphore(%run_scoped3A : memref<!tpu.dma_semaphore, #tpu.memory_space<semaphore_mem>>) src(%dma_wait3A_89 : memref<16x128xf32, #tpu.memory_space<hbm>>) dst(%dma_wait3A_86 : memref<16x128xf32, #tpu.memory_space<vmem_shared>>)
        tpu.yield
      }) : () -> ()
    } else {
    }
    %barrier3A = arith.constant 0 : index
    tpu.barrier barrier_id(%barrier3A)
    %dma_start3A = arith.constant 0 : i32
    %dma_start3A_8 = arith.constant 0 : i32
    %dma_start3A_9 = arith.constant 0 : i32
    %dma_start3A_10 = tpu.memref_slice %arg9[%dma_start3A, %dma_start3A_8, %dma_start3A_9] : memref<2x80x128xf32, #tpu.memory_space<vmem>> -> memref<1x80x128xf32, #tpu.memory_space<vmem>>
    %dma_start3A_11 = tpu.memref_squeeze %dma_start3A_10 : memref<1x80x128xf32, #tpu.memory_space<vmem>> -> memref<80x128xf32, #tpu.memory_space<vmem>>
    %dma_start3A_12 = arith.constant 0 : i32
    %dma_start3A_13 = tpu.memref_slice %arg7[%dma_start3A_12] : memref<10000xi32, #tpu.memory_space<vmem>> -> memref<80xi32, #tpu.memory_space<vmem>>
    %dma_start3A_14 = arith.constant 0 : i32
    %dma_start3A_15 = arith.constant 0 : i32
    %dma_start3A_16 = tpu.memref_slice %arg2[%dma_start3A_14, %dma_start3A_15] : memref<10000x128xf32, #tpu.memory_space<hbm>> -> memref<10000x128xf32, #tpu.memory_space<hbm>>
    tpu.enqueue_indirect_dma source(%dma_start3A_16 : memref<10000x128xf32, #tpu.memory_space<hbm>>) target(%dma_start3A_11 : memref<80x128xf32, #tpu.memory_space<vmem>>) offsets(%dma_start3A_13 : memref<80xi32, #tpu.memory_space<vmem>>) semaphore(%arg11 : memref<!tpu.dma_semaphore, #tpu.memory_space<semaphore_mem>>)
    %scan3A = arith.constant 0 : i32
    %scan3A_17 = arith.constant 0 : i32
    %scan3A_18 = arith.constant 62 : i32
    %scan3A_19 = arith.addi %scan3A_17, %scan3A_18 : i32
    %scan3A_20 = arith.constant 1 : i32
    scf.for %scan3A_78 = %scan3A_17 to %scan3A_19 step %scan3A_20  : i32 {
      %mul3A_79 = arith.constant 2 : i32
      %mul3A_80 = arith.muli %scan3A_78, %mul3A_79 : i32
      %add3A_81 = arith.constant 0 : i32
      %add3A_82 = arith.addi %mul3A_80, %add3A_81 : i32
      %ge3A = arith.constant 1 : i32
      %ge3A_83 = arith.cmpi sge, %add3A_82, %ge3A : i32
      %convert_element_type3A_84 = arith.extui %ge3A_83 : i1 to i32
      %cond3A_85 = arith.constant 0 : i32
      %cond3A_86 = arith.cmpi ne, %convert_element_type3A_84, %cond3A_85 : i32
      scf.if %cond3A_86 {
        %dma_wait3A_161 = arith.constant 1 : i32
        %dma_wait3A_162 = arith.constant 0 : i32
        %dma_wait3A_163 = arith.constant 0 : i32
        %dma_wait3A_164 = arith.constant 0 : i32
        %dma_wait3A_165 = tpu.memref_slice %arg9[%dma_wait3A_161, %dma_wait3A_163, %dma_wait3A_164] : memref<2x80x128xf32, #tpu.memory_space<vmem>> -> memref<1x80x128xf32, #tpu.memory_space<vmem>>
        %dma_wait3A_166 = tpu.memref_squeeze %dma_wait3A_165 : memref<1x80x128xf32, #tpu.memory_space<vmem>> -> memref<80x128xf32, #tpu.memory_space<vmem>>
        %dma_wait3A_167 = arith.constant 0 : i32
        %dma_wait3A_168 = tpu.memref_slice %arg8[%dma_wait3A_162, %dma_wait3A_167] : memref<125x80xi32, #tpu.memory_space<vmem>> -> memref<1x80xi32, #tpu.memory_space<vmem>>
        %dma_wait3A_169 = tpu.memref_squeeze %dma_wait3A_168 : memref<1x80xi32, #tpu.memory_space<vmem>> -> memref<80xi32, #tpu.memory_space<vmem>>
        %dma_wait3A_170 = arith.constant 0 : i32
        %dma_wait3A_171 = arith.constant 0 : i32
        %dma_wait3A_172 = tpu.memref_slice %arg10[%dma_wait3A_170, %dma_wait3A_171] : memref<10000x128xf32, #tpu.memory_space<vmem_shared>> -> memref<10000x128xf32, #tpu.memory_space<vmem_shared>>
        tpu.wait_indirect_dma semaphore(%arg14 : memref<!tpu.dma_semaphore, #tpu.memory_space<semaphore_mem>>) src(%dma_wait3A_166 : memref<80x128xf32, #tpu.memory_space<vmem>>) dst(%dma_wait3A_172 : memref<10000x128xf32, #tpu.memory_space<vmem_shared>>)
      } else {
      }
      %add3A_87 = arith.constant 1 : i32
      %add3A_88 = arith.addi %add3A_82, %add3A_87 : i32
      %lt3A = arith.constant 125 : i32
      %lt3A_89 = arith.cmpi slt, %add3A_88, %lt3A : i32
      %convert_element_type3A_90 = arith.extui %lt3A_89 : i1 to i32
      %cond3A_91 = arith.constant 0 : i32
      %cond3A_92 = arith.cmpi ne, %convert_element_type3A_90, %cond3A_91 : i32
      scf.if %cond3A_92 {
        %add3A_161 = arith.constant 1 : i32
        %add3A_162 = arith.addi %add3A_82, %add3A_161 : i32
        %mul3A_163 = arith.constant 80 : i32
        %mul3A_164 = arith.muli %add3A_162, %mul3A_163 : i32
        %dma_start3A_165 = arith.constant 1 : i32
        %dma_start3A_166 = arith.constant 0 : i32
        %dma_start3A_167 = arith.constant 0 : i32
        %dma_start3A_168 = tpu.memref_slice %arg9[%dma_start3A_165, %dma_start3A_166, %dma_start3A_167] : memref<2x80x128xf32, #tpu.memory_space<vmem>> -> memref<1x80x128xf32, #tpu.memory_space<vmem>>
        %dma_start3A_169 = tpu.memref_squeeze %dma_start3A_168 : memref<1x80x128xf32, #tpu.memory_space<vmem>> -> memref<80x128xf32, #tpu.memory_space<vmem>>
        %dma_start3A_170 = tpu.memref_slice %arg7[%mul3A_164] : memref<10000xi32, #tpu.memory_space<vmem>> -> memref<80xi32, #tpu.memory_space<vmem>>
        %dma_start3A_171 = arith.constant 0 : i32
        %dma_start3A_172 = arith.constant 0 : i32
        %dma_start3A_173 = tpu.memref_slice %arg2[%dma_start3A_171, %dma_start3A_172] : memref<10000x128xf32, #tpu.memory_space<hbm>> -> memref<10000x128xf32, #tpu.memory_space<hbm>>
        tpu.enqueue_indirect_dma source(%dma_start3A_173 : memref<10000x128xf32, #tpu.memory_space<hbm>>) target(%dma_start3A_169 : memref<80x128xf32, #tpu.memory_space<vmem>>) offsets(%dma_start3A_170 : memref<80xi32, #tpu.memory_space<vmem>>) semaphore(%arg12 : memref<!tpu.dma_semaphore, #tpu.memory_space<semaphore_mem>>)
      } else {
      }
      %dma_wait3A_93 = arith.constant 0 : i32
      %dma_wait3A_94 = arith.constant 0 : i32
      %dma_wait3A_95 = arith.constant 0 : i32
      %dma_wait3A_96 = tpu.memref_slice %arg9[%dma_wait3A_93, %dma_wait3A_94, %dma_wait3A_95] : memref<2x80x128xf32, #tpu.memory_space<vmem>> -> memref<1x80x128xf32, #tpu.memory_space<vmem>>
      %dma_wait3A_97 = tpu.memref_squeeze %dma_wait3A_96 : memref<1x80x128xf32, #tpu.memory_space<vmem>> -> memref<80x128xf32, #tpu.memory_space<vmem>>
      %dma_wait3A_98 = arith.constant 0 : i32
      %dma_wait3A_99 = arith.constant 0 : i32
      %dma_wait3A_100 = tpu.memref_slice %arg2[%dma_wait3A_98, %dma_wait3A_99] : memref<10000x128xf32, #tpu.memory_space<hbm>> -> memref<80x128xf32, #tpu.memory_space<hbm>>
      %dma_wait3A_101 = arith.constant 0 : i32
      %dma_wait3A_102 = arith.constant 0 : i32
      %dma_wait3A_103 = tpu.memref_slice %arg9[%dma_wait3A_93, %dma_wait3A_101, %dma_wait3A_102] : memref<2x80x128xf32, #tpu.memory_space<vmem>> -> memref<1x80x128xf32, #tpu.memory_space<vmem>>
      %dma_wait3A_104 = tpu.memref_squeeze %dma_wait3A_103 : memref<1x80x128xf32, #tpu.memory_space<vmem>> -> memref<80x128xf32, #tpu.memory_space<vmem>>
      %dma_wait3A_105 = arith.constant 0 : i32
      %dma_wait3A_106 = arith.constant 0 : i32
      %dma_wait3A_107 = tpu.memref_slice %arg2[%dma_wait3A_105, %dma_wait3A_106] : memref<10000x128xf32, #tpu.memory_space<hbm>> -> memref<80x128xf32, #tpu.memory_space<hbm>>
      tpu.wait_dma2 semaphore(%arg11 : memref<!tpu.dma_semaphore, #tpu.memory_space<semaphore_mem>>) src(%dma_wait3A_107 : memref<80x128xf32, #tpu.memory_space<hbm>>) dst(%dma_wait3A_104 : memref<80x128xf32, #tpu.memory_space<vmem>>)
      %dma_start3A_108 = arith.constant 0 : i32
      %dma_start3A_109 = arith.constant 0 : i32
      %dma_start3A_110 = arith.constant 0 : i32
      %dma_start3A_111 = tpu.memref_slice %arg9[%dma_start3A_108, %dma_start3A_109, %dma_start3A_110] : memref<2x80x128xf32, #tpu.memory_space<vmem>> -> memref<1x80x128xf32, #tpu.memory_space<vmem>>
      %dma_start3A_112 = tpu.memref_squeeze %dma_start3A_111 : memref<1x80x128xf32, #tpu.memory_space<vmem>> -> memref<80x128xf32, #tpu.memory_space<vmem>>
      %dma_start3A_113 = arith.constant 0 : i32
      %dma_start3A_114 = tpu.memref_slice %arg8[%add3A_82, %dma_start3A_113] : memref<125x80xi32, #tpu.memory_space<vmem>> -> memref<1x80xi32, #tpu.memory_space<vmem>>
      %dma_start3A_115 = tpu.memref_squeeze %dma_start3A_114 : memref<1x80xi32, #tpu.memory_space<vmem>> -> memref<80xi32, #tpu.memory_space<vmem>>
      %dma_start3A_116 = arith.constant 0 : i32
      %dma_start3A_117 = arith.constant 0 : i32
      %dma_start3A_118 = tpu.memref_slice %arg10[%dma_start3A_116, %dma_start3A_117] : memref<10000x128xf32, #tpu.memory_space<vmem_shared>> -> memref<10000x128xf32, #tpu.memory_space<vmem_shared>>
      tpu.enqueue_indirect_dma source(%dma_start3A_112 : memref<80x128xf32, #tpu.memory_space<vmem>>) target(%dma_start3A_118 : memref<10000x128xf32, #tpu.memory_space<vmem_shared>>) offsets(%dma_start3A_115 : memref<80xi32, #tpu.memory_space<vmem>>) semaphore(%arg13 : memref<!tpu.dma_semaphore, #tpu.memory_space<semaphore_mem>>) {add = true}
      %mul3A_119 = arith.constant 2 : i32
      %mul3A_120 = arith.muli %scan3A_78, %mul3A_119 : i32
      %add3A_121 = arith.constant 1 : i32
      %add3A_122 = arith.addi %mul3A_120, %add3A_121 : i32
      %ge3A_123 = arith.constant 1 : i32
      %ge3A_124 = arith.cmpi sge, %add3A_122, %ge3A_123 : i32
      %convert_element_type3A_125 = arith.extui %ge3A_124 : i1 to i32
      %cond3A_126 = arith.constant 0 : i32
      %cond3A_127 = arith.cmpi ne, %convert_element_type3A_125, %cond3A_126 : i32
      scf.if %cond3A_127 {
        %dma_wait3A_161 = arith.constant 0 : i32
        %dma_wait3A_162 = arith.constant 0 : i32
        %dma_wait3A_163 = arith.constant 0 : i32
        %dma_wait3A_164 = arith.constant 0 : i32
        %dma_wait3A_165 = tpu.memref_slice %arg9[%dma_wait3A_161, %dma_wait3A_163, %dma_wait3A_164] : memref<2x80x128xf32, #tpu.memory_space<vmem>> -> memref<1x80x128xf32, #tpu.memory_space<vmem>>
        %dma_wait3A_166 = tpu.memref_squeeze %dma_wait3A_165 : memref<1x80x128xf32, #tpu.memory_space<vmem>> -> memref<80x128xf32, #tpu.memory_space<vmem>>
        %dma_wait3A_167 = arith.constant 0 : i32
        %dma_wait3A_168 = tpu.memref_slice %arg8[%dma_wait3A_162, %dma_wait3A_167] : memref<125x80xi32, #tpu.memory_space<vmem>> -> memref<1x80xi32, #tpu.memory_space<vmem>>
        %dma_wait3A_169 = tpu.memref_squeeze %dma_wait3A_168 : memref<1x80xi32, #tpu.memory_space<vmem>> -> memref<80xi32, #tpu.memory_space<vmem>>
        %dma_wait3A_170 = arith.constant 0 : i32
        %dma_wait3A_171 = arith.constant 0 : i32
        %dma_wait3A_172 = tpu.memref_slice %arg10[%dma_wait3A_170, %dma_wait3A_171] : memref<10000x128xf32, #tpu.memory_space<vmem_shared>> -> memref<10000x128xf32, #tpu.memory_space<vmem_shared>>
        tpu.wait_indirect_dma semaphore(%arg13 : memref<!tpu.dma_semaphore, #tpu.memory_space<semaphore_mem>>) src(%dma_wait3A_166 : memref<80x128xf32, #tpu.memory_space<vmem>>) dst(%dma_wait3A_172 : memref<10000x128xf32, #tpu.memory_space<vmem_shared>>)
      } else {
      }
      %add3A_128 = arith.constant 1 : i32
      %add3A_129 = arith.addi %add3A_122, %add3A_128 : i32
      %lt3A_130 = arith.constant 125 : i32
      %lt3A_131 = arith.cmpi slt, %add3A_129, %lt3A_130 : i32
      %convert_element_type3A_132 = arith.extui %lt3A_131 : i1 to i32
      %cond3A_133 = arith.constant 0 : i32
      %cond3A_134 = arith.cmpi ne, %convert_element_type3A_132, %cond3A_133 : i32
      scf.if %cond3A_134 {
        %add3A_161 = arith.constant 1 : i32
        %add3A_162 = arith.addi %add3A_122, %add3A_161 : i32
        %mul3A_163 = arith.constant 80 : i32
        %mul3A_164 = arith.muli %add3A_162, %mul3A_163 : i32
        %dma_start3A_165 = arith.constant 0 : i32
        %dma_start3A_166 = arith.constant 0 : i32
        %dma_start3A_167 = arith.constant 0 : i32
        %dma_start3A_168 = tpu.memref_slice %arg9[%dma_start3A_165, %dma_start3A_166, %dma_start3A_167] : memref<2x80x128xf32, #tpu.memory_space<vmem>> -> memref<1x80x128xf32, #tpu.memory_space<vmem>>
        %dma_start3A_169 = tpu.memref_squeeze %dma_start3A_168 : memref<1x80x128xf32, #tpu.memory_space<vmem>> -> memref<80x128xf32, #tpu.memory_space<vmem>>
        %dma_start3A_170 = tpu.memref_slice %arg7[%mul3A_164] : memref<10000xi32, #tpu.memory_space<vmem>> -> memref<80xi32, #tpu.memory_space<vmem>>
        %dma_start3A_171 = arith.constant 0 : i32
        %dma_start3A_172 = arith.constant 0 : i32
        %dma_start3A_173 = tpu.memref_slice %arg2[%dma_start3A_171, %dma_start3A_172] : memref<10000x128xf32, #tpu.memory_space<hbm>> -> memref<10000x128xf32, #tpu.memory_space<hbm>>
        tpu.enqueue_indirect_dma source(%dma_start3A_173 : memref<10000x128xf32, #tpu.memory_space<hbm>>) target(%dma_start3A_169 : memref<80x128xf32, #tpu.memory_space<vmem>>) offsets(%dma_start3A_170 : memref<80xi32, #tpu.memory_space<vmem>>) semaphore(%arg11 : memref<!tpu.dma_semaphore, #tpu.memory_space<semaphore_mem>>)
      } else {
      }
      %dma_wait3A_135 = arith.constant 1 : i32
      %dma_wait3A_136 = arith.constant 0 : i32
      %dma_wait3A_137 = arith.constant 0 : i32
      %dma_wait3A_138 = tpu.memref_slice %arg9[%dma_wait3A_135, %dma_wait3A_136, %dma_wait3A_137] : memref<2x80x128xf32, #tpu.memory_space<vmem>> -> memref<1x80x128xf32, #tpu.memory_space<vmem>>
      %dma_wait3A_139 = tpu.memref_squeeze %dma_wait3A_138 : memref<1x80x128xf32, #tpu.memory_space<vmem>> -> memref<80x128xf32, #tpu.memory_space<vmem>>
      %dma_wait3A_140 = arith.constant 0 : i32
      %dma_wait3A_141 = arith.constant 0 : i32
      %dma_wait3A_142 = tpu.memref_slice %arg2[%dma_wait3A_140, %dma_wait3A_141] : memref<10000x128xf32, #tpu.memory_space<hbm>> -> memref<80x128xf32, #tpu.memory_space<hbm>>
      %dma_wait3A_143 = arith.constant 0 : i32
      %dma_wait3A_144 = arith.constant 0 : i32
      %dma_wait3A_145 = tpu.memref_slice %arg9[%dma_wait3A_135, %dma_wait3A_143, %dma_wait3A_144] : memref<2x80x128xf32, #tpu.memory_space<vmem>> -> memref<1x80x128xf32, #tpu.memory_space<vmem>>
      %dma_wait3A_146 = tpu.memref_squeeze %dma_wait3A_145 : memref<1x80x128xf32, #tpu.memory_space<vmem>> -> memref<80x128xf32, #tpu.memory_space<vmem>>
      %dma_wait3A_147 = arith.constant 0 : i32
      %dma_wait3A_148 = arith.constant 0 : i32
      %dma_wait3A_149 = tpu.memref_slice %arg2[%dma_wait3A_147, %dma_wait3A_148] : memref<10000x128xf32, #tpu.memory_space<hbm>> -> memref<80x128xf32, #tpu.memory_space<hbm>>
      tpu.wait_dma2 semaphore(%arg12 : memref<!tpu.dma_semaphore, #tpu.memory_space<semaphore_mem>>) src(%dma_wait3A_149 : memref<80x128xf32, #tpu.memory_space<hbm>>) dst(%dma_wait3A_146 : memref<80x128xf32, #tpu.memory_space<vmem>>)
      %dma_start3A_150 = arith.constant 1 : i32
      %dma_start3A_151 = arith.constant 0 : i32
      %dma_start3A_152 = arith.constant 0 : i32
      %dma_start3A_153 = tpu.memref_slice %arg9[%dma_start3A_150, %dma_start3A_151, %dma_start3A_152] : memref<2x80x128xf32, #tpu.memory_space<vmem>> -> memref<1x80x128xf32, #tpu.memory_space<vmem>>
      %dma_start3A_154 = tpu.memref_squeeze %dma_start3A_153 : memref<1x80x128xf32, #tpu.memory_space<vmem>> -> memref<80x128xf32, #tpu.memory_space<vmem>>
      %dma_start3A_155 = arith.constant 0 : i32
      %dma_start3A_156 = tpu.memref_slice %arg8[%add3A_122, %dma_start3A_155] : memref<125x80xi32, #tpu.memory_space<vmem>> -> memref<1x80xi32, #tpu.memory_space<vmem>>
      %dma_start3A_157 = tpu.memref_squeeze %dma_start3A_156 : memref<1x80xi32, #tpu.memory_space<vmem>> -> memref<80xi32, #tpu.memory_space<vmem>>
      %dma_start3A_158 = arith.constant 0 : i32
      %dma_start3A_159 = arith.constant 0 : i32
      %dma_start3A_160 = tpu.memref_slice %arg10[%dma_start3A_158, %dma_start3A_159] : memref<10000x128xf32, #tpu.memory_space<vmem_shared>> -> memref<10000x128xf32, #tpu.memory_space<vmem_shared>>
      tpu.enqueue_indirect_dma source(%dma_start3A_154 : memref<80x128xf32, #tpu.memory_space<vmem>>) target(%dma_start3A_160 : memref<10000x128xf32, #tpu.memory_space<vmem_shared>>) offsets(%dma_start3A_157 : memref<80xi32, #tpu.memory_space<vmem>>) semaphore(%arg14 : memref<!tpu.dma_semaphore, #tpu.memory_space<semaphore_mem>>) {add = true}
    }
    %scan3A_21 = arith.constant 62 : i32
    %dma_wait3A = arith.constant 1 : i32
    %dma_wait3A_22 = arith.constant 0 : i32
    %dma_wait3A_23 = arith.constant 0 : i32
    %dma_wait3A_24 = arith.constant 0 : i32
    %dma_wait3A_25 = tpu.memref_slice %arg9[%dma_wait3A, %dma_wait3A_23, %dma_wait3A_24] : memref<2x80x128xf32, #tpu.memory_space<vmem>> -> memref<1x80x128xf32, #tpu.memory_space<vmem>>
    %dma_wait3A_26 = tpu.memref_squeeze %dma_wait3A_25 : memref<1x80x128xf32, #tpu.memory_space<vmem>> -> memref<80x128xf32, #tpu.memory_space<vmem>>
    %dma_wait3A_27 = arith.constant 0 : i32
    %dma_wait3A_28 = tpu.memref_slice %arg8[%dma_wait3A_22, %dma_wait3A_27] : memref<125x80xi32, #tpu.memory_space<vmem>> -> memref<1x80xi32, #tpu.memory_space<vmem>>
    %dma_wait3A_29 = tpu.memref_squeeze %dma_wait3A_28 : memref<1x80xi32, #tpu.memory_space<vmem>> -> memref<80xi32, #tpu.memory_space<vmem>>
    %dma_wait3A_30 = arith.constant 0 : i32
    %dma_wait3A_31 = arith.constant 0 : i32
    %dma_wait3A_32 = tpu.memref_slice %arg10[%dma_wait3A_30, %dma_wait3A_31] : memref<10000x128xf32, #tpu.memory_space<vmem_shared>> -> memref<10000x128xf32, #tpu.memory_space<vmem_shared>>
    tpu.wait_indirect_dma semaphore(%arg14 : memref<!tpu.dma_semaphore, #tpu.memory_space<semaphore_mem>>) src(%dma_wait3A_26 : memref<80x128xf32, #tpu.memory_space<vmem>>) dst(%dma_wait3A_32 : memref<10000x128xf32, #tpu.memory_space<vmem_shared>>)
    %dma_wait3A_33 = arith.constant 0 : i32
    %dma_wait3A_34 = arith.constant 0 : i32
    %dma_wait3A_35 = arith.constant 0 : i32
    %dma_wait3A_36 = tpu.memref_slice %arg9[%dma_wait3A_33, %dma_wait3A_34, %dma_wait3A_35] : memref<2x80x128xf32, #tpu.memory_space<vmem>> -> memref<1x80x128xf32, #tpu.memory_space<vmem>>
    %dma_wait3A_37 = tpu.memref_squeeze %dma_wait3A_36 : memref<1x80x128xf32, #tpu.memory_space<vmem>> -> memref<80x128xf32, #tpu.memory_space<vmem>>
    %dma_wait3A_38 = arith.constant 0 : i32
    %dma_wait3A_39 = arith.constant 0 : i32
    %dma_wait3A_40 = tpu.memref_slice %arg2[%dma_wait3A_38, %dma_wait3A_39] : memref<10000x128xf32, #tpu.memory_space<hbm>> -> memref<80x128xf32, #tpu.memory_space<hbm>>
    %dma_wait3A_41 = arith.constant 0 : i32
    %dma_wait3A_42 = arith.constant 0 : i32
    %dma_wait3A_43 = tpu.memref_slice %arg9[%dma_wait3A_33, %dma_wait3A_41, %dma_wait3A_42] : memref<2x80x128xf32, #tpu.memory_space<vmem>> -> memref<1x80x128xf32, #tpu.memory_space<vmem>>
    %dma_wait3A_44 = tpu.memref_squeeze %dma_wait3A_43 : memref<1x80x128xf32, #tpu.memory_space<vmem>> -> memref<80x128xf32, #tpu.memory_space<vmem>>
    %dma_wait3A_45 = arith.constant 0 : i32
    %dma_wait3A_46 = arith.constant 0 : i32
    %dma_wait3A_47 = tpu.memref_slice %arg2[%dma_wait3A_45, %dma_wait3A_46] : memref<10000x128xf32, #tpu.memory_space<hbm>> -> memref<80x128xf32, #tpu.memory_space<hbm>>
    tpu.wait_dma2 semaphore(%arg11 : memref<!tpu.dma_semaphore, #tpu.memory_space<semaphore_mem>>) src(%dma_wait3A_47 : memref<80x128xf32, #tpu.memory_space<hbm>>) dst(%dma_wait3A_44 : memref<80x128xf32, #tpu.memory_space<vmem>>)
    %dma_start3A_48 = arith.constant 0 : i32
    %dma_start3A_49 = arith.constant 124 : i32
    %dma_start3A_50 = arith.constant 0 : i32
    %dma_start3A_51 = arith.constant 0 : i32
    %dma_start3A_52 = tpu.memref_slice %arg9[%dma_start3A_48, %dma_start3A_50, %dma_start3A_51] : memref<2x80x128xf32, #tpu.memory_space<vmem>> -> memref<1x80x128xf32, #tpu.memory_space<vmem>>
    %dma_start3A_53 = tpu.memref_squeeze %dma_start3A_52 : memref<1x80x128xf32, #tpu.memory_space<vmem>> -> memref<80x128xf32, #tpu.memory_space<vmem>>
    %dma_start3A_54 = arith.constant 0 : i32
    %dma_start3A_55 = tpu.memref_slice %arg8[%dma_start3A_49, %dma_start3A_54] : memref<125x80xi32, #tpu.memory_space<vmem>> -> memref<1x80xi32, #tpu.memory_space<vmem>>
    %dma_start3A_56 = tpu.memref_squeeze %dma_start3A_55 : memref<1x80xi32, #tpu.memory_space<vmem>> -> memref<80xi32, #tpu.memory_space<vmem>>
    %dma_start3A_57 = arith.constant 0 : i32
    %dma_start3A_58 = arith.constant 0 : i32
    %dma_start3A_59 = tpu.memref_slice %arg10[%dma_start3A_57, %dma_start3A_58] : memref<10000x128xf32, #tpu.memory_space<vmem_shared>> -> memref<10000x128xf32, #tpu.memory_space<vmem_shared>>
    tpu.enqueue_indirect_dma source(%dma_start3A_53 : memref<80x128xf32, #tpu.memory_space<vmem>>) target(%dma_start3A_59 : memref<10000x128xf32, #tpu.memory_space<vmem_shared>>) offsets(%dma_start3A_56 : memref<80xi32, #tpu.memory_space<vmem>>) semaphore(%arg13 : memref<!tpu.dma_semaphore, #tpu.memory_space<semaphore_mem>>) {add = true}
    %dma_wait3A_60 = arith.constant 0 : i32
    %dma_wait3A_61 = arith.constant 0 : i32
    %dma_wait3A_62 = arith.constant 0 : i32
    %dma_wait3A_63 = arith.constant 0 : i32
    %dma_wait3A_64 = tpu.memref_slice %arg9[%dma_wait3A_60, %dma_wait3A_62, %dma_wait3A_63] : memref<2x80x128xf32, #tpu.memory_space<vmem>> -> memref<1x80x128xf32, #tpu.memory_space<vmem>>
    %dma_wait3A_65 = tpu.memref_squeeze %dma_wait3A_64 : memref<1x80x128xf32, #tpu.memory_space<vmem>> -> memref<80x128xf32, #tpu.memory_space<vmem>>
    %dma_wait3A_66 = arith.constant 0 : i32
    %dma_wait3A_67 = tpu.memref_slice %arg8[%dma_wait3A_61, %dma_wait3A_66] : memref<125x80xi32, #tpu.memory_space<vmem>> -> memref<1x80xi32, #tpu.memory_space<vmem>>
    %dma_wait3A_68 = tpu.memref_squeeze %dma_wait3A_67 : memref<1x80xi32, #tpu.memory_space<vmem>> -> memref<80xi32, #tpu.memory_space<vmem>>
    %dma_wait3A_69 = arith.constant 0 : i32
    %dma_wait3A_70 = arith.constant 0 : i32
    %dma_wait3A_71 = tpu.memref_slice %arg10[%dma_wait3A_69, %dma_wait3A_70] : memref<10000x128xf32, #tpu.memory_space<vmem_shared>> -> memref<10000x128xf32, #tpu.memory_space<vmem_shared>>
    tpu.wait_indirect_dma semaphore(%arg13 : memref<!tpu.dma_semaphore, #tpu.memory_space<semaphore_mem>>) src(%dma_wait3A_65 : memref<80x128xf32, #tpu.memory_space<vmem>>) dst(%dma_wait3A_71 : memref<10000x128xf32, #tpu.memory_space<vmem_shared>>)
    %barrier3A_72 = arith.constant 0 : index
    tpu.barrier barrier_id(%barrier3A_72)
    "tpu.region"() ({
      %run_scoped3A = tpu.sem_alloc : memref<!tpu.dma_semaphore, #tpu.memory_space<semaphore_mem>>
      %dma_start3A_78 = arith.constant 0 : i32
      %dma_start3A_79 = tpu.memref_slice %arg6[%arg0, %multiple_of3A, %dma_start3A_78] : memref<2x10000x128xf32, #tpu.memory_space<hbm>> -> memref<1x624x128xf32, #tpu.memory_space<hbm>>
      %dma_start3A_80 = tpu.memref_squeeze %dma_start3A_79 : memref<1x624x128xf32, #tpu.memory_space<hbm>> -> memref<624x128xf32, #tpu.memory_space<hbm>>
      %dma_start3A_81 = arith.constant 0 : i32
      %dma_start3A_82 = tpu.memref_slice %arg10[%multiple_of3A, %dma_start3A_81] : memref<10000x128xf32, #tpu.memory_space<vmem_shared>> -> memref<624x128xf32, #tpu.memory_space<vmem_shared>>
      tpu.enqueue_dma source(%dma_start3A_82 : memref<624x128xf32, #tpu.memory_space<vmem_shared>>) target(%dma_start3A_80 : memref<624x128xf32, #tpu.memory_space<hbm>>) target_semaphore(%run_scoped3A : memref<!tpu.dma_semaphore, #tpu.memory_space<semaphore_mem>>)
      %dma_wait3A_83 = arith.constant 0 : i32
      %dma_wait3A_84 = tpu.memref_slice %arg6[%arg0, %multiple_of3A, %dma_wait3A_83] : memref<2x10000x128xf32, #tpu.memory_space<hbm>> -> memref<1x624x128xf32, #tpu.memory_space<hbm>>
      %dma_wait3A_85 = tpu.memref_squeeze %dma_wait3A_84 : memref<1x624x128xf32, #tpu.memory_space<hbm>> -> memref<624x128xf32, #tpu.memory_space<hbm>>
      %dma_wait3A_86 = arith.constant 0 : i32
      %dma_wait3A_87 = tpu.memref_slice %arg10[%multiple_of3A, %dma_wait3A_86] : memref<10000x128xf32, #tpu.memory_space<vmem_shared>> -> memref<624x128xf32, #tpu.memory_space<vmem_shared>>
      tpu.wait_dma2 semaphore(%run_scoped3A : memref<!tpu.dma_semaphore, #tpu.memory_space<semaphore_mem>>) src(%dma_wait3A_87 : memref<624x128xf32, #tpu.memory_space<vmem_shared>>) dst(%dma_wait3A_85 : memref<624x128xf32, #tpu.memory_space<hbm>>)
      tpu.yield
    }) : () -> ()
    %eq3A_73 = arith.constant 15 : i32
    %eq3A_74 = arith.cmpi eq, %arg1, %eq3A_73 : i32
    %convert_element_type3A_75 = arith.extui %eq3A_74 : i1 to i32
    %cond3A_76 = arith.constant 0 : i32
    %cond3A_77 = arith.cmpi ne, %convert_element_type3A_75, %cond3A_76 : i32
    scf.if %cond3A_77 {
      "tpu.region"() ({
        %run_scoped3A = tpu.sem_alloc : memref<!tpu.dma_semaphore, #tpu.memory_space<semaphore_mem>>
        %dma_start3A_78 = arith.constant 9984 : i32
        %dma_start3A_79 = arith.constant 0 : i32
        %dma_start3A_80 = tpu.memref_slice %arg6[%arg0, %dma_start3A_78, %dma_start3A_79] : memref<2x10000x128xf32, #tpu.memory_space<hbm>> -> memref<1x16x128xf32, #tpu.memory_space<hbm>>
        %dma_start3A_81 = tpu.memref_squeeze %dma_start3A_80 : memref<1x16x128xf32, #tpu.memory_space<hbm>> -> memref<16x128xf32, #tpu.memory_space<hbm>>
        %dma_start3A_82 = arith.constant 9984 : i32
        %dma_start3A_83 = arith.constant 0 : i32
        %dma_start3A_84 = tpu.memref_slice %arg10[%dma_start3A_82, %dma_start3A_83] : memref<10000x128xf32, #tpu.memory_space<vmem_shared>> -> memref<16x128xf32, #tpu.memory_space<vmem_shared>>
        tpu.enqueue_dma source(%dma_start3A_84 : memref<16x128xf32, #tpu.memory_space<vmem_shared>>) target(%dma_start3A_81 : memref<16x128xf32, #tpu.memory_space<hbm>>) target_semaphore(%run_scoped3A : memref<!tpu.dma_semaphore, #tpu.memory_space<semaphore_mem>>)
        %dma_wait3A_85 = arith.constant 9984 : i32
        %dma_wait3A_86 = arith.constant 0 : i32
        %dma_wait3A_87 = tpu.memref_slice %arg6[%arg0, %dma_wait3A_85, %dma_wait3A_86] : memref<2x10000x128xf32, #tpu.memory_space<hbm>> -> memref<1x16x128xf32, #tpu.memory_space<hbm>>
        %dma_wait3A_88 = tpu.memref_squeeze %dma_wait3A_87 : memref<1x16x128xf32, #tpu.memory_space<hbm>> -> memref<16x128xf32, #tpu.memory_space<hbm>>
        %dma_wait3A_89 = arith.constant 9984 : i32
        %dma_wait3A_90 = arith.constant 0 : i32
        %dma_wait3A_91 = tpu.memref_slice %arg10[%dma_wait3A_89, %dma_wait3A_90] : memref<10000x128xf32, #tpu.memory_space<vmem_shared>> -> memref<16x128xf32, #tpu.memory_space<vmem_shared>>
        tpu.wait_dma2 semaphore(%run_scoped3A : memref<!tpu.dma_semaphore, #tpu.memory_space<semaphore_mem>>) src(%dma_wait3A_91 : memref<16x128xf32, #tpu.memory_space<vmem_shared>>) dst(%dma_wait3A_88 : memref<16x128xf32, #tpu.memory_space<hbm>>)
        tpu.yield
      }) : () -> ()
    } else {
    }
    return
  }
}

module attributes {stable_mosaic.version = 14 : i64} {
  func.func @_d0_body(%arg0: i32, %arg1: memref<1000x128xf32, #tpu.memory_space<vmem>>, %arg2: memref<128x128xf32, #tpu.memory_space<vmem>>, %arg3: memref<1x128xf32, #tpu.memory_space<vmem>>, %arg4: memref<128x128xf32, #tpu.memory_space<vmem>>, %arg5: memref<1000x1xf32, #tpu.memory_space<vmem>>, %arg6: memref<1000x128xf32, #tpu.memory_space<vmem>>) attributes {dimension_semantics = [#tpu.dimension_semantics<arbitrary>], iteration_bounds = array<i64: 10>, scalar_prefetch = 0 : i64, scratch_operands = 0 : i64, tpu.core_type = #tpu.core_type<tc>, window_params = [{transform_indices = @transform_0, window_bounds = array<i64: 1000, 128>}, {pipeline_mode = #tpu.pipeline_mode<synchronous>, transform_indices = @transform_1, window_bounds = array<i64: 128, 128>}, {pipeline_mode = #tpu.pipeline_mode<synchronous>, transform_indices = @transform_2, window_bounds = array<i64: 1, 128>}, {pipeline_mode = #tpu.pipeline_mode<synchronous>, transform_indices = @transform_3, window_bounds = array<i64: 128, 128>}, {transform_indices = @transform_4, window_bounds = array<i64: 1000, 1>}, {transform_indices = @transform_5, window_bounds = array<i64: 1000, 128>}]} {
    %get3A = arith.constant 0 : index
    %get3A_0 = arith.constant 0 : index
    %get3A_1 = vector.load %arg1[%get3A, %get3A_0] : memref<1000x128xf32, #tpu.memory_space<vmem>>, vector<1000x128xf32>
    %get3A_2 = arith.constant 0 : index
    %get3A_3 = arith.constant 0 : index
    %get3A_4 = vector.load %arg2[%get3A_2, %get3A_3] : memref<128x128xf32, #tpu.memory_space<vmem>>, vector<128x128xf32>
    %dot_general3A = arith.constant dense<0.000000e+00> : vector<1000x128xf32>
    %dot_general3A_5 = tpu.matmul %get3A_1, %get3A_4, %dot_general3A {dimension_numbers = #tpu.dot_dimension_numbers<[1], [0], [0], [1], [0, 0, 1, 1], [], []>, transpose_lhs_hint = false} : vector<1000x128xf32>, vector<128x128xf32>, vector<1000x128xf32> -> vector<1000x128xf32>
    %get3A_6 = arith.constant 0 : index
    %get3A_7 = arith.constant 0 : index
    %get3A_8 = vector.load %arg3[%get3A_6, %get3A_7] : memref<1x128xf32, #tpu.memory_space<vmem>>, vector<1x128xf32>
    %add3A = vector.broadcast %get3A_8 : vector<1x128xf32> to vector<1000x128xf32>
    %add3A_9 = arith.addf %dot_general3A_5, %add3A : vector<1000x128xf32>
    %get3A_10 = arith.constant 0 : index
    %get3A_11 = arith.constant 0 : index
    %get3A_12 = vector.load %arg4[%get3A_10, %get3A_11] : memref<128x128xf32, #tpu.memory_space<vmem>>, vector<128x128xf32>
    %dot_general3A_13 = arith.constant dense<0.000000e+00> : vector<1000x128xf32>
    %dot_general3A_14 = tpu.matmul %add3A_9, %get3A_12, %dot_general3A_13 {dimension_numbers = #tpu.dot_dimension_numbers<[1], [0], [0], [1], [0, 0, 1, 1], [], []>, transpose_lhs_hint = false} : vector<1000x128xf32>, vector<128x128xf32>, vector<1000x128xf32> -> vector<1000x128xf32>
    %get3A_15 = arith.constant 0 : index
    %get3A_16 = arith.constant 0 : index
    %get3A_17 = vector.load %arg5[%get3A_15, %get3A_16] : memref<1000x1xf32, #tpu.memory_space<vmem>>, vector<1000x1xf32>
    %rsqrt3A = math.rsqrt %get3A_17 : vector<1000x1xf32>
    %mul3A = vector.broadcast %rsqrt3A : vector<1000x1xf32> to vector<1000x128xf32>
    %mul3A_18 = arith.mulf %dot_general3A_14, %mul3A : vector<1000x128xf32>
    %swap3A = arith.constant 0 : index
    %swap3A_19 = arith.constant 0 : index
    %swap3A_20 = vector.load %arg6[%swap3A, %swap3A_19] : memref<1000x128xf32, #tpu.memory_space<vmem>>, vector<1000x128xf32>
    tpu.vector_store %arg6[%swap3A, %swap3A_19], %mul3A_18 {strides = array<i32>} : memref<1000x128xf32, #tpu.memory_space<vmem>>, vector<1000x128xf32>,
    return
  }
  func.func @transform_0(%arg0: i32) -> (i32, i32) {
    %c0_i32 = arith.constant 0 : i32
    %c0_i32_0 = arith.constant 0 : i32
    return %arg0, %c0_i32 : i32, i32
  }
  func.func @transform_1(%arg0: i32) -> (i32, i32) {
    %c0_i32 = arith.constant 0 : i32
    %c0_i32_0 = arith.constant 0 : i32
    %c0_i32_1 = arith.constant 0 : i32
    return %c0_i32, %c0_i32_0 : i32, i32
  }
  func.func @transform_2(%arg0: i32) -> (i32, i32) {
    %c0_i32 = arith.constant 0 : i32
    %c0_i32_0 = arith.constant 0 : i32
    %c0_i32_1 = arith.constant 0 : i32
    return %c0_i32, %c0_i32_0 : i32, i32
  }
  func.func @transform_3(%arg0: i32) -> (i32, i32) {
    %c0_i32 = arith.constant 0 : i32
    %c0_i32_0 = arith.constant 0 : i32
    %c0_i32_1 = arith.constant 0 : i32
    return %c0_i32, %c0_i32_0 : i32, i32
  }
  func.func @transform_4(%arg0: i32) -> (i32, i32) {
    %c0_i32 = arith.constant 0 : i32
    %c0_i32_0 = arith.constant 0 : i32
    return %arg0, %c0_i32 : i32, i32
  }
  func.func @transform_5(%arg0: i32) -> (i32, i32) {
    %c0_i32 = arith.constant 0 : i32
    %c0_i32_0 = arith.constant 0 : i32
    return %arg0, %c0_i32 : i32, i32
  }
}

module attributes {stable_mosaic.version = 14 : i64} {
  func.func @_dmid_body(%arg0: i32, %arg1: memref<1000x128xf32, #tpu.memory_space<vmem>>, %arg2: memref<1000x128xf32, #tpu.memory_space<vmem>>, %arg3: memref<1000x128xf32, #tpu.memory_space<vmem>>, %arg4: memref<1000x128xf32, #tpu.memory_space<vmem>>, %arg5: memref<1x128xf32, #tpu.memory_space<vmem>>, %arg6: memref<1x128xf32, #tpu.memory_space<vmem>>, %arg7: memref<1x128xf32, #tpu.memory_space<vmem>>, %arg8: memref<128x128xf32, #tpu.memory_space<vmem>>, %arg9: memref<1000x1xf32, #tpu.memory_space<vmem>>, %arg10: memref<1000x128xf32, #tpu.memory_space<vmem>>, %arg11: memref<1000x128xf32, #tpu.memory_space<vmem>>) attributes {dimension_semantics = [#tpu.dimension_semantics<arbitrary>], iteration_bounds = array<i64: 10>, scalar_prefetch = 0 : i64, scratch_operands = 0 : i64, tpu.core_type = #tpu.core_type<tc>, window_params = [{transform_indices = @transform_0, window_bounds = array<i64: 1000, 128>}, {transform_indices = @transform_1, window_bounds = array<i64: 1000, 128>}, {transform_indices = @transform_2, window_bounds = array<i64: 1000, 128>}, {transform_indices = @transform_3, window_bounds = array<i64: 1000, 128>}, {pipeline_mode = #tpu.pipeline_mode<synchronous>, transform_indices = @transform_4, window_bounds = array<i64: 1, 128>}, {pipeline_mode = #tpu.pipeline_mode<synchronous>, transform_indices = @transform_5, window_bounds = array<i64: 1, 128>}, {pipeline_mode = #tpu.pipeline_mode<synchronous>, transform_indices = @transform_6, window_bounds = array<i64: 1, 128>}, {pipeline_mode = #tpu.pipeline_mode<synchronous>, transform_indices = @transform_7, window_bounds = array<i64: 128, 128>}, {transform_indices = @transform_8, window_bounds = array<i64: 1000, 1>}, {transform_indices = @transform_9, window_bounds = array<i64: 1000, 128>}, {transform_indices = @transform_10, window_bounds = array<i64: 1000, 128>}]} {
    %get3A = arith.constant 0 : index
    %get3A_0 = arith.constant 0 : index
    %get3A_1 = vector.load %arg9[%get3A, %get3A_0] : memref<1000x1xf32, #tpu.memory_space<vmem>>, vector<1000x1xf32>
    %rsqrt3A = math.rsqrt %get3A_1 : vector<1000x1xf32>
    %get3A_2 = arith.constant 0 : index
    %get3A_3 = arith.constant 0 : index
    %get3A_4 = vector.load %arg3[%get3A_2, %get3A_3] : memref<1000x128xf32, #tpu.memory_space<vmem>>, vector<1000x128xf32>
    %get3A_5 = arith.constant 0 : index
    %get3A_6 = arith.constant 0 : index
    %get3A_7 = vector.load %arg4[%get3A_5, %get3A_6] : memref<1000x128xf32, #tpu.memory_space<vmem>>, vector<1000x128xf32>
    %add3A = arith.addf %get3A_4, %get3A_7 : vector<1000x128xf32>
    %get3A_8 = arith.constant 0 : index
    %get3A_9 = arith.constant 0 : index
    %get3A_10 = vector.load %arg2[%get3A_8, %get3A_9] : memref<1000x128xf32, #tpu.memory_space<vmem>>, vector<1000x128xf32>
    %add3A_11 = arith.addf %add3A, %get3A_10 : vector<1000x128xf32>
    %mul3A = vector.broadcast %rsqrt3A : vector<1000x1xf32> to vector<1000x128xf32>
    %mul3A_12 = arith.mulf %mul3A, %add3A_11 : vector<1000x128xf32>
    %get3A_13 = arith.constant 0 : index
    %get3A_14 = arith.constant 0 : index
    %get3A_15 = vector.load %arg5[%get3A_13, %get3A_14] : memref<1x128xf32, #tpu.memory_space<vmem>>, vector<1x128xf32>
    %add3A_16 = vector.broadcast %get3A_15 : vector<1x128xf32> to vector<1000x128xf32>
    %add3A_17 = arith.addf %mul3A_12, %add3A_16 : vector<1000x128xf32>
    %get3A_18 = arith.constant 0 : index
    %get3A_19 = arith.constant 0 : index
    %get3A_20 = vector.load %arg6[%get3A_18, %get3A_19] : memref<1x128xf32, #tpu.memory_space<vmem>>, vector<1x128xf32>
    %get3A_21 = arith.constant 0 : index
    %get3A_22 = arith.constant 0 : index
    %get3A_23 = vector.load %arg7[%get3A_21, %get3A_22] : memref<1x128xf32, #tpu.memory_space<vmem>>, vector<1x128xf32>
    %reduce_sum3A = arith.constant dense<0.000000e+00> : vector<1000xf32>
    %reduce_sum3A_24 = vector.multi_reduction <add>, %add3A_17, %reduce_sum3A [1] : vector<1000x128xf32> to vector<1000xf32>
    %broadcast_in_dim3A = vector.shape_cast %reduce_sum3A_24 : vector<1000xf32> to vector<1000x1xf32>
    %div3A = arith.constant 1.280000e+02 : f32
    %div3A_25 = vector.broadcast %div3A : f32 to vector<1000x1xf32>
    %div3A_26 = arith.divf %broadcast_in_dim3A, %div3A_25 : vector<1000x1xf32>
    %sub3A = vector.broadcast %div3A_26 : vector<1000x1xf32> to vector<1000x128xf32>
    %sub3A_27 = arith.subf %add3A_17, %sub3A : vector<1000x128xf32>
    %integer_pow3A = arith.mulf %sub3A_27, %sub3A_27 : vector<1000x128xf32>
    %reduce_sum3A_28 = arith.constant dense<0.000000e+00> : vector<1000xf32>
    %reduce_sum3A_29 = vector.multi_reduction <add>, %integer_pow3A, %reduce_sum3A_28 [1] : vector<1000x128xf32> to vector<1000xf32>
    %broadcast_in_dim3A_30 = vector.shape_cast %reduce_sum3A_29 : vector<1000xf32> to vector<1000x1xf32>
    %div3A_31 = arith.constant 1.280000e+02 : f32
    %div3A_32 = vector.broadcast %div3A_31 : f32 to vector<1000x1xf32>
    %div3A_33 = arith.divf %broadcast_in_dim3A_30, %div3A_32 : vector<1000x1xf32>
    %sub3A_34 = vector.broadcast %div3A_26 : vector<1000x1xf32> to vector<1000x128xf32>
    %sub3A_35 = arith.subf %add3A_17, %sub3A_34 : vector<1000x128xf32>
    %add3A_36 = arith.constant 9.99999974E-6 : f32
    %add3A_37 = vector.broadcast %add3A_36 : f32 to vector<1000x1xf32>
    %add3A_38 = arith.addf %div3A_33, %add3A_37 : vector<1000x1xf32>
    %rsqrt3A_39 = math.rsqrt %add3A_38 : vector<1000x1xf32>
    %mul3A_40 = vector.broadcast %rsqrt3A_39 : vector<1000x1xf32> to vector<1000x128xf32>
    %mul3A_41 = arith.mulf %sub3A_35, %mul3A_40 : vector<1000x128xf32>
    %mul3A_42 = vector.broadcast %get3A_20 : vector<1x128xf32> to vector<1000x128xf32>
    %mul3A_43 = arith.mulf %mul3A_41, %mul3A_42 : vector<1000x128xf32>
    %add3A_44 = vector.broadcast %get3A_23 : vector<1x128xf32> to vector<1000x128xf32>
    %add3A_45 = arith.addf %mul3A_43, %add3A_44 : vector<1000x128xf32>
    %max3A = arith.constant 0.000000e+00 : f32
    %max3A_46 = vector.broadcast %max3A : f32 to vector<1000x128xf32>
    %max3A_47 = arith.maximumf %add3A_45, %max3A_46 : vector<1000x128xf32>
    %swap3A = arith.constant 0 : index
    %swap3A_48 = arith.constant 0 : index
    %swap3A_49 = vector.load %arg10[%swap3A, %swap3A_48] : memref<1000x128xf32, #tpu.memory_space<vmem>>, vector<1000x128xf32>
    tpu.vector_store %arg10[%swap3A, %swap3A_48], %add3A_17 {strides = array<i32>} : memref<1000x128xf32, #tpu.memory_space<vmem>>, vector<1000x128xf32>,
    %get3A_50 = arith.constant 0 : index
    %get3A_51 = arith.constant 0 : index
    %get3A_52 = vector.load %arg8[%get3A_50, %get3A_51] : memref<128x128xf32, #tpu.memory_space<vmem>>, vector<128x128xf32>
    %dot_general3A = arith.constant dense<0.000000e+00> : vector<1000x128xf32>
    %dot_general3A_53 = tpu.matmul %max3A_47, %get3A_52, %dot_general3A {dimension_numbers = #tpu.dot_dimension_numbers<[1], [0], [0], [1], [0, 0, 1, 1], [], []>, transpose_lhs_hint = false} : vector<1000x128xf32>, vector<128x128xf32>, vector<1000x128xf32> -> vector<1000x128xf32>
    %mul3A_54 = vector.broadcast %rsqrt3A : vector<1000x1xf32> to vector<1000x128xf32>
    %mul3A_55 = arith.mulf %mul3A_54, %dot_general3A_53 : vector<1000x128xf32>
    %swap3A_56 = arith.constant 0 : index
    %swap3A_57 = arith.constant 0 : index
    %swap3A_58 = vector.load %arg11[%swap3A_56, %swap3A_57] : memref<1000x128xf32, #tpu.memory_space<vmem>>, vector<1000x128xf32>
    tpu.vector_store %arg11[%swap3A_56, %swap3A_57], %mul3A_55 {strides = array<i32>} : memref<1000x128xf32, #tpu.memory_space<vmem>>, vector<1000x128xf32>,
    return
  }
  func.func @transform_0(%arg0: i32) -> (i32, i32) {
    %c0_i32 = arith.constant 0 : i32
    %c0_i32_0 = arith.constant 0 : i32
    return %arg0, %c0_i32 : i32, i32
  }
  func.func @transform_1(%arg0: i32) -> (i32, i32) {
    %c0_i32 = arith.constant 0 : i32
    %c0_i32_0 = arith.constant 0 : i32
    return %arg0, %c0_i32 : i32, i32
  }
  func.func @transform_2(%arg0: i32) -> (i32, i32) {
    %c0_i32 = arith.constant 0 : i32
    %c0_i32_0 = arith.constant 0 : i32
    return %arg0, %c0_i32 : i32, i32
  }
  func.func @transform_3(%arg0: i32) -> (i32, i32) {
    %c0_i32 = arith.constant 0 : i32
    %c0_i32_0 = arith.constant 0 : i32
    return %arg0, %c0_i32 : i32, i32
  }
  func.func @transform_4(%arg0: i32) -> (i32, i32) {
    %c0_i32 = arith.constant 0 : i32
    %c0_i32_0 = arith.constant 0 : i32
    %c0_i32_1 = arith.constant 0 : i32
    return %c0_i32, %c0_i32_0 : i32, i32
  }
  func.func @transform_5(%arg0: i32) -> (i32, i32) {
    %c0_i32 = arith.constant 0 : i32
    %c0_i32_0 = arith.constant 0 : i32
    %c0_i32_1 = arith.constant 0 : i32
    return %c0_i32, %c0_i32_0 : i32, i32
  }
  func.func @transform_6(%arg0: i32) -> (i32, i32) {
    %c0_i32 = arith.constant 0 : i32
    %c0_i32_0 = arith.constant 0 : i32
    %c0_i32_1 = arith.constant 0 : i32
    return %c0_i32, %c0_i32_0 : i32, i32
  }
  func.func @transform_7(%arg0: i32) -> (i32, i32) {
    %c0_i32 = arith.constant 0 : i32
    %c0_i32_0 = arith.constant 0 : i32
    %c0_i32_1 = arith.constant 0 : i32
    return %c0_i32, %c0_i32_0 : i32, i32
  }
  func.func @transform_8(%arg0: i32) -> (i32, i32) {
    %c0_i32 = arith.constant 0 : i32
    %c0_i32_0 = arith.constant 0 : i32
    return %arg0, %c0_i32 : i32, i32
  }
  func.func @transform_9(%arg0: i32) -> (i32, i32) {
    %c0_i32 = arith.constant 0 : i32
    %c0_i32_0 = arith.constant 0 : i32
    return %arg0, %c0_i32 : i32, i32
  }
  func.func @transform_10(%arg0: i32) -> (i32, i32) {
    %c0_i32 = arith.constant 0 : i32
    %c0_i32_0 = arith.constant 0 : i32
    return %arg0, %c0_i32 : i32, i32
  }
}

module attributes {stable_mosaic.version = 14 : i64} {
  func.func @_dmid_body(%arg0: i32, %arg1: memref<1000x128xf32, #tpu.memory_space<vmem>>, %arg2: memref<1000x128xf32, #tpu.memory_space<vmem>>, %arg3: memref<1000x128xf32, #tpu.memory_space<vmem>>, %arg4: memref<1000x128xf32, #tpu.memory_space<vmem>>, %arg5: memref<1x128xf32, #tpu.memory_space<vmem>>, %arg6: memref<1x128xf32, #tpu.memory_space<vmem>>, %arg7: memref<1x128xf32, #tpu.memory_space<vmem>>, %arg8: memref<128x128xf32, #tpu.memory_space<vmem>>, %arg9: memref<1000x1xf32, #tpu.memory_space<vmem>>, %arg10: memref<1000x128xf32, #tpu.memory_space<vmem>>, %arg11: memref<1000x128xf32, #tpu.memory_space<vmem>>) attributes {dimension_semantics = [#tpu.dimension_semantics<arbitrary>], iteration_bounds = array<i64: 10>, scalar_prefetch = 0 : i64, scratch_operands = 0 : i64, tpu.core_type = #tpu.core_type<tc>, window_params = [{transform_indices = @transform_0, window_bounds = array<i64: 1000, 128>}, {transform_indices = @transform_1, window_bounds = array<i64: 1000, 128>}, {transform_indices = @transform_2, window_bounds = array<i64: 1000, 128>}, {transform_indices = @transform_3, window_bounds = array<i64: 1000, 128>}, {pipeline_mode = #tpu.pipeline_mode<synchronous>, transform_indices = @transform_4, window_bounds = array<i64: 1, 128>}, {pipeline_mode = #tpu.pipeline_mode<synchronous>, transform_indices = @transform_5, window_bounds = array<i64: 1, 128>}, {pipeline_mode = #tpu.pipeline_mode<synchronous>, transform_indices = @transform_6, window_bounds = array<i64: 1, 128>}, {pipeline_mode = #tpu.pipeline_mode<synchronous>, transform_indices = @transform_7, window_bounds = array<i64: 128, 128>}, {transform_indices = @transform_8, window_bounds = array<i64: 1000, 1>}, {transform_indices = @transform_9, window_bounds = array<i64: 1000, 128>}, {transform_indices = @transform_10, window_bounds = array<i64: 1000, 128>}]} {
    %get3A = arith.constant 0 : index
    %get3A_0 = arith.constant 0 : index
    %get3A_1 = vector.load %arg9[%get3A, %get3A_0] : memref<1000x1xf32, #tpu.memory_space<vmem>>, vector<1000x1xf32>
    %rsqrt3A = math.rsqrt %get3A_1 : vector<1000x1xf32>
    %get3A_2 = arith.constant 0 : index
    %get3A_3 = arith.constant 0 : index
    %get3A_4 = vector.load %arg3[%get3A_2, %get3A_3] : memref<1000x128xf32, #tpu.memory_space<vmem>>, vector<1000x128xf32>
    %get3A_5 = arith.constant 0 : index
    %get3A_6 = arith.constant 0 : index
    %get3A_7 = vector.load %arg4[%get3A_5, %get3A_6] : memref<1000x128xf32, #tpu.memory_space<vmem>>, vector<1000x128xf32>
    %add3A = arith.addf %get3A_4, %get3A_7 : vector<1000x128xf32>
    %get3A_8 = arith.constant 0 : index
    %get3A_9 = arith.constant 0 : index
    %get3A_10 = vector.load %arg2[%get3A_8, %get3A_9] : memref<1000x128xf32, #tpu.memory_space<vmem>>, vector<1000x128xf32>
    %add3A_11 = arith.addf %add3A, %get3A_10 : vector<1000x128xf32>
    %mul3A = vector.broadcast %rsqrt3A : vector<1000x1xf32> to vector<1000x128xf32>
    %mul3A_12 = arith.mulf %mul3A, %add3A_11 : vector<1000x128xf32>
    %get3A_13 = arith.constant 0 : index
    %get3A_14 = arith.constant 0 : index
    %get3A_15 = vector.load %arg5[%get3A_13, %get3A_14] : memref<1x128xf32, #tpu.memory_space<vmem>>, vector<1x128xf32>
    %add3A_16 = vector.broadcast %get3A_15 : vector<1x128xf32> to vector<1000x128xf32>
    %add3A_17 = arith.addf %mul3A_12, %add3A_16 : vector<1000x128xf32>
    %get3A_18 = arith.constant 0 : index
    %get3A_19 = arith.constant 0 : index
    %get3A_20 = vector.load %arg1[%get3A_18, %get3A_19] : memref<1000x128xf32, #tpu.memory_space<vmem>>, vector<1000x128xf32>
    %add3A_21 = arith.addf %add3A_17, %get3A_20 : vector<1000x128xf32>
    %get3A_22 = arith.constant 0 : index
    %get3A_23 = arith.constant 0 : index
    %get3A_24 = vector.load %arg6[%get3A_22, %get3A_23] : memref<1x128xf32, #tpu.memory_space<vmem>>, vector<1x128xf32>
    %get3A_25 = arith.constant 0 : index
    %get3A_26 = arith.constant 0 : index
    %get3A_27 = vector.load %arg7[%get3A_25, %get3A_26] : memref<1x128xf32, #tpu.memory_space<vmem>>, vector<1x128xf32>
    %reduce_sum3A = arith.constant dense<0.000000e+00> : vector<1000xf32>
    %reduce_sum3A_28 = vector.multi_reduction <add>, %add3A_21, %reduce_sum3A [1] : vector<1000x128xf32> to vector<1000xf32>
    %broadcast_in_dim3A = vector.shape_cast %reduce_sum3A_28 : vector<1000xf32> to vector<1000x1xf32>
    %div3A = arith.constant 1.280000e+02 : f32
    %div3A_29 = vector.broadcast %div3A : f32 to vector<1000x1xf32>
    %div3A_30 = arith.divf %broadcast_in_dim3A, %div3A_29 : vector<1000x1xf32>
    %sub3A = vector.broadcast %div3A_30 : vector<1000x1xf32> to vector<1000x128xf32>
    %sub3A_31 = arith.subf %add3A_21, %sub3A : vector<1000x128xf32>
    %integer_pow3A = arith.mulf %sub3A_31, %sub3A_31 : vector<1000x128xf32>
    %reduce_sum3A_32 = arith.constant dense<0.000000e+00> : vector<1000xf32>
    %reduce_sum3A_33 = vector.multi_reduction <add>, %integer_pow3A, %reduce_sum3A_32 [1] : vector<1000x128xf32> to vector<1000xf32>
    %broadcast_in_dim3A_34 = vector.shape_cast %reduce_sum3A_33 : vector<1000xf32> to vector<1000x1xf32>
    %div3A_35 = arith.constant 1.280000e+02 : f32
    %div3A_36 = vector.broadcast %div3A_35 : f32 to vector<1000x1xf32>
    %div3A_37 = arith.divf %broadcast_in_dim3A_34, %div3A_36 : vector<1000x1xf32>
    %sub3A_38 = vector.broadcast %div3A_30 : vector<1000x1xf32> to vector<1000x128xf32>
    %sub3A_39 = arith.subf %add3A_21, %sub3A_38 : vector<1000x128xf32>
    %add3A_40 = arith.constant 9.99999974E-6 : f32
    %add3A_41 = vector.broadcast %add3A_40 : f32 to vector<1000x1xf32>
    %add3A_42 = arith.addf %div3A_37, %add3A_41 : vector<1000x1xf32>
    %rsqrt3A_43 = math.rsqrt %add3A_42 : vector<1000x1xf32>
    %mul3A_44 = vector.broadcast %rsqrt3A_43 : vector<1000x1xf32> to vector<1000x128xf32>
    %mul3A_45 = arith.mulf %sub3A_39, %mul3A_44 : vector<1000x128xf32>
    %mul3A_46 = vector.broadcast %get3A_24 : vector<1x128xf32> to vector<1000x128xf32>
    %mul3A_47 = arith.mulf %mul3A_45, %mul3A_46 : vector<1000x128xf32>
    %add3A_48 = vector.broadcast %get3A_27 : vector<1x128xf32> to vector<1000x128xf32>
    %add3A_49 = arith.addf %mul3A_47, %add3A_48 : vector<1000x128xf32>
    %max3A = arith.constant 0.000000e+00 : f32
    %max3A_50 = vector.broadcast %max3A : f32 to vector<1000x128xf32>
    %max3A_51 = arith.maximumf %add3A_49, %max3A_50 : vector<1000x128xf32>
    %swap3A = arith.constant 0 : index
    %swap3A_52 = arith.constant 0 : index
    %swap3A_53 = vector.load %arg10[%swap3A, %swap3A_52] : memref<1000x128xf32, #tpu.memory_space<vmem>>, vector<1000x128xf32>
    tpu.vector_store %arg10[%swap3A, %swap3A_52], %add3A_21 {strides = array<i32>} : memref<1000x128xf32, #tpu.memory_space<vmem>>, vector<1000x128xf32>,
    %get3A_54 = arith.constant 0 : index
    %get3A_55 = arith.constant 0 : index
    %get3A_56 = vector.load %arg8[%get3A_54, %get3A_55] : memref<128x128xf32, #tpu.memory_space<vmem>>, vector<128x128xf32>
    %dot_general3A = arith.constant dense<0.000000e+00> : vector<1000x128xf32>
    %dot_general3A_57 = tpu.matmul %max3A_51, %get3A_56, %dot_general3A {dimension_numbers = #tpu.dot_dimension_numbers<[1], [0], [0], [1], [0, 0, 1, 1], [], []>, transpose_lhs_hint = false} : vector<1000x128xf32>, vector<128x128xf32>, vector<1000x128xf32> -> vector<1000x128xf32>
    %mul3A_58 = vector.broadcast %rsqrt3A : vector<1000x1xf32> to vector<1000x128xf32>
    %mul3A_59 = arith.mulf %mul3A_58, %dot_general3A_57 : vector<1000x128xf32>
    %swap3A_60 = arith.constant 0 : index
    %swap3A_61 = arith.constant 0 : index
    %swap3A_62 = vector.load %arg11[%swap3A_60, %swap3A_61] : memref<1000x128xf32, #tpu.memory_space<vmem>>, vector<1000x128xf32>
    tpu.vector_store %arg11[%swap3A_60, %swap3A_61], %mul3A_59 {strides = array<i32>} : memref<1000x128xf32, #tpu.memory_space<vmem>>, vector<1000x128xf32>,
    return
  }
  func.func @transform_0(%arg0: i32) -> (i32, i32) {
    %c0_i32 = arith.constant 0 : i32
    %c0_i32_0 = arith.constant 0 : i32
    return %arg0, %c0_i32 : i32, i32
  }
  func.func @transform_1(%arg0: i32) -> (i32, i32) {
    %c0_i32 = arith.constant 0 : i32
    %c0_i32_0 = arith.constant 0 : i32
    return %arg0, %c0_i32 : i32, i32
  }
  func.func @transform_2(%arg0: i32) -> (i32, i32) {
    %c0_i32 = arith.constant 0 : i32
    %c0_i32_0 = arith.constant 0 : i32
    return %arg0, %c0_i32 : i32, i32
  }
  func.func @transform_3(%arg0: i32) -> (i32, i32) {
    %c0_i32 = arith.constant 0 : i32
    %c0_i32_0 = arith.constant 0 : i32
    return %arg0, %c0_i32 : i32, i32
  }
  func.func @transform_4(%arg0: i32) -> (i32, i32) {
    %c0_i32 = arith.constant 0 : i32
    %c0_i32_0 = arith.constant 0 : i32
    %c0_i32_1 = arith.constant 0 : i32
    return %c0_i32, %c0_i32_0 : i32, i32
  }
  func.func @transform_5(%arg0: i32) -> (i32, i32) {
    %c0_i32 = arith.constant 0 : i32
    %c0_i32_0 = arith.constant 0 : i32
    %c0_i32_1 = arith.constant 0 : i32
    return %c0_i32, %c0_i32_0 : i32, i32
  }
  func.func @transform_6(%arg0: i32) -> (i32, i32) {
    %c0_i32 = arith.constant 0 : i32
    %c0_i32_0 = arith.constant 0 : i32
    %c0_i32_1 = arith.constant 0 : i32
    return %c0_i32, %c0_i32_0 : i32, i32
  }
  func.func @transform_7(%arg0: i32) -> (i32, i32) {
    %c0_i32 = arith.constant 0 : i32
    %c0_i32_0 = arith.constant 0 : i32
    %c0_i32_1 = arith.constant 0 : i32
    return %c0_i32, %c0_i32_0 : i32, i32
  }
  func.func @transform_8(%arg0: i32) -> (i32, i32) {
    %c0_i32 = arith.constant 0 : i32
    %c0_i32_0 = arith.constant 0 : i32
    return %arg0, %c0_i32 : i32, i32
  }
  func.func @transform_9(%arg0: i32) -> (i32, i32) {
    %c0_i32 = arith.constant 0 : i32
    %c0_i32_0 = arith.constant 0 : i32
    return %arg0, %c0_i32 : i32, i32
  }
  func.func @transform_10(%arg0: i32) -> (i32, i32) {
    %c0_i32 = arith.constant 0 : i32
    %c0_i32_0 = arith.constant 0 : i32
    return %arg0, %c0_i32 : i32, i32
  }
}

module attributes {stable_mosaic.version = 14 : i64} {
  func.func @_dlast_body(%arg0: i32, %arg1: memref<1000x128xf32, #tpu.memory_space<vmem>>, %arg2: memref<1000x128xf32, #tpu.memory_space<vmem>>, %arg3: memref<1000x128xf32, #tpu.memory_space<vmem>>, %arg4: memref<1000x128xf32, #tpu.memory_space<vmem>>, %arg5: memref<1x128xf32, #tpu.memory_space<vmem>>, %arg6: memref<1x128xf32, #tpu.memory_space<vmem>>, %arg7: memref<1x128xf32, #tpu.memory_space<vmem>>, %arg8: memref<1000x1xf32, #tpu.memory_space<vmem>>, %arg9: memref<1000x128xf32, #tpu.memory_space<vmem>>) attributes {dimension_semantics = [#tpu.dimension_semantics<arbitrary>], iteration_bounds = array<i64: 10>, scalar_prefetch = 0 : i64, scratch_operands = 0 : i64, tpu.core_type = #tpu.core_type<tc>, window_params = [{transform_indices = @transform_0, window_bounds = array<i64: 1000, 128>}, {transform_indices = @transform_1, window_bounds = array<i64: 1000, 128>}, {transform_indices = @transform_2, window_bounds = array<i64: 1000, 128>}, {transform_indices = @transform_3, window_bounds = array<i64: 1000, 128>}, {pipeline_mode = #tpu.pipeline_mode<synchronous>, transform_indices = @transform_4, window_bounds = array<i64: 1, 128>}, {pipeline_mode = #tpu.pipeline_mode<synchronous>, transform_indices = @transform_5, window_bounds = array<i64: 1, 128>}, {pipeline_mode = #tpu.pipeline_mode<synchronous>, transform_indices = @transform_6, window_bounds = array<i64: 1, 128>}, {transform_indices = @transform_7, window_bounds = array<i64: 1000, 1>}, {transform_indices = @transform_8, window_bounds = array<i64: 1000, 128>}]} {
    %get3A = arith.constant 0 : index
    %get3A_0 = arith.constant 0 : index
    %get3A_1 = vector.load %arg8[%get3A, %get3A_0] : memref<1000x1xf32, #tpu.memory_space<vmem>>, vector<1000x1xf32>
    %rsqrt3A = math.rsqrt %get3A_1 : vector<1000x1xf32>
    %get3A_2 = arith.constant 0 : index
    %get3A_3 = arith.constant 0 : index
    %get3A_4 = vector.load %arg1[%get3A_2, %get3A_3] : memref<1000x128xf32, #tpu.memory_space<vmem>>, vector<1000x128xf32>
    %get3A_5 = arith.constant 0 : index
    %get3A_6 = arith.constant 0 : index
    %get3A_7 = vector.load %arg3[%get3A_5, %get3A_6] : memref<1000x128xf32, #tpu.memory_space<vmem>>, vector<1000x128xf32>
    %get3A_8 = arith.constant 0 : index
    %get3A_9 = arith.constant 0 : index
    %get3A_10 = vector.load %arg4[%get3A_8, %get3A_9] : memref<1000x128xf32, #tpu.memory_space<vmem>>, vector<1000x128xf32>
    %add3A = arith.addf %get3A_7, %get3A_10 : vector<1000x128xf32>
    %get3A_11 = arith.constant 0 : index
    %get3A_12 = arith.constant 0 : index
    %get3A_13 = vector.load %arg2[%get3A_11, %get3A_12] : memref<1000x128xf32, #tpu.memory_space<vmem>>, vector<1000x128xf32>
    %add3A_14 = arith.addf %add3A, %get3A_13 : vector<1000x128xf32>
    %mul3A = vector.broadcast %rsqrt3A : vector<1000x1xf32> to vector<1000x128xf32>
    %mul3A_15 = arith.mulf %mul3A, %add3A_14 : vector<1000x128xf32>
    %add3A_16 = arith.addf %get3A_4, %mul3A_15 : vector<1000x128xf32>
    %get3A_17 = arith.constant 0 : index
    %get3A_18 = arith.constant 0 : index
    %get3A_19 = vector.load %arg5[%get3A_17, %get3A_18] : memref<1x128xf32, #tpu.memory_space<vmem>>, vector<1x128xf32>
    %add3A_20 = vector.broadcast %get3A_19 : vector<1x128xf32> to vector<1000x128xf32>
    %add3A_21 = arith.addf %add3A_16, %add3A_20 : vector<1000x128xf32>
    %get3A_22 = arith.constant 0 : index
    %get3A_23 = arith.constant 0 : index
    %get3A_24 = vector.load %arg6[%get3A_22, %get3A_23] : memref<1x128xf32, #tpu.memory_space<vmem>>, vector<1x128xf32>
    %get3A_25 = arith.constant 0 : index
    %get3A_26 = arith.constant 0 : index
    %get3A_27 = vector.load %arg7[%get3A_25, %get3A_26] : memref<1x128xf32, #tpu.memory_space<vmem>>, vector<1x128xf32>
    %reduce_sum3A = arith.constant dense<0.000000e+00> : vector<1000xf32>
    %reduce_sum3A_28 = vector.multi_reduction <add>, %add3A_21, %reduce_sum3A [1] : vector<1000x128xf32> to vector<1000xf32>
    %broadcast_in_dim3A = vector.shape_cast %reduce_sum3A_28 : vector<1000xf32> to vector<1000x1xf32>
    %div3A = arith.constant 1.280000e+02 : f32
    %div3A_29 = vector.broadcast %div3A : f32 to vector<1000x1xf32>
    %div3A_30 = arith.divf %broadcast_in_dim3A, %div3A_29 : vector<1000x1xf32>
    %sub3A = vector.broadcast %div3A_30 : vector<1000x1xf32> to vector<1000x128xf32>
    %sub3A_31 = arith.subf %add3A_21, %sub3A : vector<1000x128xf32>
    %integer_pow3A = arith.mulf %sub3A_31, %sub3A_31 : vector<1000x128xf32>
    %reduce_sum3A_32 = arith.constant dense<0.000000e+00> : vector<1000xf32>
    %reduce_sum3A_33 = vector.multi_reduction <add>, %integer_pow3A, %reduce_sum3A_32 [1] : vector<1000x128xf32> to vector<1000xf32>
    %broadcast_in_dim3A_34 = vector.shape_cast %reduce_sum3A_33 : vector<1000xf32> to vector<1000x1xf32>
    %div3A_35 = arith.constant 1.280000e+02 : f32
    %div3A_36 = vector.broadcast %div3A_35 : f32 to vector<1000x1xf32>
    %div3A_37 = arith.divf %broadcast_in_dim3A_34, %div3A_36 : vector<1000x1xf32>
    %sub3A_38 = vector.broadcast %div3A_30 : vector<1000x1xf32> to vector<1000x128xf32>
    %sub3A_39 = arith.subf %add3A_21, %sub3A_38 : vector<1000x128xf32>
    %add3A_40 = arith.constant 9.99999974E-6 : f32
    %add3A_41 = vector.broadcast %add3A_40 : f32 to vector<1000x1xf32>
    %add3A_42 = arith.addf %div3A_37, %add3A_41 : vector<1000x1xf32>
    %rsqrt3A_43 = math.rsqrt %add3A_42 : vector<1000x1xf32>
    %mul3A_44 = vector.broadcast %rsqrt3A_43 : vector<1000x1xf32> to vector<1000x128xf32>
    %mul3A_45 = arith.mulf %sub3A_39, %mul3A_44 : vector<1000x128xf32>
    %mul3A_46 = vector.broadcast %get3A_24 : vector<1x128xf32> to vector<1000x128xf32>
    %mul3A_47 = arith.mulf %mul3A_45, %mul3A_46 : vector<1000x128xf32>
    %add3A_48 = vector.broadcast %get3A_27 : vector<1x128xf32> to vector<1000x128xf32>
    %add3A_49 = arith.addf %mul3A_47, %add3A_48 : vector<1000x128xf32>
    %max3A = arith.constant 0.000000e+00 : f32
    %max3A_50 = vector.broadcast %max3A : f32 to vector<1000x128xf32>
    %max3A_51 = arith.maximumf %add3A_49, %max3A_50 : vector<1000x128xf32>
    %swap3A = arith.constant 0 : index
    %swap3A_52 = arith.constant 0 : index
    %swap3A_53 = vector.load %arg9[%swap3A, %swap3A_52] : memref<1000x128xf32, #tpu.memory_space<vmem>>, vector<1000x128xf32>
    tpu.vector_store %arg9[%swap3A, %swap3A_52], %max3A_51 {strides = array<i32>} : memref<1000x128xf32, #tpu.memory_space<vmem>>, vector<1000x128xf32>,
    return
  }
  func.func @transform_0(%arg0: i32) -> (i32, i32) {
    %c0_i32 = arith.constant 0 : i32
    %c0_i32_0 = arith.constant 0 : i32
    return %arg0, %c0_i32 : i32, i32
  }
  func.func @transform_1(%arg0: i32) -> (i32, i32) {
    %c0_i32 = arith.constant 0 : i32
    %c0_i32_0 = arith.constant 0 : i32
    return %arg0, %c0_i32 : i32, i32
  }
  func.func @transform_2(%arg0: i32) -> (i32, i32) {
    %c0_i32 = arith.constant 0 : i32
    %c0_i32_0 = arith.constant 0 : i32
    return %arg0, %c0_i32 : i32, i32
  }
  func.func @transform_3(%arg0: i32) -> (i32, i32) {
    %c0_i32 = arith.constant 0 : i32
    %c0_i32_0 = arith.constant 0 : i32
    return %arg0, %c0_i32 : i32, i32
  }
  func.func @transform_4(%arg0: i32) -> (i32, i32) {
    %c0_i32 = arith.constant 0 : i32
    %c0_i32_0 = arith.constant 0 : i32
    %c0_i32_1 = arith.constant 0 : i32
    return %c0_i32, %c0_i32_0 : i32, i32
  }
  func.func @transform_5(%arg0: i32) -> (i32, i32) {
    %c0_i32 = arith.constant 0 : i32
    %c0_i32_0 = arith.constant 0 : i32
    %c0_i32_1 = arith.constant 0 : i32
    return %c0_i32, %c0_i32_0 : i32, i32
  }
  func.func @transform_6(%arg0: i32) -> (i32, i32) {
    %c0_i32 = arith.constant 0 : i32
    %c0_i32_0 = arith.constant 0 : i32
    %c0_i32_1 = arith.constant 0 : i32
    return %c0_i32, %c0_i32_0 : i32, i32
  }
  func.func @transform_7(%arg0: i32) -> (i32, i32) {
    %c0_i32 = arith.constant 0 : i32
    %c0_i32_0 = arith.constant 0 : i32
    return %arg0, %c0_i32 : i32, i32
  }
  func.func @transform_8(%arg0: i32) -> (i32, i32) {
    %c0_i32 = arith.constant 0 : i32
    %c0_i32_0 = arith.constant 0 : i32
    return %arg0, %c0_i32 : i32, i32
  }
}

</mosaic_0001>

<sc_bundles>
// kernel: kernel.12.cloned.1.call-start
scs
__scs_entry_jumppad:
0x0: {  	(pc) =	sbr.rel $0x88, $3  }
0x1: {  	(tag) =	ssettag $0x0;
	lr =	simm.s32 $0x1  }
0x2: {  	[smem:$0x3F99] =	sst lr;
	_ =	strace $0xD0000000  }
0x3: {  	_ = 	snop  }
0x4: {  	_ = 	snop  }
0x5: {  	_ = 	snop  }
0x6: {  	_ = 	snop  }
0x7: {  	_ = 	snop  }
__scs_overlays_trampoline_lowered:
0x8: {  	[smem:$0x3FA8] =	sst s0  }
0x9: {  	[smem:$0x3FA9] =	sst s1  }
0xa: {  	[smem:$0x3FAA] =	sst s2  }
0xb: {  	[smem:$0x3FAB] =	sst s3  }
0xc: {  	[smem:$0x3FAC] =	sst s4  }
0xd: {  	[smem:$0x3FAD] =	sst s5  }
0xe: {  	[smem:$0x3FAE] =	sst s6  }
0xf: {  	[smem:$0x3FAF] =	sst s7  }
0x10: {  	[smem:$0x3FB0] =	sst s8  }
0x11: {  	[smem:$0x3FB1] =	sst s9;
	s0 =	simm.s32 @!p0 $0x0  }
0x12: {  	s1 =	sld [smem:$0x3F97];
	s0 =	simm.s32 @p0 $0x1  }
0x13: {  	[smem:$0x3FB2] =	sst s0;
	s0 =	simm.s32 @!p1 $0x0  }
0x14: {  	s2 =	sld [smem:$0x3F96];
	s0 =	simm.s32 @p1 $0x1  }
0x15: {  	[smem:$0x3FB3] =	sst s0;
	s0 =	simm.s32 @!p2 $0x0  }
0x16: {  	s3 =	sld [smem:$0x3FDB];
	s0 =	simm.s32 @p2 $0x1  }
0x17: {  	s4 =	simm.s32 $0x1BF5;
	[smem:$0x3FB5] =	sst s0  }
0x18: {  	s0 =	sld [smem:$0x3F98];
	_ =	swait.ge [sflag:s4], $0x0  }
0x19: {  	s7 =	sld [smem:$0x3F99]  }
0x1a: {  	s8 =	sadd.s32 $0xFFFFE003, lr  }
0x1b: {  	s9 =	sadd.s32 $0xFFFFFEF7, lr;
	s5 =	simm.s32 $0xFFFFFFFF;
	p2 =	slt.u32 s8, $0xFFFFF086  }
0x1c: {  	p1 =	slt.u32 s9, $0xF7A;
	s5 =	simm.s32 @!p2 $0x0  }
0x1d: {  	s5 =	simm.s32 @p1 $0x1;
	p0 =	seq.s32 s7, s2  }
0x1e: {  	s7 =	smul.u32 @!p0 $0xF7A, s2;
	p2 =	seq.s32 @!p0 s5, $0x0  }
0x1f: {  	s9 =	smul.u32 $0xF7A, s1;
	s8 =	simm.s32 @!p0 $0x1BF5;
	p2 =	por !p2, p0  }
0x20: {  	[sflag:s8] =	ssyncset.s32 @!p0 $0xFFFFF086;
	s6 =	sadd.s32 @!p0 s3, s7;
	s7 =	simm.s32 @!p0 $0x108  }
0x21: {  	s3 =	sadd.s32 s3, s9;
	s6 =	sadd.s32 @!p0 $0x88, s6;
	s7 =	simm.s32 @p2 $0x1082  }
0x22: {  	[simem:s7], [sflag:s8] =	dma.local @!p0 [hbm:s6], $0xF7A  }
0x23: {  	s9 =	sor.u32 $0xD0000000, s2;
	s6 =	simm.s32 $0x108;
	_ =	swait.ge @!p0 [sflag:s8], $0x0  }
0x24: {  	s3 =	sadd.s32 $0x88, s3;
	s6 =	simm.s32 @!p1 $0x1082;
	[sflag:s4] =	ssyncset.s32 $0xFFFFF086  }
0x25: {  	[simem:s6], [sflag:s4] =	dma.local [hbm:s3], $0xF7A  }
0x26: {  	[smem:$0x3F99] =	sst s1;
	(tag) =	ssettag s2;
	_ =	strace s9  }
0x27: {  	s1 =	sld [smem:$0x3FA9]  }
0x28: {  	s2 =	sld [smem:$0x3FAA]  }
0x29: {  	s4 =	sld [smem:$0x3FAC]  }
0x2a: {  	p0 =	seq.s32 s5, $0x0;
	s5 =	sld [smem:$0x3FAD]  }
0x2b: {  	s6 =	sld [smem:$0x3FAE]  }
0x2c: {  	s7 =	sld [smem:$0x3FAF]  }
0x2d: {  	s3 =	simm.s32 $0x108;
	s8 =	sld [smem:$0x3FB0]  }
0x2e: {  	s3 =	simm.s32 @!p0 $0x1082;
	s9 =	sld [smem:$0x3FB1]  }
0x2f: {  	lr =	sadd.s32 s0, s3;
	s0 =	sld [smem:$0x3FA8]  }
0x30: {  	s3 =	sld [smem:$0x3FAB]  }
0x31: {  	[smem:$0x3FB4] =	sst s10  }
0x32: {  	s10 =	sld [smem:$0x3FB2];
	_ =	sdelay $0x3  }
0x33: {  	p0 =	seq.s32 s10, $0x1;
	s10 =	sld [smem:$0x3FB4];
	_ =	sdelay $0x3  }
0x34: {  	[smem:$0x3FB4] =	sst s10  }
0x35: {  	s10 =	sld [smem:$0x3FB3];
	_ =	sdelay $0x3  }
0x36: {  	p1 =	seq.s32 s10, $0x1;
	s10 =	sld [smem:$0x3FB4];
	_ =	sdelay $0x3  }
0x37: {  	[smem:$0x3FB4] =	sst s10  }
0x38: {  	s10 =	sld [smem:$0x3FB5]  }
0x39: {  	_ = 	snop;
	(pc) =	sbr.ind lr, $3  }
0x3a: {  	_ = 	snop  }
0x3b: {  	_ = 	snop  }
0x3c: {  	p2 =	seq.s32 s10, $0x1;
	s10 =	sld [smem:$0x3FB4]  }
0x3d: {  	_ =	shalt  }
0x3e: {  	_ =	shalt  }
0x3f: {  	_ =	shalt  }
0x40: {  	_ =	shalt  }
0x41: {  	_ =	shalt  }
0x42: {  	_ =	shalt  }
0x43: {  	_ =	shalt  }
0x44: {  	_ =	shalt  }
0x45: {  	_ =	shalt  }
0x46: {  	_ =	shalt  }
0x47: {  	_ =	shalt  }
0x48: {  	_ =	shalt  }
0x49: {  	_ =	shalt  }
0x4a: {  	_ =	shalt  }
0x4b: {  	_ =	shalt  }
0x4c: {  	_ =	shalt  }
0x4d: {  	_ =	shalt  }
0x4e: {  	_ =	shalt  }
0x4f: {  	_ =	shalt  }
0x50: {  	_ =	shalt  }
0x51: {  	_ =	shalt  }
0x52: {  	_ =	shalt  }
0x53: {  	_ =	shalt  }
0x54: {  	_ =	shalt  }
0x55: {  	_ =	shalt  }
0x56: {  	_ =	shalt  }
0x57: {  	_ =	shalt  }
0x58: {  	_ =	shalt  }
0x59: {  	_ =	shalt  }
0x5a: {  	_ =	shalt  }
0x5b: {  	_ =	shalt  }
0x5c: {  	_ =	shalt  }
0x5d: {  	_ =	shalt  }
0x5e: {  	_ =	shalt  }
0x5f: {  	_ =	shalt  }
0x60: {  	_ =	shalt  }
0x61: {  	_ =	shalt  }
0x62: {  	_ =	shalt  }
0x63: {  	_ =	shalt  }
0x64: {  	_ =	shalt  }
0x65: {  	_ =	shalt  }
0x66: {  	_ =	shalt  }
0x67: {  	_ =	shalt  }
0x68: {  	_ =	shalt  }
0x69: {  	_ =	shalt  }
0x6a: {  	_ =	shalt  }
0x6b: {  	_ =	shalt  }
0x6c: {  	_ =	shalt  }
0x6d: {  	_ =	shalt  }
0x6e: {  	_ =	shalt  }
0x6f: {  	_ =	shalt  }
0x70: {  	_ =	shalt  }
0x71: {  	_ =	shalt  }
0x72: {  	_ =	shalt  }
0x73: {  	_ =	shalt  }
0x74: {  	_ =	shalt  }
0x75: {  	_ =	shalt  }
0x76: {  	_ =	shalt  }
0x77: {  	_ =	shalt  }
0x78: {  	_ =	shalt  }
0x79: {  	_ =	shalt  }
0x7a: {  	_ =	shalt  }
0x7b: {  	_ =	shalt  }
0x7c: {  	_ =	shalt  }
0x7d: {  	_ =	shalt  }
0x7e: {  	_ =	shalt  }
0x7f: {  	_ =	shalt  }
0x80: {  	_ =	shalt  }
0x81: {  	_ =	shalt  }
0x82: {  	_ =	shalt  }
0x83: {  	_ =	shalt  }
0x84: {  	_ =	shalt  }
0x85: {  	_ =	shalt  }
0x86: {  	_ =	shalt  }
0x87: {  	_ =	shalt  }
.Lfunc_end0:
.L_simem_size_0:
called_computation_lowered:
.L_overlay_start_0:
0x88: {  	s2 =	sld [smem:$0x3FD9]  }
0x89: {  	s3 =	sld [smem:$0x3FFE];
	_ =	sdelay $0x1  }
0x8a: {  	s1 =	srdreg.scid  }
0x8b: {  	s0 =	sand.u32 $0x1, s1  }
0x8c: {  	s17 =	sshll.u32 s0, $0xA;
	s2 =	sadd.s32 s3, s2  }
0x8d: {  	s2 =	sadd.s32 s2, s17  }
0x8e: {  	[smem:$0x3FC0] =	sst s2  }
0x8f: {  	_ = 	snop  }
0x90: {  	s2 =	sld [smem:$0x3FD0];
	(tm) =	ssettm $0x1  }
0x91: {  	s18 =	sld [smem:$0x3FFB];
	_ =	sdelay $0x3  }
0x92: {  	_ =	strace s18  }
0x93: {  	s3 =	sld [smem:$0x3FFC];
	_ =	sdelay $0x3  }
0x94: {  	_ =	strace s3  }
0x95: {  	s3 =	sld [smem:$0x3FFD];
	_ =	sdelay $0x3  }
0x96: {  	_ =	strace s3  }
0x97: {  	_ =	strace $0x8FFFFFFF  }
0x98: {  	s19 =	sld [smem:$0x3FDB];
	_ =	sdelay $0x1  }
0x99: {  	s4 =	simm.s32 $_scs_section_size  }
0x9a: {  	s5 =	simm.s32 $_size__tile_overlayer_lowered;
	s6 =	simm.s32 $_tile_overlayer_lowered  }
0x9b: {  	s22 =	simm.s32 $0x1BFF;
	s21 =	sshll.u32 s6, $0x1;
	s3 =	sadd.s32 s4, s19  }
0x9c: {  	s7 =	simm.s32 $0x0;
	s20 =	sshll.u32 s5, $0x1;
	s5 =	sadd.s32 s21, s3  }
0x9d: {  	[timem:s7], [sflag:s22] =	dma.local [hbm:s5], s20  }
0x9e: {  	_ =	swait.ge [sflag:s22], s20  }
0x9f: {  	s4 =	ssub.s32 $0x0, s20;
	[sflag:s22] =	ssyncset.done $0x0  }
0xa0: {  	[sflag:s22] =	ssyncadd.s32 s4;
	_ =	sdelay $0x1  }
0xa1: {  	s23 =	simm.s32 $0x1B8B  }
0xa2: {  	_ =	swait.ge [sflag:s23], $0x1  }
0xa3: {  	[sflag:s23] =	ssyncset.done $0x0  }
0xa4: {  	s25 =	simm.s32 $0x1B8E;
	s24 =	sld [smem:$0x3FFE];
	[sflag:s23] =	ssyncadd.s32 $0xFFFFFFFF  }
0xa5: {  	s26 =	simm.s32 $execute0_lowered;
	[smem:$0x3FD2] =	sst s25  }
0xa6: {  	s5 =	sshll.u32 s26, $0x1;
	_ =	strace $0x80000046;
	[dreg:$0x1] =	wrdreg $0xFFFFFFFF  }
0xa7: {  	s28 =	simm.s32 $_size_execute0_lowered;
	s3 =	sadd.s32 s3, s5;
	[dreg:$0x0] =	wrdreg $0x0  }
0xa8: {  	s5 =	sshll.u32 s28, $0x1;
	[dreg:$0x2] =	wrdreg s3  }
0xa9: {  	[dreg:$0x3] =	wrdreg s5  }
0xaa: {  	[dreg:$0x4] =	wrdreg $0xC0  }
0xab: {  	_ =	task [dreg:s7], $0x5FFFF  }
0xac: {  	[dreg:$0x1] =	wrdreg $0xFFFFFFFF  }
0xad: {  	[dreg:$0x0] =	wrdreg $0x60  }
0xae: {  	[dreg:$0x2] =	wrdreg s24  }
0xaf: {  	[dreg:$0x3] =	wrdreg s2  }
0xb0: {  	[dreg:$0x4] =	wrdreg $0x68000  }
0xb1: {  	[dreg:$0x5] =	wrdreg $0x9  }
0xb2: {  	_ =	task.clear_ibuf [dreg:s7], $0x6FFFF;
	_ =	strace $0x90000046  }
0xb3: {  	s29 =	simm.s32 $0x9;
	_ =	strace $0x80000048  }
0xb4: {  	_ =	swait.ge [sflag:s29], $0x1  }
0xb5: {  	[sflag:s29] =	ssyncadd.s32 $0xFFFFFFFF  }
0xb6: {  	_ =	strace $0x90000048  }
0xb7: {  	_ =	sfence  }
0xb8: {  	s30 =	sld [smem:$0x0];
	_ =	sdelay $0x2  }
0xb9: {  	s31 =	sshll.u32 s1, $0xD;
	s1 =	sshrl.u32 s1, $0x2  }
0xba: {  	s3 =	sand.u32 $0x4000, s31;
	s1 =	sadd.s32 s1, s30  }
0xbb: {  	s0 =	sor.u32 s3, s0;
	s1 =	sshll.u32 s1, $0x11  }
0xbc: {  	s0 =	sor.u32 s1, s0  }
0xbd: {  	s0 =	sadd.s32 $0x8F2B, s0  }
0xbe: {  	[sflag:s0] =	ssyncadd.remote.s32 $0x1  }
0xbf: {  	_ =	sfence.sel $0xFFFF  }
0xc0: {  	[dreg:$0x0] =	wrdreg $0xFFFFFFFF;
	(pc) =	sbr.abs _section_cstart, $3  }
0xc1: {  	[dreg:$0x1] =	wrdreg $0xFFFFFFFF  }
0xc2: {  	_ =	task.clear_ibuf [dreg:s7], $0x2FFFF;
	_ =	strace $0x9FFFFFFF  }
0xc3: {  	(tm) =	ssettm $0x7FFFFFFF  }
tec
execute0_lowered:
.L_overlay_start_1:
0x0: {  	(tag) =	ssettag $0x1  }
0x1: {  	s5 =	rddreg [dreg:$0x0]  }
0x2: {  	s7 =	rddreg [dreg:$0x1]  }
0x3: {  	s1 =	rddreg [dreg:$0x2]  }
0x4: {  	s3 =	srdreg.scid;
	s0 =	rddreg [dreg:$0x3];
	s2 =	simm.s32 $0x0  }
0x5: {  	s17 =	simm.s32 $0x0;
	s6 =	sand.u32 $0x1, s3;
	[smem:$0x7FF] =	sst s2  }
0x6: {  	s4 =	sadd.s32 $0x1F000, s5;
	s14 =	sadd.s32 $0x1F600, s5;
	s16 =	sadd.s32 $0x138000, s1  }
0x7: {  	s3 =	sshll.u32 s6, $0xB;
	_ =	strace $0x80000047;
	s9 =	ssub.s32 $0x2, s6  }
0x8: {  	s28 =	smul.u32 $0x138800, s6;
	s8 =	sadd.s32 s3, s5;
	s3 =	stileid.u32  }
0x9: {  	s11 =	sshrl.u32 s9, $0x1;
	s10 =	smul.u32 $0x4E000, s3;
	s12 =	sshll.u32 s3, $0xC  }
0xa: {  	s13 =	smul.u32 $0x13800, s3;
	s11 =	ssub.s32 s9, s11;
	s30 =	sshrl.u32 s28, $0x3  }
0xb: {  	p0 =	sne.s32 s3, $0xF;
	s31 =	sshll.u32 s3, $0x6;
	s24 =	sadd.s32 s12, s8  }
0xc: {  	s9 =	sadd.s32 s14, s30;
	s12 =	simm.s32 $0x1;
	s25 =	sshrl.u32 s10, $0x2  }
0xd: {  	s26 =	sshrl.u32 s13, $0x3;
	s5 =	sadd.s32 $0xF000, s24;
	s29 =	sadd.s32 s13, s28  }
0xe: {  	s9 =	sadd.s32 $0x27000, s9;
	s10 =	smax.u32 s11, $0x1;
	s11 =	simm.s32 $0x4000  }
0xf: {  	s13 =	sor.u32 $0x1C01, s31;
	s15 =	sadd.s32 s25, s1;
	s8 =	sshrl.u32 s29, $0x3  }
0x10: {  	s6 =	sadd.s32 s7, s26;
	s7 =	sadd.s32 $0x27000, s7;
	s8 =	sadd.s32 s14, s8  }
0x11: {  	s14 =	sshrl.u32 s15, $0x3;
	s15 =	sshrl.u32 @!p0 s16, $0x3;
	s16 =	simm.s32 $0x50  }
.LBB2_1:
0x12: {  	[tilespmem:s11], [sflag:$0x1] =	stream.linear.gather [hbm4b:s4+s2], $0x2800, $0x38;
	[tilespmem:$0x1A080] =	vst v63  }
0x13: {  	_ =	swait.ge [sflag:s12], $0x2800  }
0x14: {  	[sflag:s12] =	ssyncset.done $0x0  }
0x15: {  	[sflag:s12] =	ssyncadd.s32 $0xFFFFD800  }
0x16: {  	[tilespmem:s2], [sflag:$0x1] =	stream.linear.gather [hbm4b:s5+s2], $0x3E80, $0x38;
	[tilespmem:$0x1A080] =	vst v63  }
0x17: {  	_ =	swait.ge [sflag:s12], $0x3E80  }
0x18: {  	[sflag:s12] =	ssyncset.done $0x0  }
0x19: {  	[sflag:s12] =	ssyncadd.s32 $0xFFFFC180  }
0x1a: {  	[spmem:s14], [sflag:s13] =	dma.local [hbm:s6], $0x2700  }
0x1b: {  	_ =	swait.ge [sflag:s12], $0x2700  }
0x1c: {  	[sflag:s12] =	ssyncset.done $0x0  }
0x1d: {  	s18 =	simm.s32 @!p0 $0x1;
	[sflag:s12] =	ssyncadd.s32 $0xFFFFD900  }
0x1e: {  	[spmem:s15], [sflag:s13] =	dma.local @!p0 [hbm:s7], $0x100  }
0x1f: {  	_ =	swait.ge @!p0 [sflag:s18], $0x100  }
0x20: {  	[sflag:s18] =	ssyncset.done @!p0 $0x0  }
0x21: {  	[sflag:s18] =	ssyncadd.s32 @!p0 $0xFFFFFF00  }
0x22: {  	s31 =	simm.s32 $0x0;
	[bflag:$0x0] =	sbarrier.arrive $0xFFFF  }
0x23: {  	[spmem:s1] =	stream.indirect.scatter.add.f32 [tilespmem:s11], [sflag:$0x1], $0x80, s31, s16, $0xb8;
	[tilespmem:$0x1A080] =	vst v63  }
0x24: {  	_ =	swait.ge [sflag:s12], $0x2800  }
0x25: {  	s18 =	simm.s32 $0x200;
	[sflag:s12] =	ssyncset.done $0x0  }
.LBB2_2:
0x26: {  	s19 =	sshra.s32 s18, $0x2;
	[sflag:s12] =	ssyncadd.s32 $0xFFFFD800;
	p1 =	sne.s32 s18, $0xF800  }
0x27: {  	[spmem:s1] =	stream.indirect.scatter.add.f32 [tilespmem:s11], [sflag:$0x1], $0x80, s19, s16, $0xb8;
	[tilespmem:$0x1A080] =	vst v63  }
.Ltmp0:
0x28: {  	_ = 	snop;
	(pc) =	sbr.rel @p1 .LBB2_2-.Ltmp0, $4  }
0x29: {  	_ = 	snop  }
0x2a: {  	s18 =	sadd.s32 $0x200, s18  }
0x2b: {  	_ =	swait.ge [sflag:s12], $0x2800  }
0x2c: {  	[sflag:s12] =	ssyncset.done $0x0  }
0x2d: {  	[sflag:s12] =	ssyncadd.s32 $0xFFFFD800  }
0x2e: {  	[bflag:$0x0] =	sbarrier.arrive $0xFFFF  }
0x2f: {  	[hbm:s8], [sflag:s13] =	dma.local [spmem:s14], $0x2700  }
0x30: {  	s17 =	sadd.s32 $0x1, s17;
	_ =	swait.ge [sflag:s12], $0x2700  }
0x31: {  	p1 =	sne.s32 s17, s10;
	[sflag:s12] =	ssyncset.done $0x0  }
.Ltmp1:
0x32: {  	s18 =	simm.s32 @!p0 $0x1;
	[sflag:s12] =	ssyncadd.s32 $0xFFFFD900;
	(pc) =	sbr.rel @p1 .LBB2_1-.Ltmp1, $4  }
0x33: {  	[hbm:s9], [sflag:s13] =	dma.local @!p0 [spmem:s15], $0x100  }
0x34: {  	_ =	swait.ge @!p0 [sflag:s18], $0x100  }
0x35: {  	[sflag:s18] =	ssyncset.done @!p0 $0x0  }
0x36: {  	[sflag:s18] =	ssyncadd.s32 @!p0 $0xFFFFFF00  }
0x37: {  	_ =	sfence.sel $0x180000  }
0x38: {  	[bflag:$0x0] =	sbarrier.arrive $0xFFFF  }
0x39: {  	p0 =	sne.s32 s3, $0x0;
	_ =	strace $0x90000047  }
0x3a: {  	s0 =	sadd.s32 @!p0 $0x100000, s0;
	[bflag:$0x2] =	sbarrier.arrive $0xFFFF  }
0x3b: {  	[sflag:s0] =	ssyncadd.tile.s32 @!p0 $0x1;
	_ =	shalt  }
.Lfunc_end2:
_tile_overlayer_lowered:
.L_overlay_start_2:
0x3c: {  	(tag) =	ssettag $0x2  }
0x3d: {  	s0 =	rddreg [dreg:$0x0];
	s2 =	stileid.u32  }
0x3e: {  	s1 =	rddreg [dreg:$0x1];
	p0 =	sne.s32 s2, $0x0  }
0x3f: {  	s3 =	rddreg [dreg:$0x2];
	[bflag:$0x3] =	sbarrier.arrive $0xFFFF;
	s2 =	simm.s32 @!p0 $0x1C01  }
0x40: {  	[timem:s3], [sflag:s2] =	dma.local @!p0 [hbm:s0], s1  }
0x41: {  	s0 =	simm.s32 @!p0 $0x1  }
0x42: {  	_ =	swait.ge @!p0 [sflag:s0], s1  }
0x43: {  	s1 =	ssub.s32 @!p0 $0x0, s1;
	[sflag:s0] =	ssyncset.done @!p0 $0x0  }
0x44: {  	[sflag:s0] =	ssyncadd.s32 @!p0 s1  }
0x45: {  	[bflag:$0x3] =	sbarrier.arrive $0xFFFF  }
0x46: {  	_ =	shalt  }

// kernel: kernel.15.cloned.1.call-start
scs
__scs_entry_jumppad:
0x0: {  	(pc) =	sbr.rel $0x88, $3  }
0x1: {  	(tag) =	ssettag $0x0;
	lr =	simm.s32 $0x1  }
0x2: {  	[smem:$0x3F99] =	sst lr;
	_ =	strace $0xD0000000  }
0x3: {  	_ = 	snop  }
0x4: {  	_ = 	snop  }
0x5: {  	_ = 	snop  }
0x6: {  	_ = 	snop  }
0x7: {  	_ = 	snop  }
__scs_overlays_trampoline_lowered:
0x8: {  	[smem:$0x3FA8] =	sst s0  }
0x9: {  	[smem:$0x3FA9] =	sst s1  }
0xa: {  	[smem:$0x3FAA] =	sst s2  }
0xb: {  	[smem:$0x3FAB] =	sst s3  }
0xc: {  	[smem:$0x3FAC] =	sst s4  }
0xd: {  	[smem:$0x3FAD] =	sst s5  }
0xe: {  	[smem:$0x3FAE] =	sst s6  }
0xf: {  	[smem:$0x3FAF] =	sst s7  }
0x10: {  	[smem:$0x3FB0] =	sst s8  }
0x11: {  	[smem:$0x3FB1] =	sst s9;
	s0 =	simm.s32 @!p0 $0x0  }
0x12: {  	s1 =	sld [smem:$0x3F97];
	s0 =	simm.s32 @p0 $0x1  }
0x13: {  	[smem:$0x3FB2] =	sst s0;
	s0 =	simm.s32 @!p1 $0x0  }
0x14: {  	s2 =	sld [smem:$0x3F96];
	s0 =	simm.s32 @p1 $0x1  }
0x15: {  	[smem:$0x3FB3] =	sst s0;
	s0 =	simm.s32 @!p2 $0x0  }
0x16: {  	s3 =	sld [smem:$0x3FDB];
	s0 =	simm.s32 @p2 $0x1  }
0x17: {  	s4 =	simm.s32 $0x1BF5;
	[smem:$0x3FB5] =	sst s0  }
0x18: {  	s0 =	sld [smem:$0x3F98];
	_ =	swait.ge [sflag:s4], $0x0  }
0x19: {  	s7 =	sld [smem:$0x3F99]  }
0x1a: {  	s8 =	sadd.s32 $0xFFFFE003, lr  }
0x1b: {  	s9 =	sadd.s32 $0xFFFFFEF7, lr;
	s5 =	simm.s32 $0xFFFFFFFF;
	p2 =	slt.u32 s8, $0xFFFFF086  }
0x1c: {  	p1 =	slt.u32 s9, $0xF7A;
	s5 =	simm.s32 @!p2 $0x0  }
0x1d: {  	s5 =	simm.s32 @p1 $0x1;
	p0 =	seq.s32 s7, s2  }
0x1e: {  	s7 =	smul.u32 @!p0 $0xF7A, s2;
	p2 =	seq.s32 @!p0 s5, $0x0  }
0x1f: {  	s9 =	smul.u32 $0xF7A, s1;
	s8 =	simm.s32 @!p0 $0x1BF5;
	p2 =	por !p2, p0  }
0x20: {  	[sflag:s8] =	ssyncset.s32 @!p0 $0xFFFFF086;
	s6 =	sadd.s32 @!p0 s3, s7;
	s7 =	simm.s32 @!p0 $0x108  }
0x21: {  	s3 =	sadd.s32 s3, s9;
	s6 =	sadd.s32 @!p0 $0x88, s6;
	s7 =	simm.s32 @p2 $0x1082  }
0x22: {  	[simem:s7], [sflag:s8] =	dma.local @!p0 [hbm:s6], $0xF7A  }
0x23: {  	s9 =	sor.u32 $0xD0000000, s2;
	s6 =	simm.s32 $0x108;
	_ =	swait.ge @!p0 [sflag:s8], $0x0  }
0x24: {  	s3 =	sadd.s32 $0x88, s3;
	s6 =	simm.s32 @!p1 $0x1082;
	[sflag:s4] =	ssyncset.s32 $0xFFFFF086  }
0x25: {  	[simem:s6], [sflag:s4] =	dma.local [hbm:s3], $0xF7A  }
0x26: {  	[smem:$0x3F99] =	sst s1;
	(tag) =	ssettag s2;
	_ =	strace s9  }
0x27: {  	s1 =	sld [smem:$0x3FA9]  }
0x28: {  	s2 =	sld [smem:$0x3FAA]  }
0x29: {  	s4 =	sld [smem:$0x3FAC]  }
0x2a: {  	p0 =	seq.s32 s5, $0x0;
	s5 =	sld [smem:$0x3FAD]  }
0x2b: {  	s6 =	sld [smem:$0x3FAE]  }
0x2c: {  	s7 =	sld [smem:$0x3FAF]  }
0x2d: {  	s3 =	simm.s32 $0x108;
	s8 =	sld [smem:$0x3FB0]  }
0x2e: {  	s3 =	simm.s32 @!p0 $0x1082;
	s9 =	sld [smem:$0x3FB1]  }
0x2f: {  	lr =	sadd.s32 s0, s3;
	s0 =	sld [smem:$0x3FA8]  }
0x30: {  	s3 =	sld [smem:$0x3FAB]  }
0x31: {  	[smem:$0x3FB4] =	sst s10  }
0x32: {  	s10 =	sld [smem:$0x3FB2];
	_ =	sdelay $0x3  }
0x33: {  	p0 =	seq.s32 s10, $0x1;
	s10 =	sld [smem:$0x3FB4];
	_ =	sdelay $0x3  }
0x34: {  	[smem:$0x3FB4] =	sst s10  }
0x35: {  	s10 =	sld [smem:$0x3FB3];
	_ =	sdelay $0x3  }
0x36: {  	p1 =	seq.s32 s10, $0x1;
	s10 =	sld [smem:$0x3FB4];
	_ =	sdelay $0x3  }
0x37: {  	[smem:$0x3FB4] =	sst s10  }
0x38: {  	s10 =	sld [smem:$0x3FB5]  }
0x39: {  	_ = 	snop;
	(pc) =	sbr.ind lr, $3  }
0x3a: {  	_ = 	snop  }
0x3b: {  	_ = 	snop  }
0x3c: {  	p2 =	seq.s32 s10, $0x1;
	s10 =	sld [smem:$0x3FB4]  }
0x3d: {  	_ =	shalt  }
0x3e: {  	_ =	shalt  }
0x3f: {  	_ =	shalt  }
0x40: {  	_ =	shalt  }
0x41: {  	_ =	shalt  }
0x42: {  	_ =	shalt  }
0x43: {  	_ =	shalt  }
0x44: {  	_ =	shalt  }
0x45: {  	_ =	shalt  }
0x46: {  	_ =	shalt  }
0x47: {  	_ =	shalt  }
0x48: {  	_ =	shalt  }
0x49: {  	_ =	shalt  }
0x4a: {  	_ =	shalt  }
0x4b: {  	_ =	shalt  }
0x4c: {  	_ =	shalt  }
0x4d: {  	_ =	shalt  }
0x4e: {  	_ =	shalt  }
0x4f: {  	_ =	shalt  }
0x50: {  	_ =	shalt  }
0x51: {  	_ =	shalt  }
0x52: {  	_ =	shalt  }
0x53: {  	_ =	shalt  }
0x54: {  	_ =	shalt  }
0x55: {  	_ =	shalt  }
0x56: {  	_ =	shalt  }
0x57: {  	_ =	shalt  }
0x58: {  	_ =	shalt  }
0x59: {  	_ =	shalt  }
0x5a: {  	_ =	shalt  }
0x5b: {  	_ =	shalt  }
0x5c: {  	_ =	shalt  }
0x5d: {  	_ =	shalt  }
0x5e: {  	_ =	shalt  }
0x5f: {  	_ =	shalt  }
0x60: {  	_ =	shalt  }
0x61: {  	_ =	shalt  }
0x62: {  	_ =	shalt  }
0x63: {  	_ =	shalt  }
0x64: {  	_ =	shalt  }
0x65: {  	_ =	shalt  }
0x66: {  	_ =	shalt  }
0x67: {  	_ =	shalt  }
0x68: {  	_ =	shalt  }
0x69: {  	_ =	shalt  }
0x6a: {  	_ =	shalt  }
0x6b: {  	_ =	shalt  }
0x6c: {  	_ =	shalt  }
0x6d: {  	_ =	shalt  }
0x6e: {  	_ =	shalt  }
0x6f: {  	_ =	shalt  }
0x70: {  	_ =	shalt  }
0x71: {  	_ =	shalt  }
0x72: {  	_ =	shalt  }
0x73: {  	_ =	shalt  }
0x74: {  	_ =	shalt  }
0x75: {  	_ =	shalt  }
0x76: {  	_ =	shalt  }
0x77: {  	_ =	shalt  }
0x78: {  	_ =	shalt  }
0x79: {  	_ =	shalt  }
0x7a: {  	_ =	shalt  }
0x7b: {  	_ =	shalt  }
0x7c: {  	_ =	shalt  }
0x7d: {  	_ =	shalt  }
0x7e: {  	_ =	shalt  }
0x7f: {  	_ =	shalt  }
0x80: {  	_ =	shalt  }
0x81: {  	_ =	shalt  }
0x82: {  	_ =	shalt  }
0x83: {  	_ =	shalt  }
0x84: {  	_ =	shalt  }
0x85: {  	_ =	shalt  }
0x86: {  	_ =	shalt  }
0x87: {  	_ =	shalt  }
.Lfunc_end0:
.L_simem_size_0:
called_computation.1_lowered:
.L_overlay_start_0:
0x88: {  	s2 =	sld [smem:$0x3FD9]  }
0x89: {  	s3 =	sld [smem:$0x3FFE];
	_ =	sdelay $0x1  }
0x8a: {  	s1 =	srdreg.scid  }
0x8b: {  	s0 =	sand.u32 $0x1, s1  }
0x8c: {  	s17 =	sshll.u32 s0, $0xA;
	s2 =	sadd.s32 s3, s2  }
0x8d: {  	s2 =	sadd.s32 s2, s17  }
0x8e: {  	[smem:$0x3FC0] =	sst s2  }
0x8f: {  	_ = 	snop  }
0x90: {  	s2 =	sld [smem:$0x3FD0];
	(tm) =	ssettm $0x1  }
0x91: {  	s18 =	sld [smem:$0x3FFB];
	_ =	sdelay $0x3  }
0x92: {  	_ =	strace s18  }
0x93: {  	s3 =	sld [smem:$0x3FFC];
	_ =	sdelay $0x3  }
0x94: {  	_ =	strace s3  }
0x95: {  	s3 =	sld [smem:$0x3FFD];
	_ =	sdelay $0x3  }
0x96: {  	_ =	strace s3  }
0x97: {  	_ =	strace $0x8FFFFFFF  }
0x98: {  	s19 =	sld [smem:$0x3FDB];
	_ =	sdelay $0x1  }
0x99: {  	s4 =	simm.s32 $_scs_section_size  }
0x9a: {  	s5 =	simm.s32 $_size__tile_overlayer_lowered;
	s6 =	simm.s32 $_tile_overlayer_lowered  }
0x9b: {  	s22 =	simm.s32 $0x1BFF;
	s21 =	sshll.u32 s6, $0x1;
	s3 =	sadd.s32 s4, s19  }
0x9c: {  	s7 =	simm.s32 $0x0;
	s20 =	sshll.u32 s5, $0x1;
	s5 =	sadd.s32 s21, s3  }
0x9d: {  	[timem:s7], [sflag:s22] =	dma.local [hbm:s5], s20  }
0x9e: {  	_ =	swait.ge [sflag:s22], s20  }
0x9f: {  	s4 =	ssub.s32 $0x0, s20;
	[sflag:s22] =	ssyncset.done $0x0  }
0xa0: {  	[sflag:s22] =	ssyncadd.s32 s4;
	_ =	sdelay $0x1  }
0xa1: {  	s23 =	simm.s32 $0x1B8B  }
0xa2: {  	_ =	swait.ge [sflag:s23], $0x1  }
0xa3: {  	[sflag:s23] =	ssyncset.done $0x0  }
0xa4: {  	s25 =	simm.s32 $0x1B8E;
	s24 =	sld [smem:$0x3FFE];
	[sflag:s23] =	ssyncadd.s32 $0xFFFFFFFF  }
0xa5: {  	s26 =	simm.s32 $execute0_lowered;
	[smem:$0x3FD2] =	sst s25  }
0xa6: {  	s5 =	sshll.u32 s26, $0x1;
	_ =	strace $0x80000049;
	[dreg:$0x1] =	wrdreg $0xFFFFFFFF  }
0xa7: {  	s28 =	simm.s32 $_size_execute0_lowered;
	s3 =	sadd.s32 s3, s5;
	[dreg:$0x0] =	wrdreg $0x0  }
0xa8: {  	s5 =	sshll.u32 s28, $0x1;
	[dreg:$0x2] =	wrdreg s3  }
0xa9: {  	[dreg:$0x3] =	wrdreg s5  }
0xaa: {  	[dreg:$0x4] =	wrdreg $0xC0  }
0xab: {  	_ =	task [dreg:s7], $0x5FFFF  }
0xac: {  	[dreg:$0x1] =	wrdreg $0xFFFFFFFF  }
0xad: {  	[dreg:$0x0] =	wrdreg $0x60  }
0xae: {  	[dreg:$0x2] =	wrdreg s24  }
0xaf: {  	[dreg:$0x3] =	wrdreg s2  }
0xb0: {  	[dreg:$0x4] =	wrdreg $0xB7800  }
0xb1: {  	[dreg:$0x5] =	wrdreg $0x9  }
0xb2: {  	_ =	task.clear_ibuf [dreg:s7], $0x6FFFF;
	_ =	strace $0x90000049  }
0xb3: {  	s29 =	simm.s32 $0x9;
	_ =	strace $0x8000004B  }
0xb4: {  	_ =	swait.ge [sflag:s29], $0x1  }
0xb5: {  	[sflag:s29] =	ssyncadd.s32 $0xFFFFFFFF  }
0xb6: {  	_ =	strace $0x9000004B  }
0xb7: {  	_ =	sfence  }
0xb8: {  	s30 =	sld [smem:$0x0];
	_ =	sdelay $0x2  }
0xb9: {  	s31 =	sshll.u32 s1, $0xD;
	s1 =	sshrl.u32 s1, $0x2  }
0xba: {  	s3 =	sand.u32 $0x4000, s31;
	s1 =	sadd.s32 s1, s30  }
0xbb: {  	s0 =	sor.u32 s3, s0;
	s1 =	sshll.u32 s1, $0x11  }
0xbc: {  	s0 =	sor.u32 s1, s0  }
0xbd: {  	s0 =	sadd.s32 $0x8F2B, s0  }
0xbe: {  	[sflag:s0] =	ssyncadd.remote.s32 $0x1  }
0xbf: {  	_ =	sfence.sel $0xFFFF  }
0xc0: {  	[dreg:$0x0] =	wrdreg $0xFFFFFFFF;
	(pc) =	sbr.abs _section_cstart, $3  }
0xc1: {  	[dreg:$0x1] =	wrdreg $0xFFFFFFFF  }
0xc2: {  	_ =	task.clear_ibuf [dreg:s7], $0x2FFFF;
	_ =	strace $0x9FFFFFFF  }
0xc3: {  	(tm) =	ssettm $0x7FFFFFFF  }
tec
execute0_lowered:
.L_overlay_start_1:
0x0: {  	(tag) =	ssettag $0x1  }
0x1: {  	s5 =	rddreg [dreg:$0x0]  }
0x2: {  	s1 =	srdreg.scid;
	s8 =	rddreg [dreg:$0x1]  }
0x3: {  	s0 =	stileid.u32;
	s2 =	rddreg [dreg:$0x2]  }
0x4: {  	s3 =	simm.s32 $0x0;
	s17 =	simm.s32 $0x50;
	s18 =	simm.s32 $0x6780  }
0x5: {  	s19 =	simm.s32 $0x8F80;
	s20 =	simm.s32 $0x1;
	s21 =	simm.s32 $0x3  }
0x6: {  	s22 =	simm.s32 $0xA0;
	s28 =	simm.s32 $0x0;
	s6 =	sand.u32 $0x1, s1  }
0x7: {  	s23 =	sshll.u32 s0, $0x1;
	[smem:$0x7FF] =	sst s3;
	s11 =	smul.u32 $0x4E000, s0  }
0x8: {  	s4 =	sadd.s32 $0x46200, s5;
	s13 =	smul.u32 $0x13800, s0;
	s14 =	sadd.s32 $0x6D400, s5  }
0x9: {  	s16 =	sadd.s32 $0x138000, s2;
	p0 =	sne.s32 s0, $0xF;
	s31 =	sshll.u32 s0, $0x6  }
0xa: {  	s7 =	sor.u32 s6, s23;
	_ =	strace $0x8000004A;
	s10 =	ssub.s32 $0x2, s6  }
0xb: {  	s26 =	smul.u32 $0x138800, s6;
	s16 =	sshrl.u32 @!p0 s16, $0x3;
	s23 =	simm.s32 $0x2  }
0xc: {  	s9 =	smul.u32 $0x4E2, s7;
	s7 =	sshll.u32 s7, $0xB;
	s12 =	sshrl.u32 s10, $0x1  }
0xd: {  	s24 =	sshrl.u32 s11, $0x2;
	s25 =	sshrl.u32 s13, $0x3;
	s7 =	sadd.s32 s7, s5  }
0xe: {  	s12 =	ssub.s32 s10, s12;
	s15 =	sadd.s32 s24, s2;
	s29 =	sadd.s32 s13, s26  }
0xf: {  	s30 =	sshrl.u32 s26, $0x3;
	s13 =	simm.s32 $0x2780;
	s24 =	simm.s32 $0x2800  }
0x10: {  	s26 =	simm.s32 $0x6580;
	s9 =	sadd.s32 s9, s5;
	s6 =	sadd.s32 $0xF000, s7  }
0x11: {  	s7 =	sadd.s32 s8, s25;
	s8 =	sadd.s32 $0x27000, s8;
	s10 =	sadd.s32 s14, s30  }
0x12: {  	s11 =	smax.u32 s12, $0x1;
	s12 =	simm.s32 $0x5;
	s15 =	sshrl.u32 s15, $0x3  }
0x13: {  	s25 =	simm.s32 $0x4;
	s5 =	sadd.s32 $0x5200, s9;
	s9 =	sshrl.u32 s29, $0x3  }
0x14: {  	s10 =	sadd.s32 $0x27000, s10;
	s9 =	sadd.s32 s14, s9;
	s14 =	sor.u32 $0x1C05, s31  }
.LBB2_1:
0x15: {  	[tilespmem:s3], [sflag:$0x5] =	stream.linear.gather [hbm4b:s5+s3], $0x2710, $0x38;
	[tilespmem:$0x1F000] =	vst v63  }
0x16: {  	_ =	swait.ge [sflag:s12], $0x2710  }
0x17: {  	[sflag:s12] =	ssyncset.done $0x0  }
0x18: {  	[sflag:s12] =	ssyncadd.s32 $0xFFFFD8F0  }
0x19: {  	[tilespmem:s13], [sflag:$0x5] =	stream.linear.gather [hbm4b:s6+s3], $0x3E80, $0x38;
	[tilespmem:$0x1F000] =	vst v63  }
0x1a: {  	_ =	swait.ge [sflag:s12], $0x3E80  }
0x1b: {  	[sflag:s12] =	ssyncset.done $0x0  }
0x1c: {  	[sflag:s12] =	ssyncadd.s32 $0xFFFFC180  }
0x1d: {  	[spmem:s15], [sflag:s14] =	dma.local [hbm:s7], $0x2700  }
0x1e: {  	_ =	swait.ge [sflag:s12], $0x2700  }
0x1f: {  	[sflag:s12] =	ssyncset.done $0x0  }
0x20: {  	s29 =	simm.s32 @!p0 $0x5;
	[sflag:s12] =	ssyncadd.s32 $0xFFFFD900  }
0x21: {  	[spmem:s16], [sflag:s14] =	dma.local @!p0 [hbm:s8], $0x100  }
0x22: {  	_ =	swait.ge @!p0 [sflag:s29], $0x100  }
0x23: {  	[sflag:s29] =	ssyncset.done @!p0 $0x0  }
0x24: {  	[sflag:s29] =	ssyncadd.s32 @!p0 $0xFFFFFF00  }
0x25: {  	[bflag:$0x0] =	sbarrier.arrive $0xFFFF  }
0x26: {  	[tilespmem:s18], [sflag:$0x1] =	stream.indirect.gather [hbm4b:s4+s17], $0x80, s3, s17, $0xb8;
	[tilespmem:$0x1F000] =	vst v63  }
0x27: {  	_ = 	snop  }
0x28: {  	[tilespmem:s19], [sflag:$0x2] =	stream.indirect.gather [hbm4b:s4+s17], $0x80, s17, s17, $0xb8;
	[tilespmem:$0x1F000] =	vst v63  }
0x29: {  	_ =	swait.ge [sflag:s20], $0x2800  }
0x2a: {  	[sflag:s20] =	ssyncset.done $0x0  }
0x2b: {  	[sflag:s20] =	ssyncadd.s32 $0xFFFFD800  }
0x2c: {  	[spmem:s2] =	stream.indirect.scatter.add.f32 [tilespmem:s18], [sflag:$0x3], $0x80, s13, s17, $0xb8;
	[tilespmem:$0x1F000] =	vst v63  }
0x2d: {  	_ =	swait.ge [sflag:s21], $0x2800  }
0x2e: {  	[sflag:s21] =	ssyncset.done $0x0  }
0x2f: {  	[sflag:s21] =	ssyncadd.s32 $0xFFFFD800  }
0x30: {  	[tilespmem:s18], [sflag:$0x1] =	stream.indirect.gather [hbm4b:s4+s17], $0x80, s22, s17, $0xb8;
	[tilespmem:$0x1F000] =	vst v63  }
0x31: {  	_ =	swait.ge [sflag:s23], $0x2800  }
0x32: {  	[sflag:s23] =	ssyncset.done $0x0  }
0x33: {  	[sflag:s23] =	ssyncadd.s32 $0xFFFFD800  }
0x34: {  	[spmem:s2] =	stream.indirect.scatter.add.f32 [tilespmem:s19], [sflag:$0x4], $0x80, s24, s17, $0xb8;
	[tilespmem:$0x1F000] =	vst v63  }
0x35: {  	_ =	swait.ge [sflag:s25], $0x2800  }
0x36: {  	[sflag:s25] =	ssyncset.done $0x0  }
0x37: {  	s29 =	simm.s32 $0xF0;
	[sflag:s25] =	ssyncadd.s32 $0xFFFFD800  }
0x38: {  	[tilespmem:s19], [sflag:$0x2] =	stream.indirect.gather [hbm4b:s4+s17], $0x80, s29, s17, $0xb8;
	[tilespmem:$0x1F000] =	vst v63  }
0x39: {  	_ =	swait.ge [sflag:s20], $0x2800  }
0x3a: {  	[sflag:s20] =	ssyncset.done $0x0  }
0x3b: {  	s29 =	simm.s32 $0x2880;
	[sflag:s20] =	ssyncadd.s32 $0xFFFFD800  }
0x3c: {  	[spmem:s2] =	stream.indirect.scatter.add.f32 [tilespmem:s18], [sflag:$0x3], $0x80, s29, s17, $0xb8;
	[tilespmem:$0x1F000] =	vst v63  }
0x3d: {  	_ =	swait.ge [sflag:s21], $0x2800  }
0x3e: {  	[sflag:s21] =	ssyncset.done $0x0  }
0x3f: {  	s29 =	simm.s32 $0x140;
	[sflag:s21] =	ssyncadd.s32 $0xFFFFD800  }
0x40: {  	[tilespmem:s18], [sflag:$0x1] =	stream.indirect.gather [hbm4b:s4+s17], $0x80, s29, s17, $0xb8;
	[tilespmem:$0x1F000] =	vst v63  }
0x41: {  	_ =	swait.ge [sflag:s23], $0x2800  }
0x42: {  	s31 =	simm.s32 $0x2900;
	[sflag:s23] =	ssyncset.done $0x0  }
0x43: {  	s30 =	simm.s32 $0x190;
	s29 =	simm.s32 $0xFFFF1000;
	[sflag:s23] =	ssyncadd.s32 $0xFFFFD800  }
.LBB2_2:
0x44: {  	[spmem:s2] =	stream.indirect.scatter.add.f32 [tilespmem:s19], [sflag:$0x4], $0x80, s31, s17, $0xb8;
	[tilespmem:$0x1F000] =	vst v63  }
0x45: {  	s31 =	smov.u32 s29  }
0x46: {  	p1 =	sne.s32 s29, $0xFFFFFC00;
	s29 =	sadd.s32 $0x400, s29;
	_ =	swait.ge [sflag:s25], $0x2800  }
0x47: {  	[sflag:s25] =	ssyncset.done $0x0  }
0x48: {  	[sflag:s25] =	ssyncadd.s32 $0xFFFFD800  }
0x49: {  	[tilespmem:s19], [sflag:$0x2] =	stream.indirect.gather [hbm4b:s4+s17], $0x80, s30, s17, $0xb8;
	[tilespmem:$0x1F000] =	vst v63  }
0x4a: {  	_ =	swait.ge [sflag:s20], $0x2800  }
0x4b: {  	s31 =	sshra.s32 s31, $0x2;
	[sflag:s20] =	ssyncset.done $0x0  }
0x4c: {  	s1 =	sadd.s32 $0x6580, s31;
	[sflag:s20] =	ssyncadd.s32 $0xFFFFD800  }
0x4d: {  	[spmem:s2] =	stream.indirect.scatter.add.f32 [tilespmem:s18], [sflag:$0x3], $0x80, s1, s17, $0xb8;
	[tilespmem:$0x1F000] =	vst v63  }
0x4e: {  	_ =	swait.ge [sflag:s21], $0x2800  }
0x4f: {  	[sflag:s21] =	ssyncset.done $0x0  }
.Ltmp0:
0x50: {  	s1 =	sadd.s32 $0x50, s30;
	[sflag:s21] =	ssyncadd.s32 $0xFFFFD800;
	(pc) =	sbr.rel @p1 .LBB2_2-.Ltmp0, $4  }
0x51: {  	[tilespmem:s18], [sflag:$0x1] =	stream.indirect.gather [hbm4b:s4+s17], $0x80, s1, s17, $0xb8;
	[tilespmem:$0x1F000] =	vst v63  }
0x52: {  	_ =	swait.ge [sflag:s23], $0x2800  }
0x53: {  	[sflag:s23] =	ssyncset.done $0x0  }
0x54: {  	s31 =	sadd.s32 $0x6600, s31;
	s30 =	sadd.s32 $0xA0, s30;
	[sflag:s23] =	ssyncadd.s32 $0xFFFFD800  }
0x55: {  	[spmem:s2] =	stream.indirect.scatter.add.f32 [tilespmem:s19], [sflag:$0x4], $0x80, s31, s17, $0xb8;
	[tilespmem:$0x1F000] =	vst v63  }
0x56: {  	_ =	swait.ge [sflag:s25], $0x2800  }
0x57: {  	[sflag:s25] =	ssyncset.done $0x0  }
0x58: {  	[sflag:s25] =	ssyncadd.s32 $0xFFFFD800  }
0x59: {  	_ =	swait.ge [sflag:s20], $0x2800  }
0x5a: {  	[sflag:s20] =	ssyncset.done $0x0  }
0x5b: {  	[sflag:s20] =	ssyncadd.s32 $0xFFFFD800  }
0x5c: {  	[spmem:s2] =	stream.indirect.scatter.add.f32 [tilespmem:s18], [sflag:$0x3], $0x80, s26, s17, $0xb8;
	[tilespmem:$0x1F000] =	vst v63  }
0x5d: {  	_ =	swait.ge [sflag:s21], $0x2800  }
0x5e: {  	[sflag:s21] =	ssyncset.done $0x0  }
0x5f: {  	[sflag:s21] =	ssyncadd.s32 $0xFFFFD800  }
0x60: {  	[bflag:$0x0] =	sbarrier.arrive $0xFFFF  }
0x61: {  	[hbm:s9], [sflag:s14] =	dma.local [spmem:s15], $0x2700  }
0x62: {  	s28 =	sadd.s32 $0x1, s28;
	_ =	swait.ge [sflag:s12], $0x2700  }
0x63: {  	p1 =	sne.s32 s28, s11;
	[sflag:s12] =	ssyncset.done $0x0  }
.Ltmp1:
0x64: {  	s1 =	simm.s32 @!p0 $0x5;
	[sflag:s12] =	ssyncadd.s32 $0xFFFFD900;
	(pc) =	sbr.rel @p1 .LBB2_1-.Ltmp1, $4  }
0x65: {  	[hbm:s10], [sflag:s14] =	dma.local @!p0 [spmem:s16], $0x100  }
0x66: {  	_ =	swait.ge @!p0 [sflag:s1], $0x100  }
0x67: {  	[sflag:s1] =	ssyncset.done @!p0 $0x0  }
0x68: {  	[sflag:s1] =	ssyncadd.s32 @!p0 $0xFFFFFF00  }
0x69: {  	_ =	sfence.sel $0x180000  }
0x6a: {  	[bflag:$0x0] =	sbarrier.arrive $0xFFFF  }
0x6b: {  	_ =	strace $0x9000004A  }
0x6c: {  	[bflag:$0x2] =	sbarrier.arrive $0xFFFF  }
0x6d: {  	p0 =	sne.s32 s0, $0x0;
	s0 =	rddreg [dreg:$0x3]  }
0x6e: {  	s0 =	sadd.s32 @!p0 $0x100000, s0  }
0x6f: {  	[sflag:s0] =	ssyncadd.tile.s32 @!p0 $0x1;
	_ =	shalt  }
.Lfunc_end2:
_tile_overlayer_lowered:
.L_overlay_start_2:
0x70: {  	(tag) =	ssettag $0x2  }
0x71: {  	s0 =	rddreg [dreg:$0x0];
	s2 =	stileid.u32  }
0x72: {  	s1 =	rddreg [dreg:$0x1];
	p0 =	sne.s32 s2, $0x0  }
0x73: {  	s3 =	rddreg [dreg:$0x2];
	[bflag:$0x3] =	sbarrier.arrive $0xFFFF;
	s2 =	simm.s32 @!p0 $0x1C05  }
0x74: {  	[timem:s3], [sflag:s2] =	dma.local @!p0 [hbm:s0], s1  }
0x75: {  	s0 =	simm.s32 @!p0 $0x5  }
0x76: {  	_ =	swait.ge @!p0 [sflag:s0], s1  }
0x77: {  	s1 =	ssub.s32 @!p0 $0x0, s1;
	[sflag:s0] =	ssyncset.done @!p0 $0x0  }
0x78: {  	[sflag:s0] =	ssyncadd.s32 @!p0 s1  }
0x79: {  	[bflag:$0x3] =	sbarrier.arrive $0xFFFF  }
0x7a: {  	_ =	shalt  }

// kernel: kernel.18.cloned.1.call-start
scs
__scs_entry_jumppad:
0x0: {  	(pc) =	sbr.rel $0x88, $3  }
0x1: {  	(tag) =	ssettag $0x0;
	lr =	simm.s32 $0x1  }
0x2: {  	[smem:$0x3F99] =	sst lr;
	_ =	strace $0xD0000000  }
0x3: {  	_ = 	snop  }
0x4: {  	_ = 	snop  }
0x5: {  	_ = 	snop  }
0x6: {  	_ = 	snop  }
0x7: {  	_ = 	snop  }
__scs_overlays_trampoline_lowered:
0x8: {  	[smem:$0x3FA8] =	sst s0  }
0x9: {  	[smem:$0x3FA9] =	sst s1  }
0xa: {  	[smem:$0x3FAA] =	sst s2  }
0xb: {  	[smem:$0x3FAB] =	sst s3  }
0xc: {  	[smem:$0x3FAC] =	sst s4  }
0xd: {  	[smem:$0x3FAD] =	sst s5  }
0xe: {  	[smem:$0x3FAE] =	sst s6  }
0xf: {  	[smem:$0x3FAF] =	sst s7  }
0x10: {  	[smem:$0x3FB0] =	sst s8  }
0x11: {  	[smem:$0x3FB1] =	sst s9;
	s0 =	simm.s32 @!p0 $0x0  }
0x12: {  	s1 =	sld [smem:$0x3F97];
	s0 =	simm.s32 @p0 $0x1  }
0x13: {  	[smem:$0x3FB2] =	sst s0;
	s0 =	simm.s32 @!p1 $0x0  }
0x14: {  	s2 =	sld [smem:$0x3F96];
	s0 =	simm.s32 @p1 $0x1  }
0x15: {  	[smem:$0x3FB3] =	sst s0;
	s0 =	simm.s32 @!p2 $0x0  }
0x16: {  	s3 =	sld [smem:$0x3FDB];
	s0 =	simm.s32 @p2 $0x1  }
0x17: {  	s4 =	simm.s32 $0x1BF5;
	[smem:$0x3FB5] =	sst s0  }
0x18: {  	s0 =	sld [smem:$0x3F98];
	_ =	swait.ge [sflag:s4], $0x0  }
0x19: {  	s7 =	sld [smem:$0x3F99]  }
0x1a: {  	s8 =	sadd.s32 $0xFFFFE003, lr  }
0x1b: {  	s9 =	sadd.s32 $0xFFFFFEF7, lr;
	s5 =	simm.s32 $0xFFFFFFFF;
	p2 =	slt.u32 s8, $0xFFFFF086  }
0x1c: {  	p1 =	slt.u32 s9, $0xF7A;
	s5 =	simm.s32 @!p2 $0x0  }
0x1d: {  	s5 =	simm.s32 @p1 $0x1;
	p0 =	seq.s32 s7, s2  }
0x1e: {  	s7 =	smul.u32 @!p0 $0xF7A, s2;
	p2 =	seq.s32 @!p0 s5, $0x0  }
0x1f: {  	s9 =	smul.u32 $0xF7A, s1;
	s8 =	simm.s32 @!p0 $0x1BF5;
	p2 =	por !p2, p0  }
0x20: {  	[sflag:s8] =	ssyncset.s32 @!p0 $0xFFFFF086;
	s6 =	sadd.s32 @!p0 s3, s7;
	s7 =	simm.s32 @!p0 $0x108  }
0x21: {  	s3 =	sadd.s32 s3, s9;
	s6 =	sadd.s32 @!p0 $0x88, s6;
	s7 =	simm.s32 @p2 $0x1082  }
0x22: {  	[simem:s7], [sflag:s8] =	dma.local @!p0 [hbm:s6], $0xF7A  }
0x23: {  	s9 =	sor.u32 $0xD0000000, s2;
	s6 =	simm.s32 $0x108;
	_ =	swait.ge @!p0 [sflag:s8], $0x0  }
0x24: {  	s3 =	sadd.s32 $0x88, s3;
	s6 =	simm.s32 @!p1 $0x1082;
	[sflag:s4] =	ssyncset.s32 $0xFFFFF086  }
0x25: {  	[simem:s6], [sflag:s4] =	dma.local [hbm:s3], $0xF7A  }
0x26: {  	[smem:$0x3F99] =	sst s1;
	(tag) =	ssettag s2;
	_ =	strace s9  }
0x27: {  	s1 =	sld [smem:$0x3FA9]  }
0x28: {  	s2 =	sld [smem:$0x3FAA]  }
0x29: {  	s4 =	sld [smem:$0x3FAC]  }
0x2a: {  	p0 =	seq.s32 s5, $0x0;
	s5 =	sld [smem:$0x3FAD]  }
0x2b: {  	s6 =	sld [smem:$0x3FAE]  }
0x2c: {  	s7 =	sld [smem:$0x3FAF]  }
0x2d: {  	s3 =	simm.s32 $0x108;
	s8 =	sld [smem:$0x3FB0]  }
0x2e: {  	s3 =	simm.s32 @!p0 $0x1082;
	s9 =	sld [smem:$0x3FB1]  }
0x2f: {  	lr =	sadd.s32 s0, s3;
	s0 =	sld [smem:$0x3FA8]  }
0x30: {  	s3 =	sld [smem:$0x3FAB]  }
0x31: {  	[smem:$0x3FB4] =	sst s10  }
0x32: {  	s10 =	sld [smem:$0x3FB2];
	_ =	sdelay $0x3  }
0x33: {  	p0 =	seq.s32 s10, $0x1;
	s10 =	sld [smem:$0x3FB4];
	_ =	sdelay $0x3  }
0x34: {  	[smem:$0x3FB4] =	sst s10  }
0x35: {  	s10 =	sld [smem:$0x3FB3];
	_ =	sdelay $0x3  }
0x36: {  	p1 =	seq.s32 s10, $0x1;
	s10 =	sld [smem:$0x3FB4];
	_ =	sdelay $0x3  }
0x37: {  	[smem:$0x3FB4] =	sst s10  }
0x38: {  	s10 =	sld [smem:$0x3FB5]  }
0x39: {  	_ = 	snop;
	(pc) =	sbr.ind lr, $3  }
0x3a: {  	_ = 	snop  }
0x3b: {  	_ = 	snop  }
0x3c: {  	p2 =	seq.s32 s10, $0x1;
	s10 =	sld [smem:$0x3FB4]  }
0x3d: {  	_ =	shalt  }
0x3e: {  	_ =	shalt  }
0x3f: {  	_ =	shalt  }
0x40: {  	_ =	shalt  }
0x41: {  	_ =	shalt  }
0x42: {  	_ =	shalt  }
0x43: {  	_ =	shalt  }
0x44: {  	_ =	shalt  }
0x45: {  	_ =	shalt  }
0x46: {  	_ =	shalt  }
0x47: {  	_ =	shalt  }
0x48: {  	_ =	shalt  }
0x49: {  	_ =	shalt  }
0x4a: {  	_ =	shalt  }
0x4b: {  	_ =	shalt  }
0x4c: {  	_ =	shalt  }
0x4d: {  	_ =	shalt  }
0x4e: {  	_ =	shalt  }
0x4f: {  	_ =	shalt  }
0x50: {  	_ =	shalt  }
0x51: {  	_ =	shalt  }
0x52: {  	_ =	shalt  }
0x53: {  	_ =	shalt  }
0x54: {  	_ =	shalt  }
0x55: {  	_ =	shalt  }
0x56: {  	_ =	shalt  }
0x57: {  	_ =	shalt  }
0x58: {  	_ =	shalt  }
0x59: {  	_ =	shalt  }
0x5a: {  	_ =	shalt  }
0x5b: {  	_ =	shalt  }
0x5c: {  	_ =	shalt  }
0x5d: {  	_ =	shalt  }
0x5e: {  	_ =	shalt  }
0x5f: {  	_ =	shalt  }
0x60: {  	_ =	shalt  }
0x61: {  	_ =	shalt  }
0x62: {  	_ =	shalt  }
0x63: {  	_ =	shalt  }
0x64: {  	_ =	shalt  }
0x65: {  	_ =	shalt  }
0x66: {  	_ =	shalt  }
0x67: {  	_ =	shalt  }
0x68: {  	_ =	shalt  }
0x69: {  	_ =	shalt  }
0x6a: {  	_ =	shalt  }
0x6b: {  	_ =	shalt  }
0x6c: {  	_ =	shalt  }
0x6d: {  	_ =	shalt  }
0x6e: {  	_ =	shalt  }
0x6f: {  	_ =	shalt  }
0x70: {  	_ =	shalt  }
0x71: {  	_ =	shalt  }
0x72: {  	_ =	shalt  }
0x73: {  	_ =	shalt  }
0x74: {  	_ =	shalt  }
0x75: {  	_ =	shalt  }
0x76: {  	_ =	shalt  }
0x77: {  	_ =	shalt  }
0x78: {  	_ =	shalt  }
0x79: {  	_ =	shalt  }
0x7a: {  	_ =	shalt  }
0x7b: {  	_ =	shalt  }
0x7c: {  	_ =	shalt  }
0x7d: {  	_ =	shalt  }
0x7e: {  	_ =	shalt  }
0x7f: {  	_ =	shalt  }
0x80: {  	_ =	shalt  }
0x81: {  	_ =	shalt  }
0x82: {  	_ =	shalt  }
0x83: {  	_ =	shalt  }
0x84: {  	_ =	shalt  }
0x85: {  	_ =	shalt  }
0x86: {  	_ =	shalt  }
0x87: {  	_ =	shalt  }
.Lfunc_end0:
.L_simem_size_0:
called_computation.2_lowered:
.L_overlay_start_0:
0x88: {  	s2 =	sld [smem:$0x3FD9]  }
0x89: {  	s3 =	sld [smem:$0x3FFE];
	_ =	sdelay $0x1  }
0x8a: {  	s1 =	srdreg.scid  }
0x8b: {  	s0 =	sand.u32 $0x1, s1  }
0x8c: {  	s17 =	sshll.u32 s0, $0xA;
	s2 =	sadd.s32 s3, s2  }
0x8d: {  	s2 =	sadd.s32 s2, s17  }
0x8e: {  	[smem:$0x3FC0] =	sst s2  }
0x8f: {  	_ = 	snop  }
0x90: {  	s2 =	sld [smem:$0x3FD0];
	(tm) =	ssettm $0x1  }
0x91: {  	s18 =	sld [smem:$0x3FFB];
	_ =	sdelay $0x3  }
0x92: {  	_ =	strace s18  }
0x93: {  	s3 =	sld [smem:$0x3FFC];
	_ =	sdelay $0x3  }
0x94: {  	_ =	strace s3  }
0x95: {  	s3 =	sld [smem:$0x3FFD];
	_ =	sdelay $0x3  }
0x96: {  	_ =	strace s3  }
0x97: {  	_ =	strace $0x8FFFFFFF  }
0x98: {  	s19 =	sld [smem:$0x3FDB];
	_ =	sdelay $0x1  }
0x99: {  	s4 =	simm.s32 $_scs_section_size  }
0x9a: {  	s5 =	simm.s32 $_size__tile_overlayer_lowered;
	s6 =	simm.s32 $_tile_overlayer_lowered  }
0x9b: {  	s22 =	simm.s32 $0x1BFF;
	s21 =	sshll.u32 s6, $0x1;
	s3 =	sadd.s32 s4, s19  }
0x9c: {  	s7 =	simm.s32 $0x0;
	s20 =	sshll.u32 s5, $0x1;
	s5 =	sadd.s32 s21, s3  }
0x9d: {  	[timem:s7], [sflag:s22] =	dma.local [hbm:s5], s20  }
0x9e: {  	_ =	swait.ge [sflag:s22], s20  }
0x9f: {  	s4 =	ssub.s32 $0x0, s20;
	[sflag:s22] =	ssyncset.done $0x0  }
0xa0: {  	[sflag:s22] =	ssyncadd.s32 s4;
	_ =	sdelay $0x1  }
0xa1: {  	s23 =	simm.s32 $0x1B8B  }
0xa2: {  	_ =	swait.ge [sflag:s23], $0x1  }
0xa3: {  	[sflag:s23] =	ssyncset.done $0x0  }
0xa4: {  	s25 =	simm.s32 $0x1B8E;
	s24 =	sld [smem:$0x3FFE];
	[sflag:s23] =	ssyncadd.s32 $0xFFFFFFFF  }
0xa5: {  	s26 =	simm.s32 $execute0_lowered;
	[smem:$0x3FD2] =	sst s25  }
0xa6: {  	s5 =	sshll.u32 s26, $0x1;
	_ =	strace $0x8000004C;
	[dreg:$0x1] =	wrdreg $0xFFFFFFFF  }
0xa7: {  	s28 =	simm.s32 $_size_execute0_lowered;
	s3 =	sadd.s32 s3, s5;
	[dreg:$0x0] =	wrdreg $0x0  }
0xa8: {  	s5 =	sshll.u32 s28, $0x1;
	[dreg:$0x2] =	wrdreg s3  }
0xa9: {  	[dreg:$0x3] =	wrdreg s5  }
0xaa: {  	[dreg:$0x4] =	wrdreg $0xC0  }
0xab: {  	_ =	task [dreg:s7], $0x5FFFF  }
0xac: {  	[dreg:$0x1] =	wrdreg $0xFFFFFFFF  }
0xad: {  	[dreg:$0x0] =	wrdreg $0x60  }
0xae: {  	[dreg:$0x2] =	wrdreg s24  }
0xaf: {  	[dreg:$0x3] =	wrdreg s2  }
0xb0: {  	[dreg:$0x4] =	wrdreg $0xB7800  }
0xb1: {  	[dreg:$0x5] =	wrdreg $0x9  }
0xb2: {  	_ =	task.clear_ibuf [dreg:s7], $0x6FFFF;
	_ =	strace $0x9000004C  }
0xb3: {  	s29 =	simm.s32 $0x9;
	_ =	strace $0x8000004E  }
0xb4: {  	_ =	swait.ge [sflag:s29], $0x1  }
0xb5: {  	[sflag:s29] =	ssyncadd.s32 $0xFFFFFFFF  }
0xb6: {  	_ =	strace $0x9000004E  }
0xb7: {  	_ =	sfence  }
0xb8: {  	s30 =	sld [smem:$0x0];
	_ =	sdelay $0x2  }
0xb9: {  	s31 =	sshll.u32 s1, $0xD;
	s1 =	sshrl.u32 s1, $0x2  }
0xba: {  	s3 =	sand.u32 $0x4000, s31;
	s1 =	sadd.s32 s1, s30  }
0xbb: {  	s0 =	sor.u32 s3, s0;
	s1 =	sshll.u32 s1, $0x11  }
0xbc: {  	s0 =	sor.u32 s1, s0  }
0xbd: {  	s0 =	sadd.s32 $0x8F2B, s0  }
0xbe: {  	[sflag:s0] =	ssyncadd.remote.s32 $0x1  }
0xbf: {  	_ =	sfence.sel $0xFFFF  }
0xc0: {  	[dreg:$0x0] =	wrdreg $0xFFFFFFFF;
	(pc) =	sbr.abs _section_cstart, $3  }
0xc1: {  	[dreg:$0x1] =	wrdreg $0xFFFFFFFF  }
0xc2: {  	_ =	task.clear_ibuf [dreg:s7], $0x2FFFF;
	_ =	strace $0x9FFFFFFF  }
0xc3: {  	(tm) =	ssettm $0x7FFFFFFF  }
tec
execute0_lowered:
.L_overlay_start_1:
0x0: {  	(tag) =	ssettag $0x1  }
0x1: {  	s5 =	rddreg [dreg:$0x0]  }
0x2: {  	s1 =	srdreg.scid;
	s8 =	rddreg [dreg:$0x1]  }
0x3: {  	s0 =	stileid.u32;
	s2 =	rddreg [dreg:$0x2]  }
0x4: {  	s3 =	simm.s32 $0x0;
	s17 =	simm.s32 $0x50;
	s18 =	simm.s32 $0x6780  }
0x5: {  	s19 =	simm.s32 $0x8F80;
	s20 =	simm.s32 $0x1;
	s21 =	simm.s32 $0x3  }
0x6: {  	s22 =	simm.s32 $0xA0;
	s28 =	simm.s32 $0x0;
	s6 =	sand.u32 $0x1, s1  }
0x7: {  	s23 =	sshll.u32 s0, $0x1;
	[smem:$0x7FF] =	sst s3;
	s11 =	smul.u32 $0x4E000, s0  }
0x8: {  	s4 =	sadd.s32 $0x46200, s5;
	s13 =	smul.u32 $0x13800, s0;
	s14 =	sadd.s32 $0x6D400, s5  }
0x9: {  	s16 =	sadd.s32 $0x138000, s2;
	p0 =	sne.s32 s0, $0xF;
	s31 =	sshll.u32 s0, $0x6  }
0xa: {  	s7 =	sor.u32 s6, s23;
	_ =	strace $0x8000004D;
	s10 =	ssub.s32 $0x2, s6  }
0xb: {  	s26 =	smul.u32 $0x138800, s6;
	s16 =	sshrl.u32 @!p0 s16, $0x3;
	s23 =	simm.s32 $0x2  }
0xc: {  	s9 =	smul.u32 $0x4E2, s7;
	s7 =	sshll.u32 s7, $0xB;
	s12 =	sshrl.u32 s10, $0x1  }
0xd: {  	s24 =	sshrl.u32 s11, $0x2;
	s25 =	sshrl.u32 s13, $0x3;
	s7 =	sadd.s32 s7, s5  }
0xe: {  	s12 =	ssub.s32 s10, s12;
	s15 =	sadd.s32 s24, s2;
	s29 =	sadd.s32 s13, s26  }
0xf: {  	s30 =	sshrl.u32 s26, $0x3;
	s13 =	simm.s32 $0x2780;
	s24 =	simm.s32 $0x2800  }
0x10: {  	s26 =	simm.s32 $0x6580;
	s9 =	sadd.s32 s9, s5;
	s6 =	sadd.s32 $0xF000, s7  }
0x11: {  	s7 =	sadd.s32 s8, s25;
	s8 =	sadd.s32 $0x27000, s8;
	s10 =	sadd.s32 s14, s30  }
0x12: {  	s11 =	smax.u32 s12, $0x1;
	s12 =	simm.s32 $0x5;
	s15 =	sshrl.u32 s15, $0x3  }
0x13: {  	s25 =	simm.s32 $0x4;
	s5 =	sadd.s32 $0x5200, s9;
	s9 =	sshrl.u32 s29, $0x3  }
0x14: {  	s10 =	sadd.s32 $0x27000, s10;
	s9 =	sadd.s32 s14, s9;
	s14 =	sor.u32 $0x1C05, s31  }
.LBB2_1:
0x15: {  	[tilespmem:s3], [sflag:$0x5] =	stream.linear.gather [hbm4b:s5+s3], $0x2710, $0x38;
	[tilespmem:$0x1F000] =	vst v63  }
0x16: {  	_ =	swait.ge [sflag:s12], $0x2710  }
0x17: {  	[sflag:s12] =	ssyncset.done $0x0  }
0x18: {  	[sflag:s12] =	ssyncadd.s32 $0xFFFFD8F0  }
0x19: {  	[tilespmem:s13], [sflag:$0x5] =	stream.linear.gather [hbm4b:s6+s3], $0x3E80, $0x38;
	[tilespmem:$0x1F000] =	vst v63  }
0x1a: {  	_ =	swait.ge [sflag:s12], $0x3E80  }
0x1b: {  	[sflag:s12] =	ssyncset.done $0x0  }
0x1c: {  	[sflag:s12] =	ssyncadd.s32 $0xFFFFC180  }
0x1d: {  	[spmem:s15], [sflag:s14] =	dma.local [hbm:s7], $0x2700  }
0x1e: {  	_ =	swait.ge [sflag:s12], $0x2700  }
0x1f: {  	[sflag:s12] =	ssyncset.done $0x0  }
0x20: {  	s29 =	simm.s32 @!p0 $0x5;
	[sflag:s12] =	ssyncadd.s32 $0xFFFFD900  }
0x21: {  	[spmem:s16], [sflag:s14] =	dma.local @!p0 [hbm:s8], $0x100  }
0x22: {  	_ =	swait.ge @!p0 [sflag:s29], $0x100  }
0x23: {  	[sflag:s29] =	ssyncset.done @!p0 $0x0  }
0x24: {  	[sflag:s29] =	ssyncadd.s32 @!p0 $0xFFFFFF00  }
0x25: {  	[bflag:$0x0] =	sbarrier.arrive $0xFFFF  }
0x26: {  	[tilespmem:s18], [sflag:$0x1] =	stream.indirect.gather [hbm4b:s4+s17], $0x80, s3, s17, $0xb8;
	[tilespmem:$0x1F000] =	vst v63  }
0x27: {  	_ = 	snop  }
0x28: {  	[tilespmem:s19], [sflag:$0x2] =	stream.indirect.gather [hbm4b:s4+s17], $0x80, s17, s17, $0xb8;
	[tilespmem:$0x1F000] =	vst v63  }
0x29: {  	_ =	swait.ge [sflag:s20], $0x2800  }
0x2a: {  	[sflag:s20] =	ssyncset.done $0x0  }
0x2b: {  	[sflag:s20] =	ssyncadd.s32 $0xFFFFD800  }
0x2c: {  	[spmem:s2] =	stream.indirect.scatter.add.f32 [tilespmem:s18], [sflag:$0x3], $0x80, s13, s17, $0xb8;
	[tilespmem:$0x1F000] =	vst v63  }
0x2d: {  	_ =	swait.ge [sflag:s21], $0x2800  }
0x2e: {  	[sflag:s21] =	ssyncset.done $0x0  }
0x2f: {  	[sflag:s21] =	ssyncadd.s32 $0xFFFFD800  }
0x30: {  	[tilespmem:s18], [sflag:$0x1] =	stream.indirect.gather [hbm4b:s4+s17], $0x80, s22, s17, $0xb8;
	[tilespmem:$0x1F000] =	vst v63  }
0x31: {  	_ =	swait.ge [sflag:s23], $0x2800  }
0x32: {  	[sflag:s23] =	ssyncset.done $0x0  }
0x33: {  	[sflag:s23] =	ssyncadd.s32 $0xFFFFD800  }
0x34: {  	[spmem:s2] =	stream.indirect.scatter.add.f32 [tilespmem:s19], [sflag:$0x4], $0x80, s24, s17, $0xb8;
	[tilespmem:$0x1F000] =	vst v63  }
0x35: {  	_ =	swait.ge [sflag:s25], $0x2800  }
0x36: {  	[sflag:s25] =	ssyncset.done $0x0  }
0x37: {  	s29 =	simm.s32 $0xF0;
	[sflag:s25] =	ssyncadd.s32 $0xFFFFD800  }
0x38: {  	[tilespmem:s19], [sflag:$0x2] =	stream.indirect.gather [hbm4b:s4+s17], $0x80, s29, s17, $0xb8;
	[tilespmem:$0x1F000] =	vst v63  }
0x39: {  	_ =	swait.ge [sflag:s20], $0x2800  }
0x3a: {  	[sflag:s20] =	ssyncset.done $0x0  }
0x3b: {  	s29 =	simm.s32 $0x2880;
	[sflag:s20] =	ssyncadd.s32 $0xFFFFD800  }
0x3c: {  	[spmem:s2] =	stream.indirect.scatter.add.f32 [tilespmem:s18], [sflag:$0x3], $0x80, s29, s17, $0xb8;
	[tilespmem:$0x1F000] =	vst v63  }
0x3d: {  	_ =	swait.ge [sflag:s21], $0x2800  }
0x3e: {  	[sflag:s21] =	ssyncset.done $0x0  }
0x3f: {  	s29 =	simm.s32 $0x140;
	[sflag:s21] =	ssyncadd.s32 $0xFFFFD800  }
0x40: {  	[tilespmem:s18], [sflag:$0x1] =	stream.indirect.gather [hbm4b:s4+s17], $0x80, s29, s17, $0xb8;
	[tilespmem:$0x1F000] =	vst v63  }
0x41: {  	_ =	swait.ge [sflag:s23], $0x2800  }
0x42: {  	s31 =	simm.s32 $0x2900;
	[sflag:s23] =	ssyncset.done $0x0  }
0x43: {  	s30 =	simm.s32 $0x190;
	s29 =	simm.s32 $0xFFFF1000;
	[sflag:s23] =	ssyncadd.s32 $0xFFFFD800  }
.LBB2_2:
0x44: {  	[spmem:s2] =	stream.indirect.scatter.add.f32 [tilespmem:s19], [sflag:$0x4], $0x80, s31, s17, $0xb8;
	[tilespmem:$0x1F000] =	vst v63  }
0x45: {  	s31 =	smov.u32 s29  }
0x46: {  	p1 =	sne.s32 s29, $0xFFFFFC00;
	s29 =	sadd.s32 $0x400, s29;
	_ =	swait.ge [sflag:s25], $0x2800  }
0x47: {  	[sflag:s25] =	ssyncset.done $0x0  }
0x48: {  	[sflag:s25] =	ssyncadd.s32 $0xFFFFD800  }
0x49: {  	[tilespmem:s19], [sflag:$0x2] =	stream.indirect.gather [hbm4b:s4+s17], $0x80, s30, s17, $0xb8;
	[tilespmem:$0x1F000] =	vst v63  }
0x4a: {  	_ =	swait.ge [sflag:s20], $0x2800  }
0x4b: {  	s31 =	sshra.s32 s31, $0x2;
	[sflag:s20] =	ssyncset.done $0x0  }
0x4c: {  	s1 =	sadd.s32 $0x6580, s31;
	[sflag:s20] =	ssyncadd.s32 $0xFFFFD800  }
0x4d: {  	[spmem:s2] =	stream.indirect.scatter.add.f32 [tilespmem:s18], [sflag:$0x3], $0x80, s1, s17, $0xb8;
	[tilespmem:$0x1F000] =	vst v63  }
0x4e: {  	_ =	swait.ge [sflag:s21], $0x2800  }
0x4f: {  	[sflag:s21] =	ssyncset.done $0x0  }
.Ltmp0:
0x50: {  	s1 =	sadd.s32 $0x50, s30;
	[sflag:s21] =	ssyncadd.s32 $0xFFFFD800;
	(pc) =	sbr.rel @p1 .LBB2_2-.Ltmp0, $4  }
0x51: {  	[tilespmem:s18], [sflag:$0x1] =	stream.indirect.gather [hbm4b:s4+s17], $0x80, s1, s17, $0xb8;
	[tilespmem:$0x1F000] =	vst v63  }
0x52: {  	_ =	swait.ge [sflag:s23], $0x2800  }
0x53: {  	[sflag:s23] =	ssyncset.done $0x0  }
0x54: {  	s31 =	sadd.s32 $0x6600, s31;
	s30 =	sadd.s32 $0xA0, s30;
	[sflag:s23] =	ssyncadd.s32 $0xFFFFD800  }
0x55: {  	[spmem:s2] =	stream.indirect.scatter.add.f32 [tilespmem:s19], [sflag:$0x4], $0x80, s31, s17, $0xb8;
	[tilespmem:$0x1F000] =	vst v63  }
0x56: {  	_ =	swait.ge [sflag:s25], $0x2800  }
0x57: {  	[sflag:s25] =	ssyncset.done $0x0  }
0x58: {  	[sflag:s25] =	ssyncadd.s32 $0xFFFFD800  }
0x59: {  	_ =	swait.ge [sflag:s20], $0x2800  }
0x5a: {  	[sflag:s20] =	ssyncset.done $0x0  }
0x5b: {  	[sflag:s20] =	ssyncadd.s32 $0xFFFFD800  }
0x5c: {  	[spmem:s2] =	stream.indirect.scatter.add.f32 [tilespmem:s18], [sflag:$0x3], $0x80, s26, s17, $0xb8;
	[tilespmem:$0x1F000] =	vst v63  }
0x5d: {  	_ =	swait.ge [sflag:s21], $0x2800  }
0x5e: {  	[sflag:s21] =	ssyncset.done $0x0  }
0x5f: {  	[sflag:s21] =	ssyncadd.s32 $0xFFFFD800  }
0x60: {  	[bflag:$0x0] =	sbarrier.arrive $0xFFFF  }
0x61: {  	[hbm:s9], [sflag:s14] =	dma.local [spmem:s15], $0x2700  }
0x62: {  	s28 =	sadd.s32 $0x1, s28;
	_ =	swait.ge [sflag:s12], $0x2700  }
0x63: {  	p1 =	sne.s32 s28, s11;
	[sflag:s12] =	ssyncset.done $0x0  }
.Ltmp1:
0x64: {  	s1 =	simm.s32 @!p0 $0x5;
	[sflag:s12] =	ssyncadd.s32 $0xFFFFD900;
	(pc) =	sbr.rel @p1 .LBB2_1-.Ltmp1, $4  }
0x65: {  	[hbm:s10], [sflag:s14] =	dma.local @!p0 [spmem:s16], $0x100  }
0x66: {  	_ =	swait.ge @!p0 [sflag:s1], $0x100  }
0x67: {  	[sflag:s1] =	ssyncset.done @!p0 $0x0  }
0x68: {  	[sflag:s1] =	ssyncadd.s32 @!p0 $0xFFFFFF00  }
0x69: {  	_ =	sfence.sel $0x180000  }
0x6a: {  	[bflag:$0x0] =	sbarrier.arrive $0xFFFF  }
0x6b: {  	_ =	strace $0x9000004D  }
0x6c: {  	[bflag:$0x2] =	sbarrier.arrive $0xFFFF  }
0x6d: {  	p0 =	sne.s32 s0, $0x0;
	s0 =	rddreg [dreg:$0x3]  }
0x6e: {  	s0 =	sadd.s32 @!p0 $0x100000, s0  }
0x6f: {  	[sflag:s0] =	ssyncadd.tile.s32 @!p0 $0x1;
	_ =	shalt  }
.Lfunc_end2:
_tile_overlayer_lowered:
.L_overlay_start_2:
0x70: {  	(tag) =	ssettag $0x2  }
0x71: {  	s0 =	rddreg [dreg:$0x0];
	s2 =	stileid.u32  }
0x72: {  	s1 =	rddreg [dreg:$0x1];
	p0 =	sne.s32 s2, $0x0  }
0x73: {  	s3 =	rddreg [dreg:$0x2];
	[bflag:$0x3] =	sbarrier.arrive $0xFFFF;
	s2 =	simm.s32 @!p0 $0x1C05  }
0x74: {  	[timem:s3], [sflag:s2] =	dma.local @!p0 [hbm:s0], s1  }
0x75: {  	s0 =	simm.s32 @!p0 $0x5  }
0x76: {  	_ =	swait.ge @!p0 [sflag:s0], s1  }
0x77: {  	s1 =	ssub.s32 @!p0 $0x0, s1;
	[sflag:s0] =	ssyncset.done @!p0 $0x0  }
0x78: {  	[sflag:s0] =	ssyncadd.s32 @!p0 s1  }
0x79: {  	[bflag:$0x3] =	sbarrier.arrive $0xFFFF  }
0x7a: {  	_ =	shalt  }

// kernel: kernel.21.cloned.1.call-start
scs
__scs_entry_jumppad:
0x0: {  	(pc) =	sbr.rel $0x88, $3  }
0x1: {  	(tag) =	ssettag $0x0;
	lr =	simm.s32 $0x1  }
0x2: {  	[smem:$0x3F99] =	sst lr;
	_ =	strace $0xD0000000  }
0x3: {  	_ = 	snop  }
0x4: {  	_ = 	snop  }
0x5: {  	_ = 	snop  }
0x6: {  	_ = 	snop  }
0x7: {  	_ = 	snop  }
__scs_overlays_trampoline_lowered:
0x8: {  	[smem:$0x3FA8] =	sst s0  }
0x9: {  	[smem:$0x3FA9] =	sst s1  }
0xa: {  	[smem:$0x3FAA] =	sst s2  }
0xb: {  	[smem:$0x3FAB] =	sst s3  }
0xc: {  	[smem:$0x3FAC] =	sst s4  }
0xd: {  	[smem:$0x3FAD] =	sst s5  }
0xe: {  	[smem:$0x3FAE] =	sst s6  }
0xf: {  	[smem:$0x3FAF] =	sst s7  }
0x10: {  	[smem:$0x3FB0] =	sst s8  }
0x11: {  	[smem:$0x3FB1] =	sst s9;
	s0 =	simm.s32 @!p0 $0x0  }
0x12: {  	s1 =	sld [smem:$0x3F97];
	s0 =	simm.s32 @p0 $0x1  }
0x13: {  	[smem:$0x3FB2] =	sst s0;
	s0 =	simm.s32 @!p1 $0x0  }
0x14: {  	s2 =	sld [smem:$0x3F96];
	s0 =	simm.s32 @p1 $0x1  }
0x15: {  	[smem:$0x3FB3] =	sst s0;
	s0 =	simm.s32 @!p2 $0x0  }
0x16: {  	s3 =	sld [smem:$0x3FDB];
	s0 =	simm.s32 @p2 $0x1  }
0x17: {  	s4 =	simm.s32 $0x1BF5;
	[smem:$0x3FB5] =	sst s0  }
0x18: {  	s0 =	sld [smem:$0x3F98];
	_ =	swait.ge [sflag:s4], $0x0  }
0x19: {  	s7 =	sld [smem:$0x3F99]  }
0x1a: {  	s8 =	sadd.s32 $0xFFFFE003, lr  }
0x1b: {  	s9 =	sadd.s32 $0xFFFFFEF7, lr;
	s5 =	simm.s32 $0xFFFFFFFF;
	p2 =	slt.u32 s8, $0xFFFFF086  }
0x1c: {  	p1 =	slt.u32 s9, $0xF7A;
	s5 =	simm.s32 @!p2 $0x0  }
0x1d: {  	s5 =	simm.s32 @p1 $0x1;
	p0 =	seq.s32 s7, s2  }
0x1e: {  	s7 =	smul.u32 @!p0 $0xF7A, s2;
	p2 =	seq.s32 @!p0 s5, $0x0  }
0x1f: {  	s9 =	smul.u32 $0xF7A, s1;
	s8 =	simm.s32 @!p0 $0x1BF5;
	p2 =	por !p2, p0  }
0x20: {  	[sflag:s8] =	ssyncset.s32 @!p0 $0xFFFFF086;
	s6 =	sadd.s32 @!p0 s3, s7;
	s7 =	simm.s32 @!p0 $0x108  }
0x21: {  	s3 =	sadd.s32 s3, s9;
	s6 =	sadd.s32 @!p0 $0x88, s6;
	s7 =	simm.s32 @p2 $0x1082  }
0x22: {  	[simem:s7], [sflag:s8] =	dma.local @!p0 [hbm:s6], $0xF7A  }
0x23: {  	s9 =	sor.u32 $0xD0000000, s2;
	s6 =	simm.s32 $0x108;
	_ =	swait.ge @!p0 [sflag:s8], $0x0  }
0x24: {  	s3 =	sadd.s32 $0x88, s3;
	s6 =	simm.s32 @!p1 $0x1082;
	[sflag:s4] =	ssyncset.s32 $0xFFFFF086  }
0x25: {  	[simem:s6], [sflag:s4] =	dma.local [hbm:s3], $0xF7A  }
0x26: {  	[smem:$0x3F99] =	sst s1;
	(tag) =	ssettag s2;
	_ =	strace s9  }
0x27: {  	s1 =	sld [smem:$0x3FA9]  }
0x28: {  	s2 =	sld [smem:$0x3FAA]  }
0x29: {  	s4 =	sld [smem:$0x3FAC]  }
0x2a: {  	p0 =	seq.s32 s5, $0x0;
	s5 =	sld [smem:$0x3FAD]  }
0x2b: {  	s6 =	sld [smem:$0x3FAE]  }
0x2c: {  	s7 =	sld [smem:$0x3FAF]  }
0x2d: {  	s3 =	simm.s32 $0x108;
	s8 =	sld [smem:$0x3FB0]  }
0x2e: {  	s3 =	simm.s32 @!p0 $0x1082;
	s9 =	sld [smem:$0x3FB1]  }
0x2f: {  	lr =	sadd.s32 s0, s3;
	s0 =	sld [smem:$0x3FA8]  }
0x30: {  	s3 =	sld [smem:$0x3FAB]  }
0x31: {  	[smem:$0x3FB4] =	sst s10  }
0x32: {  	s10 =	sld [smem:$0x3FB2];
	_ =	sdelay $0x3  }
0x33: {  	p0 =	seq.s32 s10, $0x1;
	s10 =	sld [smem:$0x3FB4];
	_ =	sdelay $0x3  }
0x34: {  	[smem:$0x3FB4] =	sst s10  }
0x35: {  	s10 =	sld [smem:$0x3FB3];
	_ =	sdelay $0x3  }
0x36: {  	p1 =	seq.s32 s10, $0x1;
	s10 =	sld [smem:$0x3FB4];
	_ =	sdelay $0x3  }
0x37: {  	[smem:$0x3FB4] =	sst s10  }
0x38: {  	s10 =	sld [smem:$0x3FB5]  }
0x39: {  	_ = 	snop;
	(pc) =	sbr.ind lr, $3  }
0x3a: {  	_ = 	snop  }
0x3b: {  	_ = 	snop  }
0x3c: {  	p2 =	seq.s32 s10, $0x1;
	s10 =	sld [smem:$0x3FB4]  }
0x3d: {  	_ =	shalt  }
0x3e: {  	_ =	shalt  }
0x3f: {  	_ =	shalt  }
0x40: {  	_ =	shalt  }
0x41: {  	_ =	shalt  }
0x42: {  	_ =	shalt  }
0x43: {  	_ =	shalt  }
0x44: {  	_ =	shalt  }
0x45: {  	_ =	shalt  }
0x46: {  	_ =	shalt  }
0x47: {  	_ =	shalt  }
0x48: {  	_ =	shalt  }
0x49: {  	_ =	shalt  }
0x4a: {  	_ =	shalt  }
0x4b: {  	_ =	shalt  }
0x4c: {  	_ =	shalt  }
0x4d: {  	_ =	shalt  }
0x4e: {  	_ =	shalt  }
0x4f: {  	_ =	shalt  }
0x50: {  	_ =	shalt  }
0x51: {  	_ =	shalt  }
0x52: {  	_ =	shalt  }
0x53: {  	_ =	shalt  }
0x54: {  	_ =	shalt  }
0x55: {  	_ =	shalt  }
0x56: {  	_ =	shalt  }
0x57: {  	_ =	shalt  }
0x58: {  	_ =	shalt  }
0x59: {  	_ =	shalt  }
0x5a: {  	_ =	shalt  }
0x5b: {  	_ =	shalt  }
0x5c: {  	_ =	shalt  }
0x5d: {  	_ =	shalt  }
0x5e: {  	_ =	shalt  }
0x5f: {  	_ =	shalt  }
0x60: {  	_ =	shalt  }
0x61: {  	_ =	shalt  }
0x62: {  	_ =	shalt  }
0x63: {  	_ =	shalt  }
0x64: {  	_ =	shalt  }
0x65: {  	_ =	shalt  }
0x66: {  	_ =	shalt  }
0x67: {  	_ =	shalt  }
0x68: {  	_ =	shalt  }
0x69: {  	_ =	shalt  }
0x6a: {  	_ =	shalt  }
0x6b: {  	_ =	shalt  }
0x6c: {  	_ =	shalt  }
0x6d: {  	_ =	shalt  }
0x6e: {  	_ =	shalt  }
0x6f: {  	_ =	shalt  }
0x70: {  	_ =	shalt  }
0x71: {  	_ =	shalt  }
0x72: {  	_ =	shalt  }
0x73: {  	_ =	shalt  }
0x74: {  	_ =	shalt  }
0x75: {  	_ =	shalt  }
0x76: {  	_ =	shalt  }
0x77: {  	_ =	shalt  }
0x78: {  	_ =	shalt  }
0x79: {  	_ =	shalt  }
0x7a: {  	_ =	shalt  }
0x7b: {  	_ =	shalt  }
0x7c: {  	_ =	shalt  }
0x7d: {  	_ =	shalt  }
0x7e: {  	_ =	shalt  }
0x7f: {  	_ =	shalt  }
0x80: {  	_ =	shalt  }
0x81: {  	_ =	shalt  }
0x82: {  	_ =	shalt  }
0x83: {  	_ =	shalt  }
0x84: {  	_ =	shalt  }
0x85: {  	_ =	shalt  }
0x86: {  	_ =	shalt  }
0x87: {  	_ =	shalt  }
.Lfunc_end0:
.L_simem_size_0:
called_computation.3_lowered:
.L_overlay_start_0:
0x88: {  	s2 =	sld [smem:$0x3FD9]  }
0x89: {  	s3 =	sld [smem:$0x3FFE];
	_ =	sdelay $0x1  }
0x8a: {  	s1 =	srdreg.scid  }
0x8b: {  	s0 =	sand.u32 $0x1, s1  }
0x8c: {  	s17 =	sshll.u32 s0, $0xA;
	s2 =	sadd.s32 s3, s2  }
0x8d: {  	s2 =	sadd.s32 s2, s17  }
0x8e: {  	[smem:$0x3FC0] =	sst s2  }
0x8f: {  	_ = 	snop  }
0x90: {  	s2 =	sld [smem:$0x3FD0];
	(tm) =	ssettm $0x1  }
0x91: {  	s18 =	sld [smem:$0x3FFB];
	_ =	sdelay $0x3  }
0x92: {  	_ =	strace s18  }
0x93: {  	s3 =	sld [smem:$0x3FFC];
	_ =	sdelay $0x3  }
0x94: {  	_ =	strace s3  }
0x95: {  	s3 =	sld [smem:$0x3FFD];
	_ =	sdelay $0x3  }
0x96: {  	_ =	strace s3  }
0x97: {  	_ =	strace $0x8FFFFFFF  }
0x98: {  	s19 =	sld [smem:$0x3FDB];
	_ =	sdelay $0x1  }
0x99: {  	s4 =	simm.s32 $_scs_section_size  }
0x9a: {  	s5 =	simm.s32 $_size__tile_overlayer_lowered;
	s6 =	simm.s32 $_tile_overlayer_lowered  }
0x9b: {  	s22 =	simm.s32 $0x1BFF;
	s21 =	sshll.u32 s6, $0x1;
	s3 =	sadd.s32 s4, s19  }
0x9c: {  	s7 =	simm.s32 $0x0;
	s20 =	sshll.u32 s5, $0x1;
	s5 =	sadd.s32 s21, s3  }
0x9d: {  	[timem:s7], [sflag:s22] =	dma.local [hbm:s5], s20  }
0x9e: {  	_ =	swait.ge [sflag:s22], s20  }
0x9f: {  	s4 =	ssub.s32 $0x0, s20;
	[sflag:s22] =	ssyncset.done $0x0  }
0xa0: {  	[sflag:s22] =	ssyncadd.s32 s4;
	_ =	sdelay $0x1  }
0xa1: {  	s23 =	simm.s32 $0x1B8B  }
0xa2: {  	_ =	swait.ge [sflag:s23], $0x1  }
0xa3: {  	[sflag:s23] =	ssyncset.done $0x0  }
0xa4: {  	s25 =	simm.s32 $0x1B8E;
	s24 =	sld [smem:$0x3FFE];
	[sflag:s23] =	ssyncadd.s32 $0xFFFFFFFF  }
0xa5: {  	s26 =	simm.s32 $execute0_lowered;
	[smem:$0x3FD2] =	sst s25  }
0xa6: {  	s5 =	sshll.u32 s26, $0x1;
	_ =	strace $0x8000004F;
	[dreg:$0x1] =	wrdreg $0xFFFFFFFF  }
0xa7: {  	s28 =	simm.s32 $_size_execute0_lowered;
	s3 =	sadd.s32 s3, s5;
	[dreg:$0x0] =	wrdreg $0x0  }
0xa8: {  	s5 =	sshll.u32 s28, $0x1;
	[dreg:$0x2] =	wrdreg s3  }
0xa9: {  	[dreg:$0x3] =	wrdreg s5  }
0xaa: {  	[dreg:$0x4] =	wrdreg $0xC0  }
0xab: {  	_ =	task [dreg:s7], $0x5FFFF  }
0xac: {  	[dreg:$0x1] =	wrdreg $0xFFFFFFFF  }
0xad: {  	[dreg:$0x0] =	wrdreg $0x60  }
0xae: {  	[dreg:$0x2] =	wrdreg s24  }
0xaf: {  	[dreg:$0x3] =	wrdreg s2  }
0xb0: {  	[dreg:$0x4] =	wrdreg $0xB7800  }
0xb1: {  	[dreg:$0x5] =	wrdreg $0x9  }
0xb2: {  	_ =	task.clear_ibuf [dreg:s7], $0x6FFFF;
	_ =	strace $0x9000004F  }
0xb3: {  	s29 =	simm.s32 $0x9;
	_ =	strace $0x80000051  }
0xb4: {  	_ =	swait.ge [sflag:s29], $0x1  }
0xb5: {  	[sflag:s29] =	ssyncadd.s32 $0xFFFFFFFF  }
0xb6: {  	_ =	strace $0x90000051  }
0xb7: {  	_ =	sfence  }
0xb8: {  	s30 =	sld [smem:$0x0];
	_ =	sdelay $0x2  }
0xb9: {  	s31 =	sshll.u32 s1, $0xD;
	s1 =	sshrl.u32 s1, $0x2  }
0xba: {  	s3 =	sand.u32 $0x4000, s31;
	s1 =	sadd.s32 s1, s30  }
0xbb: {  	s0 =	sor.u32 s3, s0;
	s1 =	sshll.u32 s1, $0x11  }
0xbc: {  	s0 =	sor.u32 s1, s0  }
0xbd: {  	s0 =	sadd.s32 $0x8F2B, s0  }
0xbe: {  	[sflag:s0] =	ssyncadd.remote.s32 $0x1  }
0xbf: {  	_ =	sfence.sel $0xFFFF  }
0xc0: {  	[dreg:$0x0] =	wrdreg $0xFFFFFFFF;
	(pc) =	sbr.abs _section_cstart, $3  }
0xc1: {  	[dreg:$0x1] =	wrdreg $0xFFFFFFFF  }
0xc2: {  	_ =	task.clear_ibuf [dreg:s7], $0x2FFFF;
	_ =	strace $0x9FFFFFFF  }
0xc3: {  	(tm) =	ssettm $0x7FFFFFFF  }
tec
execute0_lowered:
.L_overlay_start_1:
0x0: {  	(tag) =	ssettag $0x1  }
0x1: {  	s5 =	rddreg [dreg:$0x0]  }
0x2: {  	s1 =	srdreg.scid;
	s8 =	rddreg [dreg:$0x1]  }
0x3: {  	s0 =	stileid.u32;
	s2 =	rddreg [dreg:$0x2]  }
0x4: {  	s3 =	simm.s32 $0x0;
	s17 =	simm.s32 $0x50;
	s18 =	simm.s32 $0x6780  }
0x5: {  	s19 =	simm.s32 $0x8F80;
	s20 =	simm.s32 $0x1;
	s21 =	simm.s32 $0x3  }
0x6: {  	s22 =	simm.s32 $0xA0;
	s28 =	simm.s32 $0x0;
	s6 =	sand.u32 $0x1, s1  }
0x7: {  	s23 =	sshll.u32 s0, $0x1;
	[smem:$0x7FF] =	sst s3;
	s11 =	smul.u32 $0x4E000, s0  }
0x8: {  	s4 =	sadd.s32 $0x46200, s5;
	s13 =	smul.u32 $0x13800, s0;
	s14 =	sadd.s32 $0x6D400, s5  }
0x9: {  	s16 =	sadd.s32 $0x138000, s2;
	p0 =	sne.s32 s0, $0xF;
	s31 =	sshll.u32 s0, $0x6  }
0xa: {  	s7 =	sor.u32 s6, s23;
	_ =	strace $0x80000050;
	s10 =	ssub.s32 $0x2, s6  }
0xb: {  	s26 =	smul.u32 $0x138800, s6;
	s16 =	sshrl.u32 @!p0 s16, $0x3;
	s23 =	simm.s32 $0x2  }
0xc: {  	s9 =	smul.u32 $0x4E2, s7;
	s7 =	sshll.u32 s7, $0xB;
	s12 =	sshrl.u32 s10, $0x1  }
0xd: {  	s24 =	sshrl.u32 s11, $0x2;
	s25 =	sshrl.u32 s13, $0x3;
	s7 =	sadd.s32 s7, s5  }
0xe: {  	s12 =	ssub.s32 s10, s12;
	s15 =	sadd.s32 s24, s2;
	s29 =	sadd.s32 s13, s26  }
0xf: {  	s30 =	sshrl.u32 s26, $0x3;
	s13 =	simm.s32 $0x2780;
	s24 =	simm.s32 $0x2800  }
0x10: {  	s26 =	simm.s32 $0x6580;
	s9 =	sadd.s32 s9, s5;
	s6 =	sadd.s32 $0xF000, s7  }
0x11: {  	s7 =	sadd.s32 s8, s25;
	s8 =	sadd.s32 $0x27000, s8;
	s10 =	sadd.s32 s14, s30  }
0x12: {  	s11 =	smax.u32 s12, $0x1;
	s12 =	simm.s32 $0x5;
	s15 =	sshrl.u32 s15, $0x3  }
0x13: {  	s25 =	simm.s32 $0x4;
	s5 =	sadd.s32 $0x5200, s9;
	s9 =	sshrl.u32 s29, $0x3  }
0x14: {  	s10 =	sadd.s32 $0x27000, s10;
	s9 =	sadd.s32 s14, s9;
	s14 =	sor.u32 $0x1C05, s31  }
.LBB2_1:
0x15: {  	[tilespmem:s3], [sflag:$0x5] =	stream.linear.gather [hbm4b:s5+s3], $0x2710, $0x38;
	[tilespmem:$0x1F000] =	vst v63  }
0x16: {  	_ =	swait.ge [sflag:s12], $0x2710  }
0x17: {  	[sflag:s12] =	ssyncset.done $0x0  }
0x18: {  	[sflag:s12] =	ssyncadd.s32 $0xFFFFD8F0  }
0x19: {  	[tilespmem:s13], [sflag:$0x5] =	stream.linear.gather [hbm4b:s6+s3], $0x3E80, $0x38;
	[tilespmem:$0x1F000] =	vst v63  }
0x1a: {  	_ =	swait.ge [sflag:s12], $0x3E80  }
0x1b: {  	[sflag:s12] =	ssyncset.done $0x0  }
0x1c: {  	[sflag:s12] =	ssyncadd.s32 $0xFFFFC180  }
0x1d: {  	[spmem:s15], [sflag:s14] =	dma.local [hbm:s7], $0x2700  }
0x1e: {  	_ =	swait.ge [sflag:s12], $0x2700  }
0x1f: {  	[sflag:s12] =	ssyncset.done $0x0  }
0x20: {  	s29 =	simm.s32 @!p0 $0x5;
	[sflag:s12] =	ssyncadd.s32 $0xFFFFD900  }
0x21: {  	[spmem:s16], [sflag:s14] =	dma.local @!p0 [hbm:s8], $0x100  }
0x22: {  	_ =	swait.ge @!p0 [sflag:s29], $0x100  }
0x23: {  	[sflag:s29] =	ssyncset.done @!p0 $0x0  }
0x24: {  	[sflag:s29] =	ssyncadd.s32 @!p0 $0xFFFFFF00  }
0x25: {  	[bflag:$0x0] =	sbarrier.arrive $0xFFFF  }
0x26: {  	[tilespmem:s18], [sflag:$0x1] =	stream.indirect.gather [hbm4b:s4+s17], $0x80, s3, s17, $0xb8;
	[tilespmem:$0x1F000] =	vst v63  }
0x27: {  	_ = 	snop  }
0x28: {  	[tilespmem:s19], [sflag:$0x2] =	stream.indirect.gather [hbm4b:s4+s17], $0x80, s17, s17, $0xb8;
	[tilespmem:$0x1F000] =	vst v63  }
0x29: {  	_ =	swait.ge [sflag:s20], $0x2800  }
0x2a: {  	[sflag:s20] =	ssyncset.done $0x0  }
0x2b: {  	[sflag:s20] =	ssyncadd.s32 $0xFFFFD800  }
0x2c: {  	[spmem:s2] =	stream.indirect.scatter.add.f32 [tilespmem:s18], [sflag:$0x3], $0x80, s13, s17, $0xb8;
	[tilespmem:$0x1F000] =	vst v63  }
0x2d: {  	_ =	swait.ge [sflag:s21], $0x2800  }
0x2e: {  	[sflag:s21] =	ssyncset.done $0x0  }
0x2f: {  	[sflag:s21] =	ssyncadd.s32 $0xFFFFD800  }
0x30: {  	[tilespmem:s18], [sflag:$0x1] =	stream.indirect.gather [hbm4b:s4+s17], $0x80, s22, s17, $0xb8;
	[tilespmem:$0x1F000] =	vst v63  }
0x31: {  	_ =	swait.ge [sflag:s23], $0x2800  }
0x32: {  	[sflag:s23] =	ssyncset.done $0x0  }
0x33: {  	[sflag:s23] =	ssyncadd.s32 $0xFFFFD800  }
0x34: {  	[spmem:s2] =	stream.indirect.scatter.add.f32 [tilespmem:s19], [sflag:$0x4], $0x80, s24, s17, $0xb8;
	[tilespmem:$0x1F000] =	vst v63  }
0x35: {  	_ =	swait.ge [sflag:s25], $0x2800  }
0x36: {  	[sflag:s25] =	ssyncset.done $0x0  }
0x37: {  	s29 =	simm.s32 $0xF0;
	[sflag:s25] =	ssyncadd.s32 $0xFFFFD800  }
0x38: {  	[tilespmem:s19], [sflag:$0x2] =	stream.indirect.gather [hbm4b:s4+s17], $0x80, s29, s17, $0xb8;
	[tilespmem:$0x1F000] =	vst v63  }
0x39: {  	_ =	swait.ge [sflag:s20], $0x2800  }
0x3a: {  	[sflag:s20] =	ssyncset.done $0x0  }
0x3b: {  	s29 =	simm.s32 $0x2880;
	[sflag:s20] =	ssyncadd.s32 $0xFFFFD800  }
0x3c: {  	[spmem:s2] =	stream.indirect.scatter.add.f32 [tilespmem:s18], [sflag:$0x3], $0x80, s29, s17, $0xb8;
	[tilespmem:$0x1F000] =	vst v63  }
0x3d: {  	_ =	swait.ge [sflag:s21], $0x2800  }
0x3e: {  	[sflag:s21] =	ssyncset.done $0x0  }
0x3f: {  	s29 =	simm.s32 $0x140;
	[sflag:s21] =	ssyncadd.s32 $0xFFFFD800  }
0x40: {  	[tilespmem:s18], [sflag:$0x1] =	stream.indirect.gather [hbm4b:s4+s17], $0x80, s29, s17, $0xb8;
	[tilespmem:$0x1F000] =	vst v63  }
0x41: {  	_ =	swait.ge [sflag:s23], $0x2800  }
0x42: {  	s31 =	simm.s32 $0x2900;
	[sflag:s23] =	ssyncset.done $0x0  }
0x43: {  	s30 =	simm.s32 $0x190;
	s29 =	simm.s32 $0xFFFF1000;
	[sflag:s23] =	ssyncadd.s32 $0xFFFFD800  }
.LBB2_2:
0x44: {  	[spmem:s2] =	stream.indirect.scatter.add.f32 [tilespmem:s19], [sflag:$0x4], $0x80, s31, s17, $0xb8;
	[tilespmem:$0x1F000] =	vst v63  }
0x45: {  	s31 =	smov.u32 s29  }
0x46: {  	p1 =	sne.s32 s29, $0xFFFFFC00;
	s29 =	sadd.s32 $0x400, s29;
	_ =	swait.ge [sflag:s25], $0x2800  }
0x47: {  	[sflag:s25] =	ssyncset.done $0x0  }
0x48: {  	[sflag:s25] =	ssyncadd.s32 $0xFFFFD800  }
0x49: {  	[tilespmem:s19], [sflag:$0x2] =	stream.indirect.gather [hbm4b:s4+s17], $0x80, s30, s17, $0xb8;
	[tilespmem:$0x1F000] =	vst v63  }
0x4a: {  	_ =	swait.ge [sflag:s20], $0x2800  }
0x4b: {  	s31 =	sshra.s32 s31, $0x2;
	[sflag:s20] =	ssyncset.done $0x0  }
0x4c: {  	s1 =	sadd.s32 $0x6580, s31;
	[sflag:s20] =	ssyncadd.s32 $0xFFFFD800  }
0x4d: {  	[spmem:s2] =	stream.indirect.scatter.add.f32 [tilespmem:s18], [sflag:$0x3], $0x80, s1, s17, $0xb8;
	[tilespmem:$0x1F000] =	vst v63  }
0x4e: {  	_ =	swait.ge [sflag:s21], $0x2800  }
0x4f: {  	[sflag:s21] =	ssyncset.done $0x0  }
.Ltmp0:
0x50: {  	s1 =	sadd.s32 $0x50, s30;
	[sflag:s21] =	ssyncadd.s32 $0xFFFFD800;
	(pc) =	sbr.rel @p1 .LBB2_2-.Ltmp0, $4  }
0x51: {  	[tilespmem:s18], [sflag:$0x1] =	stream.indirect.gather [hbm4b:s4+s17], $0x80, s1, s17, $0xb8;
	[tilespmem:$0x1F000] =	vst v63  }
0x52: {  	_ =	swait.ge [sflag:s23], $0x2800  }
0x53: {  	[sflag:s23] =	ssyncset.done $0x0  }
0x54: {  	s31 =	sadd.s32 $0x6600, s31;
	s30 =	sadd.s32 $0xA0, s30;
	[sflag:s23] =	ssyncadd.s32 $0xFFFFD800  }
0x55: {  	[spmem:s2] =	stream.indirect.scatter.add.f32 [tilespmem:s19], [sflag:$0x4], $0x80, s31, s17, $0xb8;
	[tilespmem:$0x1F000] =	vst v63  }
0x56: {  	_ =	swait.ge [sflag:s25], $0x2800  }
0x57: {  	[sflag:s25] =	ssyncset.done $0x0  }
0x58: {  	[sflag:s25] =	ssyncadd.s32 $0xFFFFD800  }
0x59: {  	_ =	swait.ge [sflag:s20], $0x2800  }
0x5a: {  	[sflag:s20] =	ssyncset.done $0x0  }
0x5b: {  	[sflag:s20] =	ssyncadd.s32 $0xFFFFD800  }
0x5c: {  	[spmem:s2] =	stream.indirect.scatter.add.f32 [tilespmem:s18], [sflag:$0x3], $0x80, s26, s17, $0xb8;
	[tilespmem:$0x1F000] =	vst v63  }
0x5d: {  	_ =	swait.ge [sflag:s21], $0x2800  }
0x5e: {  	[sflag:s21] =	ssyncset.done $0x0  }
0x5f: {  	[sflag:s21] =	ssyncadd.s32 $0xFFFFD800  }
0x60: {  	[bflag:$0x0] =	sbarrier.arrive $0xFFFF  }
0x61: {  	[hbm:s9], [sflag:s14] =	dma.local [spmem:s15], $0x2700  }
0x62: {  	s28 =	sadd.s32 $0x1, s28;
	_ =	swait.ge [sflag:s12], $0x2700  }
0x63: {  	p1 =	sne.s32 s28, s11;
	[sflag:s12] =	ssyncset.done $0x0  }
.Ltmp1:
0x64: {  	s1 =	simm.s32 @!p0 $0x5;
	[sflag:s12] =	ssyncadd.s32 $0xFFFFD900;
	(pc) =	sbr.rel @p1 .LBB2_1-.Ltmp1, $4  }
0x65: {  	[hbm:s10], [sflag:s14] =	dma.local @!p0 [spmem:s16], $0x100  }
0x66: {  	_ =	swait.ge @!p0 [sflag:s1], $0x100  }
0x67: {  	[sflag:s1] =	ssyncset.done @!p0 $0x0  }
0x68: {  	[sflag:s1] =	ssyncadd.s32 @!p0 $0xFFFFFF00  }
0x69: {  	_ =	sfence.sel $0x180000  }
0x6a: {  	[bflag:$0x0] =	sbarrier.arrive $0xFFFF  }
0x6b: {  	_ =	strace $0x90000050  }
0x6c: {  	[bflag:$0x2] =	sbarrier.arrive $0xFFFF  }
0x6d: {  	p0 =	sne.s32 s0, $0x0;
	s0 =	rddreg [dreg:$0x3]  }
0x6e: {  	s0 =	sadd.s32 @!p0 $0x100000, s0  }
0x6f: {  	[sflag:s0] =	ssyncadd.tile.s32 @!p0 $0x1;
	_ =	shalt  }
.Lfunc_end2:
_tile_overlayer_lowered:
.L_overlay_start_2:
0x70: {  	(tag) =	ssettag $0x2  }
0x71: {  	s0 =	rddreg [dreg:$0x0];
	s2 =	stileid.u32  }
0x72: {  	s1 =	rddreg [dreg:$0x1];
	p0 =	sne.s32 s2, $0x0  }
0x73: {  	s3 =	rddreg [dreg:$0x2];
	[bflag:$0x3] =	sbarrier.arrive $0xFFFF;
	s2 =	simm.s32 @!p0 $0x1C05  }
0x74: {  	[timem:s3], [sflag:s2] =	dma.local @!p0 [hbm:s0], s1  }
0x75: {  	s0 =	simm.s32 @!p0 $0x5  }
0x76: {  	_ =	swait.ge @!p0 [sflag:s0], s1  }
0x77: {  	s1 =	ssub.s32 @!p0 $0x0, s1;
	[sflag:s0] =	ssyncset.done @!p0 $0x0  }
0x78: {  	[sflag:s0] =	ssyncadd.s32 @!p0 s1  }
0x79: {  	[bflag:$0x3] =	sbarrier.arrive $0xFFFF  }
0x7a: {  	_ =	shalt  }

// kernel: kernel.24.cloned.1.call-start
scs
__scs_entry_jumppad:
0x0: {  	(pc) =	sbr.rel $0x88, $3  }
0x1: {  	(tag) =	ssettag $0x0;
	lr =	simm.s32 $0x1  }
0x2: {  	[smem:$0x3F99] =	sst lr;
	_ =	strace $0xD0000000  }
0x3: {  	_ = 	snop  }
0x4: {  	_ = 	snop  }
0x5: {  	_ = 	snop  }
0x6: {  	_ = 	snop  }
0x7: {  	_ = 	snop  }
__scs_overlays_trampoline_lowered:
0x8: {  	[smem:$0x3FA8] =	sst s0  }
0x9: {  	[smem:$0x3FA9] =	sst s1  }
0xa: {  	[smem:$0x3FAA] =	sst s2  }
0xb: {  	[smem:$0x3FAB] =	sst s3  }
0xc: {  	[smem:$0x3FAC] =	sst s4  }
0xd: {  	[smem:$0x3FAD] =	sst s5  }
0xe: {  	[smem:$0x3FAE] =	sst s6  }
0xf: {  	[smem:$0x3FAF] =	sst s7  }
0x10: {  	[smem:$0x3FB0] =	sst s8  }
0x11: {  	[smem:$0x3FB1] =	sst s9;
	s0 =	simm.s32 @!p0 $0x0  }
0x12: {  	s1 =	sld [smem:$0x3F97];
	s0 =	simm.s32 @p0 $0x1  }
0x13: {  	[smem:$0x3FB2] =	sst s0;
	s0 =	simm.s32 @!p1 $0x0  }
0x14: {  	s2 =	sld [smem:$0x3F96];
	s0 =	simm.s32 @p1 $0x1  }
0x15: {  	[smem:$0x3FB3] =	sst s0;
	s0 =	simm.s32 @!p2 $0x0  }
0x16: {  	s3 =	sld [smem:$0x3FDB];
	s0 =	simm.s32 @p2 $0x1  }
0x17: {  	s4 =	simm.s32 $0x1BF5;
	[smem:$0x3FB5] =	sst s0  }
0x18: {  	s0 =	sld [smem:$0x3F98];
	_ =	swait.ge [sflag:s4], $0x0  }
0x19: {  	s7 =	sld [smem:$0x3F99]  }
0x1a: {  	s8 =	sadd.s32 $0xFFFFE003, lr  }
0x1b: {  	s9 =	sadd.s32 $0xFFFFFEF7, lr;
	s5 =	simm.s32 $0xFFFFFFFF;
	p2 =	slt.u32 s8, $0xFFFFF086  }
0x1c: {  	p1 =	slt.u32 s9, $0xF7A;
	s5 =	simm.s32 @!p2 $0x0  }
0x1d: {  	s5 =	simm.s32 @p1 $0x1;
	p0 =	seq.s32 s7, s2  }
0x1e: {  	s7 =	smul.u32 @!p0 $0xF7A, s2;
	p2 =	seq.s32 @!p0 s5, $0x0  }
0x1f: {  	s9 =	smul.u32 $0xF7A, s1;
	s8 =	simm.s32 @!p0 $0x1BF5;
	p2 =	por !p2, p0  }
0x20: {  	[sflag:s8] =	ssyncset.s32 @!p0 $0xFFFFF086;
	s6 =	sadd.s32 @!p0 s3, s7;
	s7 =	simm.s32 @!p0 $0x108  }
0x21: {  	s3 =	sadd.s32 s3, s9;
	s6 =	sadd.s32 @!p0 $0x88, s6;
	s7 =	simm.s32 @p2 $0x1082  }
0x22: {  	[simem:s7], [sflag:s8] =	dma.local @!p0 [hbm:s6], $0xF7A  }
0x23: {  	s9 =	sor.u32 $0xD0000000, s2;
	s6 =	simm.s32 $0x108;
	_ =	swait.ge @!p0 [sflag:s8], $0x0  }
0x24: {  	s3 =	sadd.s32 $0x88, s3;
	s6 =	simm.s32 @!p1 $0x1082;
	[sflag:s4] =	ssyncset.s32 $0xFFFFF086  }
0x25: {  	[simem:s6], [sflag:s4] =	dma.local [hbm:s3], $0xF7A  }
0x26: {  	[smem:$0x3F99] =	sst s1;
	(tag) =	ssettag s2;
	_ =	strace s9  }
0x27: {  	s1 =	sld [smem:$0x3FA9]  }
0x28: {  	s2 =	sld [smem:$0x3FAA]  }
0x29: {  	s4 =	sld [smem:$0x3FAC]  }
0x2a: {  	p0 =	seq.s32 s5, $0x0;
	s5 =	sld [smem:$0x3FAD]  }
0x2b: {  	s6 =	sld [smem:$0x3FAE]  }
0x2c: {  	s7 =	sld [smem:$0x3FAF]  }
0x2d: {  	s3 =	simm.s32 $0x108;
	s8 =	sld [smem:$0x3FB0]  }
0x2e: {  	s3 =	simm.s32 @!p0 $0x1082;
	s9 =	sld [smem:$0x3FB1]  }
0x2f: {  	lr =	sadd.s32 s0, s3;
	s0 =	sld [smem:$0x3FA8]  }
0x30: {  	s3 =	sld [smem:$0x3FAB]  }
0x31: {  	[smem:$0x3FB4] =	sst s10  }
0x32: {  	s10 =	sld [smem:$0x3FB2];
	_ =	sdelay $0x3  }
0x33: {  	p0 =	seq.s32 s10, $0x1;
	s10 =	sld [smem:$0x3FB4];
	_ =	sdelay $0x3  }
0x34: {  	[smem:$0x3FB4] =	sst s10  }
0x35: {  	s10 =	sld [smem:$0x3FB3];
	_ =	sdelay $0x3  }
0x36: {  	p1 =	seq.s32 s10, $0x1;
	s10 =	sld [smem:$0x3FB4];
	_ =	sdelay $0x3  }
0x37: {  	[smem:$0x3FB4] =	sst s10  }
0x38: {  	s10 =	sld [smem:$0x3FB5]  }
0x39: {  	_ = 	snop;
	(pc) =	sbr.ind lr, $3  }
0x3a: {  	_ = 	snop  }
0x3b: {  	_ = 	snop  }
0x3c: {  	p2 =	seq.s32 s10, $0x1;
	s10 =	sld [smem:$0x3FB4]  }
0x3d: {  	_ =	shalt  }
0x3e: {  	_ =	shalt  }
0x3f: {  	_ =	shalt  }
0x40: {  	_ =	shalt  }
0x41: {  	_ =	shalt  }
0x42: {  	_ =	shalt  }
0x43: {  	_ =	shalt  }
0x44: {  	_ =	shalt  }
0x45: {  	_ =	shalt  }
0x46: {  	_ =	shalt  }
0x47: {  	_ =	shalt  }
0x48: {  	_ =	shalt  }
0x49: {  	_ =	shalt  }
0x4a: {  	_ =	shalt  }
0x4b: {  	_ =	shalt  }
0x4c: {  	_ =	shalt  }
0x4d: {  	_ =	shalt  }
0x4e: {  	_ =	shalt  }
0x4f: {  	_ =	shalt  }
0x50: {  	_ =	shalt  }
0x51: {  	_ =	shalt  }
0x52: {  	_ =	shalt  }
0x53: {  	_ =	shalt  }
0x54: {  	_ =	shalt  }
0x55: {  	_ =	shalt  }
0x56: {  	_ =	shalt  }
0x57: {  	_ =	shalt  }
0x58: {  	_ =	shalt  }
0x59: {  	_ =	shalt  }
0x5a: {  	_ =	shalt  }
0x5b: {  	_ =	shalt  }
0x5c: {  	_ =	shalt  }
0x5d: {  	_ =	shalt  }
0x5e: {  	_ =	shalt  }
0x5f: {  	_ =	shalt  }
0x60: {  	_ =	shalt  }
0x61: {  	_ =	shalt  }
0x62: {  	_ =	shalt  }
0x63: {  	_ =	shalt  }
0x64: {  	_ =	shalt  }
0x65: {  	_ =	shalt  }
0x66: {  	_ =	shalt  }
0x67: {  	_ =	shalt  }
0x68: {  	_ =	shalt  }
0x69: {  	_ =	shalt  }
0x6a: {  	_ =	shalt  }
0x6b: {  	_ =	shalt  }
0x6c: {  	_ =	shalt  }
0x6d: {  	_ =	shalt  }
0x6e: {  	_ =	shalt  }
0x6f: {  	_ =	shalt  }
0x70: {  	_ =	shalt  }
0x71: {  	_ =	shalt  }
0x72: {  	_ =	shalt  }
0x73: {  	_ =	shalt  }
0x74: {  	_ =	shalt  }
0x75: {  	_ =	shalt  }
0x76: {  	_ =	shalt  }
0x77: {  	_ =	shalt  }
0x78: {  	_ =	shalt  }
0x79: {  	_ =	shalt  }
0x7a: {  	_ =	shalt  }
0x7b: {  	_ =	shalt  }
0x7c: {  	_ =	shalt  }
0x7d: {  	_ =	shalt  }
0x7e: {  	_ =	shalt  }
0x7f: {  	_ =	shalt  }
0x80: {  	_ =	shalt  }
0x81: {  	_ =	shalt  }
0x82: {  	_ =	shalt  }
0x83: {  	_ =	shalt  }
0x84: {  	_ =	shalt  }
0x85: {  	_ =	shalt  }
0x86: {  	_ =	shalt  }
0x87: {  	_ =	shalt  }
.Lfunc_end0:
.L_simem_size_0:
called_computation.4_lowered:
.L_overlay_start_0:
0x88: {  	s2 =	sld [smem:$0x3FD9]  }
0x89: {  	s3 =	sld [smem:$0x3FFE];
	_ =	sdelay $0x1  }
0x8a: {  	s1 =	srdreg.scid  }
0x8b: {  	s0 =	sand.u32 $0x1, s1  }
0x8c: {  	s17 =	sshll.u32 s0, $0xA;
	s2 =	sadd.s32 s3, s2  }
0x8d: {  	s2 =	sadd.s32 s2, s17  }
0x8e: {  	[smem:$0x3FC0] =	sst s2  }
0x8f: {  	_ = 	snop  }
0x90: {  	s2 =	sld [smem:$0x3FD0];
	(tm) =	ssettm $0x1  }
0x91: {  	s18 =	sld [smem:$0x3FFB];
	_ =	sdelay $0x3  }
0x92: {  	_ =	strace s18  }
0x93: {  	s3 =	sld [smem:$0x3FFC];
	_ =	sdelay $0x3  }
0x94: {  	_ =	strace s3  }
0x95: {  	s3 =	sld [smem:$0x3FFD];
	_ =	sdelay $0x3  }
0x96: {  	_ =	strace s3  }
0x97: {  	_ =	strace $0x8FFFFFFF  }
0x98: {  	s19 =	sld [smem:$0x3FDB];
	_ =	sdelay $0x1  }
0x99: {  	s4 =	simm.s32 $_scs_section_size  }
0x9a: {  	s5 =	simm.s32 $_size__tile_overlayer_lowered;
	s6 =	simm.s32 $_tile_overlayer_lowered  }
0x9b: {  	s22 =	simm.s32 $0x1BFF;
	s21 =	sshll.u32 s6, $0x1;
	s3 =	sadd.s32 s4, s19  }
0x9c: {  	s7 =	simm.s32 $0x0;
	s20 =	sshll.u32 s5, $0x1;
	s5 =	sadd.s32 s21, s3  }
0x9d: {  	[timem:s7], [sflag:s22] =	dma.local [hbm:s5], s20  }
0x9e: {  	_ =	swait.ge [sflag:s22], s20  }
0x9f: {  	s4 =	ssub.s32 $0x0, s20;
	[sflag:s22] =	ssyncset.done $0x0  }
0xa0: {  	[sflag:s22] =	ssyncadd.s32 s4;
	_ =	sdelay $0x1  }
0xa1: {  	s23 =	simm.s32 $0x1B8B  }
0xa2: {  	_ =	swait.ge [sflag:s23], $0x1  }
0xa3: {  	[sflag:s23] =	ssyncset.done $0x0  }
0xa4: {  	s25 =	simm.s32 $0x1B8E;
	s24 =	sld [smem:$0x3FFE];
	[sflag:s23] =	ssyncadd.s32 $0xFFFFFFFF  }
0xa5: {  	s26 =	simm.s32 $execute0_lowered;
	[smem:$0x3FD2] =	sst s25  }
0xa6: {  	s5 =	sshll.u32 s26, $0x1;
	_ =	strace $0x80000052;
	[dreg:$0x1] =	wrdreg $0xFFFFFFFF  }
0xa7: {  	s28 =	simm.s32 $_size_execute0_lowered;
	s3 =	sadd.s32 s3, s5;
	[dreg:$0x0] =	wrdreg $0x0  }
0xa8: {  	s5 =	sshll.u32 s28, $0x1;
	[dreg:$0x2] =	wrdreg s3  }
0xa9: {  	[dreg:$0x3] =	wrdreg s5  }
0xaa: {  	[dreg:$0x4] =	wrdreg $0xC0  }
0xab: {  	_ =	task [dreg:s7], $0x5FFFF  }
0xac: {  	[dreg:$0x1] =	wrdreg $0xFFFFFFFF  }
0xad: {  	[dreg:$0x0] =	wrdreg $0x60  }
0xae: {  	[dreg:$0x2] =	wrdreg s24  }
0xaf: {  	[dreg:$0x3] =	wrdreg s2  }
0xb0: {  	[dreg:$0x4] =	wrdreg $0xB7800  }
0xb1: {  	[dreg:$0x5] =	wrdreg $0x9  }
0xb2: {  	_ =	task.clear_ibuf [dreg:s7], $0x6FFFF;
	_ =	strace $0x90000052  }
0xb3: {  	s29 =	simm.s32 $0x9;
	_ =	strace $0x80000054  }
0xb4: {  	_ =	swait.ge [sflag:s29], $0x1  }
0xb5: {  	[sflag:s29] =	ssyncadd.s32 $0xFFFFFFFF  }
0xb6: {  	_ =	strace $0x90000054  }
0xb7: {  	_ =	sfence  }
0xb8: {  	s30 =	sld [smem:$0x0];
	_ =	sdelay $0x2  }
0xb9: {  	s31 =	sshll.u32 s1, $0xD;
	s1 =	sshrl.u32 s1, $0x2  }
0xba: {  	s3 =	sand.u32 $0x4000, s31;
	s1 =	sadd.s32 s1, s30  }
0xbb: {  	s0 =	sor.u32 s3, s0;
	s1 =	sshll.u32 s1, $0x11  }
0xbc: {  	s0 =	sor.u32 s1, s0  }
0xbd: {  	s0 =	sadd.s32 $0x8F2B, s0  }
0xbe: {  	[sflag:s0] =	ssyncadd.remote.s32 $0x1  }
0xbf: {  	_ =	sfence.sel $0xFFFF  }
0xc0: {  	[dreg:$0x0] =	wrdreg $0xFFFFFFFF;
	(pc) =	sbr.abs _section_cstart, $3  }
0xc1: {  	[dreg:$0x1] =	wrdreg $0xFFFFFFFF  }
0xc2: {  	_ =	task.clear_ibuf [dreg:s7], $0x2FFFF;
	_ =	strace $0x9FFFFFFF  }
0xc3: {  	(tm) =	ssettm $0x7FFFFFFF  }
tec
execute0_lowered:
.L_overlay_start_1:
0x0: {  	(tag) =	ssettag $0x1  }
0x1: {  	s5 =	rddreg [dreg:$0x0]  }
0x2: {  	s1 =	srdreg.scid;
	s8 =	rddreg [dreg:$0x1]  }
0x3: {  	s0 =	stileid.u32;
	s2 =	rddreg [dreg:$0x2]  }
0x4: {  	s3 =	simm.s32 $0x0;
	s17 =	simm.s32 $0x50;
	s18 =	simm.s32 $0x6780  }
0x5: {  	s19 =	simm.s32 $0x8F80;
	s20 =	simm.s32 $0x1;
	s21 =	simm.s32 $0x3  }
0x6: {  	s22 =	simm.s32 $0xA0;
	s28 =	simm.s32 $0x0;
	s6 =	sand.u32 $0x1, s1  }
0x7: {  	s23 =	sshll.u32 s0, $0x1;
	[smem:$0x7FF] =	sst s3;
	s11 =	smul.u32 $0x4E000, s0  }
0x8: {  	s4 =	sadd.s32 $0x46200, s5;
	s13 =	smul.u32 $0x13800, s0;
	s14 =	sadd.s32 $0x6D400, s5  }
0x9: {  	s16 =	sadd.s32 $0x138000, s2;
	p0 =	sne.s32 s0, $0xF;
	s31 =	sshll.u32 s0, $0x6  }
0xa: {  	s7 =	sor.u32 s6, s23;
	_ =	strace $0x80000053;
	s10 =	ssub.s32 $0x2, s6  }
0xb: {  	s26 =	smul.u32 $0x138800, s6;
	s16 =	sshrl.u32 @!p0 s16, $0x3;
	s23 =	simm.s32 $0x2  }
0xc: {  	s9 =	smul.u32 $0x4E2, s7;
	s7 =	sshll.u32 s7, $0xB;
	s12 =	sshrl.u32 s10, $0x1  }
0xd: {  	s24 =	sshrl.u32 s11, $0x2;
	s25 =	sshrl.u32 s13, $0x3;
	s7 =	sadd.s32 s7, s5  }
0xe: {  	s12 =	ssub.s32 s10, s12;
	s15 =	sadd.s32 s24, s2;
	s29 =	sadd.s32 s13, s26  }
0xf: {  	s30 =	sshrl.u32 s26, $0x3;
	s13 =	simm.s32 $0x2780;
	s24 =	simm.s32 $0x2800  }
0x10: {  	s26 =	simm.s32 $0x6580;
	s9 =	sadd.s32 s9, s5;
	s6 =	sadd.s32 $0xF000, s7  }
0x11: {  	s7 =	sadd.s32 s8, s25;
	s8 =	sadd.s32 $0x27000, s8;
	s10 =	sadd.s32 s14, s30  }
0x12: {  	s11 =	smax.u32 s12, $0x1;
	s12 =	simm.s32 $0x5;
	s15 =	sshrl.u32 s15, $0x3  }
0x13: {  	s25 =	simm.s32 $0x4;
	s5 =	sadd.s32 $0x5200, s9;
	s9 =	sshrl.u32 s29, $0x3  }
0x14: {  	s10 =	sadd.s32 $0x27000, s10;
	s9 =	sadd.s32 s14, s9;
	s14 =	sor.u32 $0x1C05, s31  }
.LBB2_1:
0x15: {  	[tilespmem:s3], [sflag:$0x5] =	stream.linear.gather [hbm4b:s5+s3], $0x2710, $0x38;
	[tilespmem:$0x1F000] =	vst v63  }
0x16: {  	_ =	swait.ge [sflag:s12], $0x2710  }
0x17: {  	[sflag:s12] =	ssyncset.done $0x0  }
0x18: {  	[sflag:s12] =	ssyncadd.s32 $0xFFFFD8F0  }
0x19: {  	[tilespmem:s13], [sflag:$0x5] =	stream.linear.gather [hbm4b:s6+s3], $0x3E80, $0x38;
	[tilespmem:$0x1F000] =	vst v63  }
0x1a: {  	_ =	swait.ge [sflag:s12], $0x3E80  }
0x1b: {  	[sflag:s12] =	ssyncset.done $0x0  }
0x1c: {  	[sflag:s12] =	ssyncadd.s32 $0xFFFFC180  }
0x1d: {  	[spmem:s15], [sflag:s14] =	dma.local [hbm:s7], $0x2700  }
0x1e: {  	_ =	swait.ge [sflag:s12], $0x2700  }
0x1f: {  	[sflag:s12] =	ssyncset.done $0x0  }
0x20: {  	s29 =	simm.s32 @!p0 $0x5;
	[sflag:s12] =	ssyncadd.s32 $0xFFFFD900  }
0x21: {  	[spmem:s16], [sflag:s14] =	dma.local @!p0 [hbm:s8], $0x100  }
0x22: {  	_ =	swait.ge @!p0 [sflag:s29], $0x100  }
0x23: {  	[sflag:s29] =	ssyncset.done @!p0 $0x0  }
0x24: {  	[sflag:s29] =	ssyncadd.s32 @!p0 $0xFFFFFF00  }
0x25: {  	[bflag:$0x0] =	sbarrier.arrive $0xFFFF  }
0x26: {  	[tilespmem:s18], [sflag:$0x1] =	stream.indirect.gather [hbm4b:s4+s17], $0x80, s3, s17, $0xb8;
	[tilespmem:$0x1F000] =	vst v63  }
0x27: {  	_ = 	snop  }
0x28: {  	[tilespmem:s19], [sflag:$0x2] =	stream.indirect.gather [hbm4b:s4+s17], $0x80, s17, s17, $0xb8;
	[tilespmem:$0x1F000] =	vst v63  }
0x29: {  	_ =	swait.ge [sflag:s20], $0x2800  }
0x2a: {  	[sflag:s20] =	ssyncset.done $0x0  }
0x2b: {  	[sflag:s20] =	ssyncadd.s32 $0xFFFFD800  }
0x2c: {  	[spmem:s2] =	stream.indirect.scatter.add.f32 [tilespmem:s18], [sflag:$0x3], $0x80, s13, s17, $0xb8;
	[tilespmem:$0x1F000] =	vst v63  }
0x2d: {  	_ =	swait.ge [sflag:s21], $0x2800  }
0x2e: {  	[sflag:s21] =	ssyncset.done $0x0  }
0x2f: {  	[sflag:s21] =	ssyncadd.s32 $0xFFFFD800  }
0x30: {  	[tilespmem:s18], [sflag:$0x1] =	stream.indirect.gather [hbm4b:s4+s17], $0x80, s22, s17, $0xb8;
	[tilespmem:$0x1F000] =	vst v63  }
0x31: {  	_ =	swait.ge [sflag:s23], $0x2800  }
0x32: {  	[sflag:s23] =	ssyncset.done $0x0  }
0x33: {  	[sflag:s23] =	ssyncadd.s32 $0xFFFFD800  }
0x34: {  	[spmem:s2] =	stream.indirect.scatter.add.f32 [tilespmem:s19], [sflag:$0x4], $0x80, s24, s17, $0xb8;
	[tilespmem:$0x1F000] =	vst v63  }
0x35: {  	_ =	swait.ge [sflag:s25], $0x2800  }
0x36: {  	[sflag:s25] =	ssyncset.done $0x0  }
0x37: {  	s29 =	simm.s32 $0xF0;
	[sflag:s25] =	ssyncadd.s32 $0xFFFFD800  }
0x38: {  	[tilespmem:s19], [sflag:$0x2] =	stream.indirect.gather [hbm4b:s4+s17], $0x80, s29, s17, $0xb8;
	[tilespmem:$0x1F000] =	vst v63  }
0x39: {  	_ =	swait.ge [sflag:s20], $0x2800  }
0x3a: {  	[sflag:s20] =	ssyncset.done $0x0  }
0x3b: {  	s29 =	simm.s32 $0x2880;
	[sflag:s20] =	ssyncadd.s32 $0xFFFFD800  }
0x3c: {  	[spmem:s2] =	stream.indirect.scatter.add.f32 [tilespmem:s18], [sflag:$0x3], $0x80, s29, s17, $0xb8;
	[tilespmem:$0x1F000] =	vst v63  }
0x3d: {  	_ =	swait.ge [sflag:s21], $0x2800  }
0x3e: {  	[sflag:s21] =	ssyncset.done $0x0  }
0x3f: {  	s29 =	simm.s32 $0x140;
	[sflag:s21] =	ssyncadd.s32 $0xFFFFD800  }
0x40: {  	[tilespmem:s18], [sflag:$0x1] =	stream.indirect.gather [hbm4b:s4+s17], $0x80, s29, s17, $0xb8;
	[tilespmem:$0x1F000] =	vst v63  }
0x41: {  	_ =	swait.ge [sflag:s23], $0x2800  }
0x42: {  	s31 =	simm.s32 $0x2900;
	[sflag:s23] =	ssyncset.done $0x0  }
0x43: {  	s30 =	simm.s32 $0x190;
	s29 =	simm.s32 $0xFFFF1000;
	[sflag:s23] =	ssyncadd.s32 $0xFFFFD800  }
.LBB2_2:
0x44: {  	[spmem:s2] =	stream.indirect.scatter.add.f32 [tilespmem:s19], [sflag:$0x4], $0x80, s31, s17, $0xb8;
	[tilespmem:$0x1F000] =	vst v63  }
0x45: {  	s31 =	smov.u32 s29  }
0x46: {  	p1 =	sne.s32 s29, $0xFFFFFC00;
	s29 =	sadd.s32 $0x400, s29;
	_ =	swait.ge [sflag:s25], $0x2800  }
0x47: {  	[sflag:s25] =	ssyncset.done $0x0  }
0x48: {  	[sflag:s25] =	ssyncadd.s32 $0xFFFFD800  }
0x49: {  	[tilespmem:s19], [sflag:$0x2] =	stream.indirect.gather [hbm4b:s4+s17], $0x80, s30, s17, $0xb8;
	[tilespmem:$0x1F000] =	vst v63  }
0x4a: {  	_ =	swait.ge [sflag:s20], $0x2800  }
0x4b: {  	s31 =	sshra.s32 s31, $0x2;
	[sflag:s20] =	ssyncset.done $0x0  }
0x4c: {  	s1 =	sadd.s32 $0x6580, s31;
	[sflag:s20] =	ssyncadd.s32 $0xFFFFD800  }
0x4d: {  	[spmem:s2] =	stream.indirect.scatter.add.f32 [tilespmem:s18], [sflag:$0x3], $0x80, s1, s17, $0xb8;
	[tilespmem:$0x1F000] =	vst v63  }
0x4e: {  	_ =	swait.ge [sflag:s21], $0x2800  }
0x4f: {  	[sflag:s21] =	ssyncset.done $0x0  }
.Ltmp0:
0x50: {  	s1 =	sadd.s32 $0x50, s30;
	[sflag:s21] =	ssyncadd.s32 $0xFFFFD800;
	(pc) =	sbr.rel @p1 .LBB2_2-.Ltmp0, $4  }
0x51: {  	[tilespmem:s18], [sflag:$0x1] =	stream.indirect.gather [hbm4b:s4+s17], $0x80, s1, s17, $0xb8;
	[tilespmem:$0x1F000] =	vst v63  }
0x52: {  	_ =	swait.ge [sflag:s23], $0x2800  }
0x53: {  	[sflag:s23] =	ssyncset.done $0x0  }
0x54: {  	s31 =	sadd.s32 $0x6600, s31;
	s30 =	sadd.s32 $0xA0, s30;
	[sflag:s23] =	ssyncadd.s32 $0xFFFFD800  }
0x55: {  	[spmem:s2] =	stream.indirect.scatter.add.f32 [tilespmem:s19], [sflag:$0x4], $0x80, s31, s17, $0xb8;
	[tilespmem:$0x1F000] =	vst v63  }
0x56: {  	_ =	swait.ge [sflag:s25], $0x2800  }
0x57: {  	[sflag:s25] =	ssyncset.done $0x0  }
0x58: {  	[sflag:s25] =	ssyncadd.s32 $0xFFFFD800  }
0x59: {  	_ =	swait.ge [sflag:s20], $0x2800  }
0x5a: {  	[sflag:s20] =	ssyncset.done $0x0  }
0x5b: {  	[sflag:s20] =	ssyncadd.s32 $0xFFFFD800  }
0x5c: {  	[spmem:s2] =	stream.indirect.scatter.add.f32 [tilespmem:s18], [sflag:$0x3], $0x80, s26, s17, $0xb8;
	[tilespmem:$0x1F000] =	vst v63  }
0x5d: {  	_ =	swait.ge [sflag:s21], $0x2800  }
0x5e: {  	[sflag:s21] =	ssyncset.done $0x0  }
0x5f: {  	[sflag:s21] =	ssyncadd.s32 $0xFFFFD800  }
0x60: {  	[bflag:$0x0] =	sbarrier.arrive $0xFFFF  }
0x61: {  	[hbm:s9], [sflag:s14] =	dma.local [spmem:s15], $0x2700  }
0x62: {  	s28 =	sadd.s32 $0x1, s28;
	_ =	swait.ge [sflag:s12], $0x2700  }
0x63: {  	p1 =	sne.s32 s28, s11;
	[sflag:s12] =	ssyncset.done $0x0  }
.Ltmp1:
0x64: {  	s1 =	simm.s32 @!p0 $0x5;
	[sflag:s12] =	ssyncadd.s32 $0xFFFFD900;
	(pc) =	sbr.rel @p1 .LBB2_1-.Ltmp1, $4  }
0x65: {  	[hbm:s10], [sflag:s14] =	dma.local @!p0 [spmem:s16], $0x100  }
0x66: {  	_ =	swait.ge @!p0 [sflag:s1], $0x100  }
0x67: {  	[sflag:s1] =	ssyncset.done @!p0 $0x0  }
0x68: {  	[sflag:s1] =	ssyncadd.s32 @!p0 $0xFFFFFF00  }
0x69: {  	_ =	sfence.sel $0x180000  }
0x6a: {  	[bflag:$0x0] =	sbarrier.arrive $0xFFFF  }
0x6b: {  	_ =	strace $0x90000053  }
0x6c: {  	[bflag:$0x2] =	sbarrier.arrive $0xFFFF  }
0x6d: {  	p0 =	sne.s32 s0, $0x0;
	s0 =	rddreg [dreg:$0x3]  }
0x6e: {  	s0 =	sadd.s32 @!p0 $0x100000, s0  }
0x6f: {  	[sflag:s0] =	ssyncadd.tile.s32 @!p0 $0x1;
	_ =	shalt  }
.Lfunc_end2:
_tile_overlayer_lowered:
.L_overlay_start_2:
0x70: {  	(tag) =	ssettag $0x2  }
0x71: {  	s0 =	rddreg [dreg:$0x0];
	s2 =	stileid.u32  }
0x72: {  	s1 =	rddreg [dreg:$0x1];
	p0 =	sne.s32 s2, $0x0  }
0x73: {  	s3 =	rddreg [dreg:$0x2];
	[bflag:$0x3] =	sbarrier.arrive $0xFFFF;
	s2 =	simm.s32 @!p0 $0x1C05  }
0x74: {  	[timem:s3], [sflag:s2] =	dma.local @!p0 [hbm:s0], s1  }
0x75: {  	s0 =	simm.s32 @!p0 $0x5  }
0x76: {  	_ =	swait.ge @!p0 [sflag:s0], s1  }
0x77: {  	s1 =	ssub.s32 @!p0 $0x0, s1;
	[sflag:s0] =	ssyncset.done @!p0 $0x0  }
0x78: {  	[sflag:s0] =	ssyncadd.s32 @!p0 s1  }
0x79: {  	[bflag:$0x3] =	sbarrier.arrive $0xFFFF  }
0x7a: {  	_ =	shalt  }

</sc_bundles>
